<compile_context>
chip_gen: v7x
topology: tpu7x:2x2x1
jax: 0.10.2.dev20260603
libtpu: 0.0.44.dev20260713+nightly
codegen_flags: <defaults>
</compile_context>

<pallas_src>
import functools

import jax
import jax.numpy as jnp
from jax import lax
from jax.experimental import pallas as pl
from jax.experimental.pallas import tpu as pltpu
from jax.experimental.pallas import tpu_sc as plsc

N = 800000
DIM = 64
SEGS = 50000

NC = 2
NS = 16
HALF = DIM // NC
UNIT = 128
UNITS = N // UNIT
T_MAX = -(-UNITS // NS)

SEG_BLK = 80
NBLK = SEGS // SEG_BLK
BLK_PER_SUB = -(-NBLK // NS)

_mesh = plsc.VectorSubcoreMesh(core_axis_name="c", subcore_axis_name="s")


@functools.partial(
    pl.kernel,
    out_type=jax.ShapeDtypeStruct((N, DIM), jnp.float32),
    mesh=_mesh,
    compiler_params=pltpu.CompilerParams(
        use_tc_tiling_on_sc=False, needs_layout_passes=False),
    scratch_types=[
        pltpu.VMEM((2, UNIT), jnp.int32),
        pltpu.VMEM((2, UNIT, HALF), jnp.float32),
        pltpu.VMEM((2, UNIT, HALF), jnp.float32),
        pltpu.VMEM((UNIT,), jnp.float32),
        pltpu.VMEM((SEG_BLK, HALF), jnp.float32),
        pltpu.VMEM((SEG_BLK,), jnp.float32),
        pltpu.VMEM_SHARED((SEGS, HALF), jnp.float32),
        pltpu.VMEM_SHARED((SEGS,), jnp.float32),
        pltpu.SemaphoreType.DMA,
        pltpu.SemaphoreType.DMA,
        pltpu.SemaphoreType.DMA,
        pltpu.SemaphoreType.DMA,
        pltpu.SemaphoreType.DMA,
        pltpu.SemaphoreType.DMA,
        pltpu.SemaphoreType.DMA,
        pltpu.SemaphoreType.DMA,
    ],
)
def _center_sc(noise_hbm, idx_hbm, out_hbm,
               idx_v, noise_v, mean_v, ones_v, sums_v, counts_v,
               sum_sh, cnt_sh, isem0, isem1, nsem0, nsem1, ssem0, ssem1,
               wsem0, wsem1):
    c = lax.axis_index("c")
    s = lax.axis_index("s")
    col0 = pl.multiple_of(c * HALF, HALF)
    isems = (isem0, isem1)
    nsems = (nsem0, nsem1)
    wsems = (wsem0, wsem1)
    ssems = (ssem0, ssem1)

    zeros16 = jnp.zeros((16,), jnp.float32)
    ones16 = jnp.ones((16,), jnp.float32)

    def unit_id(t):
        return s + t * NS

    def load_copies(t, sl):
        m = unit_id(t)
        row0 = pl.multiple_of(m * UNIT, UNIT)
        icopy = pltpu.make_async_copy(idx_hbm.at[m], idx_v.at[sl], isems[sl])
        ncopy = pltpu.make_async_copy(
            noise_hbm.at[pl.ds(row0, UNIT), pl.ds(col0, HALF)],
            noise_v.at[sl], nsems[sl])
        return icopy, ncopy

    def start_loads(t, sl):
        @pl.when(unit_id(t) < UNITS)
        def _():
            icopy, ncopy = load_copies(t, sl)
            icopy.start()
            ncopy.start()

    def wait_loads(t, sl):
        icopy, ncopy = load_copies(t, sl)
        icopy.wait()
        ncopy.wait()

    for i in range(UNIT // 16):
        ones_v[pl.ds(i * 16, 16)] = ones16

    def _zero_srow(r, _):
        for h in range(HALF // 16):
            sums_v[r, pl.ds(h * 16, 16)] = zeros16
        return 0
    lax.fori_loop(0, SEG_BLK, _zero_srow, 0)
    for g in range(SEG_BLK // 16):
        counts_v[pl.ds(g * 16, 16)] = zeros16

    def _zblk(j, _):
        b = s * BLK_PER_SUB + j

        @pl.when(b < NBLK)
        def _():
            base = pl.multiple_of(b * SEG_BLK, 8)
            pltpu.sync_copy(sums_v, sum_sh.at[pl.ds(base, SEG_BLK)])
            pltpu.sync_copy(counts_v, cnt_sh.at[pl.ds(base, SEG_BLK)])
        return 0
    lax.fori_loop(0, BLK_PER_SUB, _zblk, 0)

    plsc.subcore_barrier()

    start_loads(0, 0)
    start_loads(1, 1)

    def scat_copies(sl):
        a = pltpu.make_async_copy(
            noise_v.at[sl], sum_sh.at[idx_v.at[sl]], ssems[sl])
        b = pltpu.make_async_copy(
            ones_v, cnt_sh.at[idx_v.at[sl]], ssems[sl])
        return a, b

    def _p1(tt, _):
        for sl in (0, 1):
            t = 2 * tt + sl

            @pl.when(unit_id(t) < UNITS)
            def _():
                wait_loads(t, sl)
                a, b = scat_copies(sl)
                a.start(add=True)
                b.start(add=True)
        for sl in (0, 1):
            t = 2 * tt + sl

            @pl.when(unit_id(t) < UNITS)
            def _():
                a, b = scat_copies(sl)
                a.wait()
                b.wait()
            start_loads(t + 2, sl)
        return 0
    lax.fori_loop(0, (T_MAX + 1) // 2, _p1, 0)

    plsc.subcore_barrier()

    iota16 = lax.iota(jnp.int32, 16)

    def _nblk(j, _):
        b = s * BLK_PER_SUB + j

        @pl.when(b < NBLK)
        def _():
            base = pl.multiple_of(b * SEG_BLK, 8)
            sload = pltpu.make_async_copy(
                sum_sh.at[pl.ds(base, SEG_BLK)], sums_v, ssem0)
            cload = pltpu.make_async_copy(
                cnt_sh.at[pl.ds(base, SEG_BLK)], counts_v, ssem1)
            sload.start()
            cload.start()
            sload.wait()
            cload.wait()

            def _norm16(g, _):
                cnt = counts_v[pl.ds(g * 16, 16)]
                inv = 1.0 / jnp.maximum(cnt, 1.0)
                o_idx = g * 16 + iota16
                for col in range(HALF):
                    ci = jnp.full((16,), col, jnp.int32)
                    v = plsc.load_gather(sums_v, [o_idx, ci])
                    plsc.store_scatter(sums_v, [o_idx, ci], v * inv)
                return 0
            lax.fori_loop(0, SEG_BLK // 16, _norm16, 0)
            pltpu.sync_copy(sums_v, sum_sh.at[pl.ds(base, SEG_BLK)])
        return 0
    lax.fori_loop(0, BLK_PER_SUB, _nblk, 0)

    plsc.subcore_barrier()

    def out_copy(t, sl):
        m = unit_id(t)
        row0 = pl.multiple_of(m * UNIT, UNIT)
        return pltpu.make_async_copy(
            mean_v.at[sl],
            out_hbm.at[pl.ds(row0, UNIT), pl.ds(col0, HALF)], wsems[sl])

    start_loads(0, 0)
    start_loads(1, 1)

    def gather_copy(sl):
        return pltpu.make_async_copy(
            sum_sh.at[idx_v.at[sl]], mean_v.at[sl], ssems[sl])

    def _p3(tt, _):
        for sl in (0, 1):
            t = 2 * tt + sl
            m_prev = unit_id(t - 2)

            @pl.when(jnp.logical_and(0 <= m_prev, m_prev < UNITS))
            def _():
                out_copy(t - 2, sl).wait()

            @pl.when(unit_id(t) < UNITS)
            def _():
                wait_loads(t, sl)
                gather_copy(sl).start()
        for sl in (0, 1):
            t = 2 * tt + sl

            @pl.when(unit_id(t) < UNITS)
            def _():
                gather_copy(sl).wait()

                @plsc.parallel_loop(0, UNIT, 4, unroll=2)
                def _sub(r4):
                    for rr in range(4):
                        r = r4 + rr
                        for h in range(HALF // 16):
                            d = pl.ds(h * 16, 16)
                            mean_v[sl, r, d] = (
                                noise_v[sl, r, d] - mean_v[sl, r, d])

                out_copy(t, sl).start()
                start_loads(t + 2, sl)
        return 0
    lax.fori_loop(0, (T_MAX + 1) // 2 + 1, _p3, 0)


def kernel(noise, index):
    idx2d = index.astype(jnp.int32).reshape(N // UNIT, UNIT)
    return _center_sc(noise, idx2d)

# --- scband reference (transcript-rebuilt; emitter-appended) ---
"""Pipeline reference for scband-distribution-gaussian-33629593927943 (READ-ONLY COPY).

The authoritative reference and input builder live on the scoring server;
editing this copy changes nothing except your own understanding.
"""

import jax, jax.numpy as jnp
import numpy as np

N = 800000
DIM = 64
NUM_SEGMENTS = 50000
SCALE = 1.0

def setup_inputs(seed: int = 0) -> dict:
    key = jax.random.key(seed)
    k1, k2 = jax.random.split(key)
    noise = jax.random.normal(k1, (N, DIM), dtype=jnp.float32)
    index = jnp.sort(jax.random.randint(k2, (N,), 0, NUM_SEGMENTS, dtype=jnp.int64))
    return {"noise": noise, "index": index}

def scatter_center(sample, index):
    # subtract per-segment center of geometry (mean) from each row
    seg_sum = jax.ops.segment_sum(sample, index, num_segments=NUM_SEGMENTS)
    counts = jax.ops.segment_sum(jnp.ones((sample.shape[0],), dtype=sample.dtype), index, num_segments=NUM_SEGMENTS)
    counts = jnp.clip(counts, 1.0, None)
    seg_mean = seg_sum / counts[:, None]
    return sample - jnp.take(seg_mean, index, axis=0)

def reference(noise, index):
    # DistributionGaussian.sample: randn * scale, then zero center-of-geometry per segment.
    # The gaussian draw is materialized as the `noise` input for determinism.
    sample = noise * SCALE
    sample = scatter_center(sample, index)
    return sample

if __name__ == "__main__":
    import jax
    _d = setup_inputs()
    print(jax.jit(kernel)(*tuple(_d.values())))

</pallas_src>

<mosaic_0001>
#map = affine_map<(d0, d1) -> (0, 0)>
module attributes {stable_mosaic.version = 14 : i64} {
  func.func @_center_sc(%arg0: i32, %arg1: i32, %arg2: memref<800000x64xf32, #tpu.memory_space<hbm>>, %arg3: memref<6250x128xi32, #tpu.memory_space<hbm>>, %arg4: memref<800000x64xf32, #tpu.memory_space<hbm>>, %arg5: memref<2x128xi32, #tpu.memory_space<vmem>>, %arg6: memref<2x128x32xf32, #tpu.memory_space<vmem>>, %arg7: memref<2x128x32xf32, #tpu.memory_space<vmem>>, %arg8: memref<128xf32, #tpu.memory_space<vmem>>, %arg9: memref<80x32xf32, #tpu.memory_space<vmem>>, %arg10: memref<80xf32, #tpu.memory_space<vmem>>, %arg11: memref<50000x32xf32, #tpu.memory_space<vmem_shared>>, %arg12: memref<50000xf32, #tpu.memory_space<vmem_shared>>, %arg13: memref<!tpu.dma_semaphore, #tpu.memory_space<semaphore_mem>>, %arg14: memref<!tpu.dma_semaphore, #tpu.memory_space<semaphore_mem>>, %arg15: memref<!tpu.dma_semaphore, #tpu.memory_space<semaphore_mem>>, %arg16: memref<!tpu.dma_semaphore, #tpu.memory_space<semaphore_mem>>, %arg17: memref<!tpu.dma_semaphore, #tpu.memory_space<semaphore_mem>>, %arg18: memref<!tpu.dma_semaphore, #tpu.memory_space<semaphore_mem>>, %arg19: memref<!tpu.dma_semaphore, #tpu.memory_space<semaphore_mem>>, %arg20: memref<!tpu.dma_semaphore, #tpu.memory_space<semaphore_mem>>) attributes {dimension_semantics = [#tpu.dimension_semantics<core_parallel>, #tpu.dimension_semantics<subcore_parallel>], iteration_bounds = array<i64: 2, 16>, scalar_prefetch = 0 : i64, scratch_operands = 16 : i64, tpu.core_type = #tpu.core_type<sc_vector_subcore>, window_params = [{transform_indices = #map}, {transform_indices = #map}, {transform_indices = #map}]} {
    %mul3A = arith.constant 32 : i32
    %mul3A_0 = arith.muli %arg0, %mul3A : i32
    %multiple_of3A = tpu.assume_multiple %mul3A_0, 32 : i32
    %broadcast_in_dim3A = arith.constant 0.000000e+00 : f32
    %broadcast_in_dim3A_1 = vector.broadcast %broadcast_in_dim3A : f32 to vector<16xf32>
    %broadcast_in_dim3A_2 = arith.constant 1.000000e+00 : f32
    %broadcast_in_dim3A_3 = vector.broadcast %broadcast_in_dim3A_2 : f32 to vector<16xf32>
    %swap3A = arith.constant 0 : index
    %swap3A_4 = tpu.vector_load %arg8[%swap3A] {strides = array<i32>} : memref<128xf32, #tpu.memory_space<vmem>>, vector<16xf32>,
    tpu.vector_store %arg8[%swap3A], %broadcast_in_dim3A_3 {strides = array<i32>} : memref<128xf32, #tpu.memory_space<vmem>>, vector<16xf32>,
    %swap3A_5 = arith.constant 16 : index
    %swap3A_6 = tpu.vector_load %arg8[%swap3A_5] {strides = array<i32>} : memref<128xf32, #tpu.memory_space<vmem>>, vector<16xf32>,
    tpu.vector_store %arg8[%swap3A_5], %broadcast_in_dim3A_3 {strides = array<i32>} : memref<128xf32, #tpu.memory_space<vmem>>, vector<16xf32>,
    %swap3A_7 = arith.constant 32 : index
    %swap3A_8 = tpu.vector_load %arg8[%swap3A_7] {strides = array<i32>} : memref<128xf32, #tpu.memory_space<vmem>>, vector<16xf32>,
    tpu.vector_store %arg8[%swap3A_7], %broadcast_in_dim3A_3 {strides = array<i32>} : memref<128xf32, #tpu.memory_space<vmem>>, vector<16xf32>,
    %swap3A_9 = arith.constant 48 : index
    %swap3A_10 = tpu.vector_load %arg8[%swap3A_9] {strides = array<i32>} : memref<128xf32, #tpu.memory_space<vmem>>, vector<16xf32>,
    tpu.vector_store %arg8[%swap3A_9], %broadcast_in_dim3A_3 {strides = array<i32>} : memref<128xf32, #tpu.memory_space<vmem>>, vector<16xf32>,
    %swap3A_11 = arith.constant 64 : index
    %swap3A_12 = tpu.vector_load %arg8[%swap3A_11] {strides = array<i32>} : memref<128xf32, #tpu.memory_space<vmem>>, vector<16xf32>,
    tpu.vector_store %arg8[%swap3A_11], %broadcast_in_dim3A_3 {strides = array<i32>} : memref<128xf32, #tpu.memory_space<vmem>>, vector<16xf32>,
    %swap3A_13 = arith.constant 80 : index
    %swap3A_14 = tpu.vector_load %arg8[%swap3A_13] {strides = array<i32>} : memref<128xf32, #tpu.memory_space<vmem>>, vector<16xf32>,
    tpu.vector_store %arg8[%swap3A_13], %broadcast_in_dim3A_3 {strides = array<i32>} : memref<128xf32, #tpu.memory_space<vmem>>, vector<16xf32>,
    %swap3A_15 = arith.constant 96 : index
    %swap3A_16 = tpu.vector_load %arg8[%swap3A_15] {strides = array<i32>} : memref<128xf32, #tpu.memory_space<vmem>>, vector<16xf32>,
    tpu.vector_store %arg8[%swap3A_15], %broadcast_in_dim3A_3 {strides = array<i32>} : memref<128xf32, #tpu.memory_space<vmem>>, vector<16xf32>,
    %swap3A_17 = arith.constant 112 : index
    %swap3A_18 = tpu.vector_load %arg8[%swap3A_17] {strides = array<i32>} : memref<128xf32, #tpu.memory_space<vmem>>, vector<16xf32>,
    tpu.vector_store %arg8[%swap3A_17], %broadcast_in_dim3A_3 {strides = array<i32>} : memref<128xf32, #tpu.memory_space<vmem>>, vector<16xf32>,
    %scan3A = arith.constant 0 : i32
    %scan3A_19 = arith.constant 0 : i32
    %scan3A_20 = arith.constant 80 : i32
    %scan3A_21 = arith.addi %scan3A_19, %scan3A_20 : i32
    %scan3A_22 = arith.constant 1 : i32
    %scan3A_23 = scf.for %scan3A_89 = %scan3A_19 to %scan3A_21 step %scan3A_22 iter_args(%scan3A_90 = %scan3A) -> (i32)  : i32 {
      %swap3A_91 = arith.index_cast %scan3A_89 : i32 to index
      %swap3A_92 = arith.constant 0 : index
      %swap3A_93 = tpu.vector_load %arg9[%swap3A_91, %swap3A_92] {strides = array<i32>} : memref<80x32xf32, #tpu.memory_space<vmem>>, vector<16xf32>,
      tpu.vector_store %arg9[%swap3A_91, %swap3A_92], %broadcast_in_dim3A_1 {strides = array<i32>} : memref<80x32xf32, #tpu.memory_space<vmem>>, vector<16xf32>,
      %swap3A_94 = arith.index_cast %scan3A_89 : i32 to index
      %swap3A_95 = arith.constant 16 : index
      %swap3A_96 = tpu.vector_load %arg9[%swap3A_94, %swap3A_95] {strides = array<i32>} : memref<80x32xf32, #tpu.memory_space<vmem>>, vector<16xf32>,
      tpu.vector_store %arg9[%swap3A_94, %swap3A_95], %broadcast_in_dim3A_1 {strides = array<i32>} : memref<80x32xf32, #tpu.memory_space<vmem>>, vector<16xf32>,
      %scan3A_97 = arith.constant 0 : i32
      scf.yield %scan3A_97 : i32
    }
    %scan3A_24 = arith.constant 80 : i32
    %swap3A_25 = arith.constant 0 : index
    %swap3A_26 = tpu.vector_load %arg10[%swap3A_25] {strides = array<i32>} : memref<80xf32, #tpu.memory_space<vmem>>, vector<16xf32>,
    tpu.vector_store %arg10[%swap3A_25], %broadcast_in_dim3A_1 {strides = array<i32>} : memref<80xf32, #tpu.memory_space<vmem>>, vector<16xf32>,
    %swap3A_27 = arith.constant 16 : index
    %swap3A_28 = tpu.vector_load %arg10[%swap3A_27] {strides = array<i32>} : memref<80xf32, #tpu.memory_space<vmem>>, vector<16xf32>,
    tpu.vector_store %arg10[%swap3A_27], %broadcast_in_dim3A_1 {strides = array<i32>} : memref<80xf32, #tpu.memory_space<vmem>>, vector<16xf32>,
    %swap3A_29 = arith.constant 32 : index
    %swap3A_30 = tpu.vector_load %arg10[%swap3A_29] {strides = array<i32>} : memref<80xf32, #tpu.memory_space<vmem>>, vector<16xf32>,
    tpu.vector_store %arg10[%swap3A_29], %broadcast_in_dim3A_1 {strides = array<i32>} : memref<80xf32, #tpu.memory_space<vmem>>, vector<16xf32>,
    %swap3A_31 = arith.constant 48 : index
    %swap3A_32 = tpu.vector_load %arg10[%swap3A_31] {strides = array<i32>} : memref<80xf32, #tpu.memory_space<vmem>>, vector<16xf32>,
    tpu.vector_store %arg10[%swap3A_31], %broadcast_in_dim3A_1 {strides = array<i32>} : memref<80xf32, #tpu.memory_space<vmem>>, vector<16xf32>,
    %swap3A_33 = arith.constant 64 : index
    %swap3A_34 = tpu.vector_load %arg10[%swap3A_33] {strides = array<i32>} : memref<80xf32, #tpu.memory_space<vmem>>, vector<16xf32>,
    tpu.vector_store %arg10[%swap3A_33], %broadcast_in_dim3A_1 {strides = array<i32>} : memref<80xf32, #tpu.memory_space<vmem>>, vector<16xf32>,
    %scan3A_35 = arith.constant 0 : i32
    %scan3A_36 = arith.constant 0 : i32
    %scan3A_37 = arith.constant 40 : i32
    %scan3A_38 = arith.addi %scan3A_36, %scan3A_37 : i32
    %scan3A_39 = arith.constant 1 : i32
    %scan3A_40 = scf.for %scan3A_89 = %scan3A_36 to %scan3A_38 step %scan3A_39 iter_args(%scan3A_90 = %scan3A_35) -> (i32)  : i32 {
      %mul3A_91 = arith.constant 40 : i32
      %mul3A_92 = arith.muli %arg1, %mul3A_91 : i32
      %add3A_93 = arith.addi %mul3A_92, %scan3A_89 : i32
      %lt3A_94 = arith.constant 625 : i32
      %lt3A_95 = arith.cmpi slt, %add3A_93, %lt3A_94 : i32
      %convert_element_type3A_96 = arith.extui %lt3A_95 : i1 to i32
      %cond3A_97 = arith.constant 0 : i32
      %cond3A_98 = arith.cmpi ne, %convert_element_type3A_96, %cond3A_97 : i32
      scf.if %cond3A_98 {
        %mul3A_100 = arith.constant 80 : i32
        %mul3A_101 = arith.muli %add3A_93, %mul3A_100 : i32
        %multiple_of3A_102 = tpu.assume_multiple %mul3A_101, 8 : i32
        "tpu.region"() ({
          %run_scoped3A = tpu.sem_alloc : memref<!tpu.dma_semaphore, #tpu.memory_space<semaphore_mem>>
          %dma_start3A = arith.constant 0 : i32
          %dma_start3A_103 = tpu.memref_slice %arg11[%multiple_of3A_102, %dma_start3A] : memref<50000x32xf32, #tpu.memory_space<vmem_shared>> -> memref<80x32xf32, #tpu.memory_space<vmem_shared>>
          %dma_start3A_104 = arith.constant 0 : i32
          %dma_start3A_105 = tpu.memref_slice %arg11[%multiple_of3A_102, %dma_start3A_104] : memref<50000x32xf32, #tpu.memory_space<vmem_shared>> -> memref<80x32xf32, #tpu.memory_space<vmem_shared>>
          tpu.enqueue_dma source(%arg9 : memref<80x32xf32, #tpu.memory_space<vmem>>) target(%dma_start3A_105 : memref<80x32xf32, #tpu.memory_space<vmem_shared>>) target_semaphore(%run_scoped3A : memref<!tpu.dma_semaphore, #tpu.memory_space<semaphore_mem>>)
          %dma_wait3A = arith.constant 0 : i32
          %dma_wait3A_106 = tpu.memref_slice %arg11[%multiple_of3A_102, %dma_wait3A] : memref<50000x32xf32, #tpu.memory_space<vmem_shared>> -> memref<80x32xf32, #tpu.memory_space<vmem_shared>>
          %dma_wait3A_107 = arith.constant 0 : i32
          %dma_wait3A_108 = tpu.memref_slice %arg11[%multiple_of3A_102, %dma_wait3A_107] : memref<50000x32xf32, #tpu.memory_space<vmem_shared>> -> memref<80x32xf32, #tpu.memory_space<vmem_shared>>
          tpu.wait_dma2 semaphore(%run_scoped3A : memref<!tpu.dma_semaphore, #tpu.memory_space<semaphore_mem>>) src(%arg9 : memref<80x32xf32, #tpu.memory_space<vmem>>) dst(%dma_wait3A_108 : memref<80x32xf32, #tpu.memory_space<vmem_shared>>)
          tpu.yield
        }) : () -> ()
        "tpu.region"() ({
          %run_scoped3A = tpu.sem_alloc : memref<!tpu.dma_semaphore, #tpu.memory_space<semaphore_mem>>
          %dma_start3A = tpu.memref_slice %arg12[%multiple_of3A_102] : memref<50000xf32, #tpu.memory_space<vmem_shared>> -> memref<80xf32, #tpu.memory_space<vmem_shared>>
          %dma_start3A_103 = tpu.memref_slice %arg12[%multiple_of3A_102] : memref<50000xf32, #tpu.memory_space<vmem_shared>> -> memref<80xf32, #tpu.memory_space<vmem_shared>>
          tpu.enqueue_dma source(%arg10 : memref<80xf32, #tpu.memory_space<vmem>>) target(%dma_start3A_103 : memref<80xf32, #tpu.memory_space<vmem_shared>>) target_semaphore(%run_scoped3A : memref<!tpu.dma_semaphore, #tpu.memory_space<semaphore_mem>>)
          %dma_wait3A = tpu.memref_slice %arg12[%multiple_of3A_102] : memref<50000xf32, #tpu.memory_space<vmem_shared>> -> memref<80xf32, #tpu.memory_space<vmem_shared>>
          %dma_wait3A_104 = tpu.memref_slice %arg12[%multiple_of3A_102] : memref<50000xf32, #tpu.memory_space<vmem_shared>> -> memref<80xf32, #tpu.memory_space<vmem_shared>>
          tpu.wait_dma2 semaphore(%run_scoped3A : memref<!tpu.dma_semaphore, #tpu.memory_space<semaphore_mem>>) src(%arg10 : memref<80xf32, #tpu.memory_space<vmem>>) dst(%dma_wait3A_104 : memref<80xf32, #tpu.memory_space<vmem_shared>>)
          tpu.yield
        }) : () -> ()
      } else {
      }
      %scan3A_99 = arith.constant 0 : i32
      scf.yield %scan3A_99 : i32
    }
    %scan3A_41 = arith.constant 40 : i32
    %barrier3A = arith.constant 0 : index
    tpu.barrier barrier_id(%barrier3A)
    %add3A = arith.constant 0 : i32
    %add3A_42 = arith.addi %arg1, %add3A : i32
    %lt3A = arith.constant 6250 : i32
    %lt3A_43 = arith.cmpi slt, %add3A_42, %lt3A : i32
    %convert_element_type3A = arith.extui %lt3A_43 : i1 to i32
    %cond3A = arith.constant 0 : i32
    %cond3A_44 = arith.cmpi ne, %convert_element_type3A, %cond3A : i32
    scf.if %cond3A_44 {
      %add3A_89 = arith.constant 0 : i32
      %add3A_90 = arith.addi %arg1, %add3A_89 : i32
      %mul3A_91 = arith.constant 128 : i32
      %mul3A_92 = arith.muli %add3A_90, %mul3A_91 : i32
      %multiple_of3A_93 = tpu.assume_multiple %mul3A_92, 128 : i32
      %dma_start3A = arith.constant 0 : i32
      %dma_start3A_94 = arith.constant 0 : i32
      %dma_start3A_95 = tpu.memref_slice %arg5[%dma_start3A, %dma_start3A_94] : memref<2x128xi32, #tpu.memory_space<vmem>> -> memref<1x128xi32, #tpu.memory_space<vmem>>
      %dma_start3A_96 = tpu.memref_squeeze %dma_start3A_95 : memref<1x128xi32, #tpu.memory_space<vmem>> -> memref<128xi32, #tpu.memory_space<vmem>>
      %dma_start3A_97 = arith.constant 0 : i32
      %dma_start3A_98 = tpu.memref_slice %arg3[%add3A_90, %dma_start3A_97] : memref<6250x128xi32, #tpu.memory_space<hbm>> -> memref<1x128xi32, #tpu.memory_space<hbm>>
      %dma_start3A_99 = tpu.memref_squeeze %dma_start3A_98 : memref<1x128xi32, #tpu.memory_space<hbm>> -> memref<128xi32, #tpu.memory_space<hbm>>
      %dma_start3A_100 = arith.constant 0 : i32
      %dma_start3A_101 = tpu.memref_slice %arg5[%dma_start3A, %dma_start3A_100] : memref<2x128xi32, #tpu.memory_space<vmem>> -> memref<1x128xi32, #tpu.memory_space<vmem>>
      %dma_start3A_102 = tpu.memref_squeeze %dma_start3A_101 : memref<1x128xi32, #tpu.memory_space<vmem>> -> memref<128xi32, #tpu.memory_space<vmem>>
      %dma_start3A_103 = arith.constant 0 : i32
      %dma_start3A_104 = tpu.memref_slice %arg3[%add3A_90, %dma_start3A_103] : memref<6250x128xi32, #tpu.memory_space<hbm>> -> memref<1x128xi32, #tpu.memory_space<hbm>>
      %dma_start3A_105 = tpu.memref_squeeze %dma_start3A_104 : memref<1x128xi32, #tpu.memory_space<hbm>> -> memref<128xi32, #tpu.memory_space<hbm>>
      tpu.enqueue_dma source(%dma_start3A_105 : memref<128xi32, #tpu.memory_space<hbm>>) target(%dma_start3A_102 : memref<128xi32, #tpu.memory_space<vmem>>) target_semaphore(%arg13 : memref<!tpu.dma_semaphore, #tpu.memory_space<semaphore_mem>>)
      %dma_start3A_106 = arith.constant 0 : i32
      %dma_start3A_107 = arith.constant 0 : i32
      %dma_start3A_108 = arith.constant 0 : i32
      %dma_start3A_109 = tpu.memref_slice %arg6[%dma_start3A_106, %dma_start3A_107, %dma_start3A_108] : memref<2x128x32xf32, #tpu.memory_space<vmem>> -> memref<1x128x32xf32, #tpu.memory_space<vmem>>
      %dma_start3A_110 = tpu.memref_squeeze %dma_start3A_109 : memref<1x128x32xf32, #tpu.memory_space<vmem>> -> memref<128x32xf32, #tpu.memory_space<vmem>>
      %dma_start3A_111 = tpu.memref_slice %arg2[%multiple_of3A_93, %multiple_of3A] : memref<800000x64xf32, #tpu.memory_space<hbm>> -> memref<128x32xf32, #tpu.memory_space<hbm>>
      %dma_start3A_112 = arith.constant 0 : i32
      %dma_start3A_113 = arith.constant 0 : i32
      %dma_start3A_114 = tpu.memref_slice %arg6[%dma_start3A_106, %dma_start3A_112, %dma_start3A_113] : memref<2x128x32xf32, #tpu.memory_space<vmem>> -> memref<1x128x32xf32, #tpu.memory_space<vmem>>
      %dma_start3A_115 = tpu.memref_squeeze %dma_start3A_114 : memref<1x128x32xf32, #tpu.memory_space<vmem>> -> memref<128x32xf32, #tpu.memory_space<vmem>>
      %dma_start3A_116 = tpu.memref_slice %arg2[%multiple_of3A_93, %multiple_of3A] : memref<800000x64xf32, #tpu.memory_space<hbm>> -> memref<128x32xf32, #tpu.memory_space<hbm>>
      tpu.enqueue_dma source(%dma_start3A_116 : memref<128x32xf32, #tpu.memory_space<hbm>>) target(%dma_start3A_115 : memref<128x32xf32, #tpu.memory_space<vmem>>) target_semaphore(%arg15 : memref<!tpu.dma_semaphore, #tpu.memory_space<semaphore_mem>>)
    } else {
    }
    %add3A_45 = arith.constant 16 : i32
    %add3A_46 = arith.addi %arg1, %add3A_45 : i32
    %lt3A_47 = arith.constant 6250 : i32
    %lt3A_48 = arith.cmpi slt, %add3A_46, %lt3A_47 : i32
    %convert_element_type3A_49 = arith.extui %lt3A_48 : i1 to i32
    %cond3A_50 = arith.constant 0 : i32
    %cond3A_51 = arith.cmpi ne, %convert_element_type3A_49, %cond3A_50 : i32
    scf.if %cond3A_51 {
      %add3A_89 = arith.constant 16 : i32
      %add3A_90 = arith.addi %arg1, %add3A_89 : i32
      %mul3A_91 = arith.constant 128 : i32
      %mul3A_92 = arith.muli %add3A_90, %mul3A_91 : i32
      %multiple_of3A_93 = tpu.assume_multiple %mul3A_92, 128 : i32
      %dma_start3A = arith.constant 1 : i32
      %dma_start3A_94 = arith.constant 0 : i32
      %dma_start3A_95 = tpu.memref_slice %arg5[%dma_start3A, %dma_start3A_94] : memref<2x128xi32, #tpu.memory_space<vmem>> -> memref<1x128xi32, #tpu.memory_space<vmem>>
      %dma_start3A_96 = tpu.memref_squeeze %dma_start3A_95 : memref<1x128xi32, #tpu.memory_space<vmem>> -> memref<128xi32, #tpu.memory_space<vmem>>
      %dma_start3A_97 = arith.constant 0 : i32
      %dma_start3A_98 = tpu.memref_slice %arg3[%add3A_90, %dma_start3A_97] : memref<6250x128xi32, #tpu.memory_space<hbm>> -> memref<1x128xi32, #tpu.memory_space<hbm>>
      %dma_start3A_99 = tpu.memref_squeeze %dma_start3A_98 : memref<1x128xi32, #tpu.memory_space<hbm>> -> memref<128xi32, #tpu.memory_space<hbm>>
      %dma_start3A_100 = arith.constant 0 : i32
      %dma_start3A_101 = tpu.memref_slice %arg5[%dma_start3A, %dma_start3A_100] : memref<2x128xi32, #tpu.memory_space<vmem>> -> memref<1x128xi32, #tpu.memory_space<vmem>>
      %dma_start3A_102 = tpu.memref_squeeze %dma_start3A_101 : memref<1x128xi32, #tpu.memory_space<vmem>> -> memref<128xi32, #tpu.memory_space<vmem>>
      %dma_start3A_103 = arith.constant 0 : i32
      %dma_start3A_104 = tpu.memref_slice %arg3[%add3A_90, %dma_start3A_103] : memref<6250x128xi32, #tpu.memory_space<hbm>> -> memref<1x128xi32, #tpu.memory_space<hbm>>
      %dma_start3A_105 = tpu.memref_squeeze %dma_start3A_104 : memref<1x128xi32, #tpu.memory_space<hbm>> -> memref<128xi32, #tpu.memory_space<hbm>>
      tpu.enqueue_dma source(%dma_start3A_105 : memref<128xi32, #tpu.memory_space<hbm>>) target(%dma_start3A_102 : memref<128xi32, #tpu.memory_space<vmem>>) target_semaphore(%arg14 : memref<!tpu.dma_semaphore, #tpu.memory_space<semaphore_mem>>)
      %dma_start3A_106 = arith.constant 1 : i32
      %dma_start3A_107 = arith.constant 0 : i32
      %dma_start3A_108 = arith.constant 0 : i32
      %dma_start3A_109 = tpu.memref_slice %arg6[%dma_start3A_106, %dma_start3A_107, %dma_start3A_108] : memref<2x128x32xf32, #tpu.memory_space<vmem>> -> memref<1x128x32xf32, #tpu.memory_space<vmem>>
      %dma_start3A_110 = tpu.memref_squeeze %dma_start3A_109 : memref<1x128x32xf32, #tpu.memory_space<vmem>> -> memref<128x32xf32, #tpu.memory_space<vmem>>
      %dma_start3A_111 = tpu.memref_slice %arg2[%multiple_of3A_93, %multiple_of3A] : memref<800000x64xf32, #tpu.memory_space<hbm>> -> memref<128x32xf32, #tpu.memory_space<hbm>>
      %dma_start3A_112 = arith.constant 0 : i32
      %dma_start3A_113 = arith.constant 0 : i32
      %dma_start3A_114 = tpu.memref_slice %arg6[%dma_start3A_106, %dma_start3A_112, %dma_start3A_113] : memref<2x128x32xf32, #tpu.memory_space<vmem>> -> memref<1x128x32xf32, #tpu.memory_space<vmem>>
      %dma_start3A_115 = tpu.memref_squeeze %dma_start3A_114 : memref<1x128x32xf32, #tpu.memory_space<vmem>> -> memref<128x32xf32, #tpu.memory_space<vmem>>
      %dma_start3A_116 = tpu.memref_slice %arg2[%multiple_of3A_93, %multiple_of3A] : memref<800000x64xf32, #tpu.memory_space<hbm>> -> memref<128x32xf32, #tpu.memory_space<hbm>>
      tpu.enqueue_dma source(%dma_start3A_116 : memref<128x32xf32, #tpu.memory_space<hbm>>) target(%dma_start3A_115 : memref<128x32xf32, #tpu.memory_space<vmem>>) target_semaphore(%arg16 : memref<!tpu.dma_semaphore, #tpu.memory_space<semaphore_mem>>)
    } else {
    }
    %scan3A_52 = arith.constant 0 : i32
    %scan3A_53 = arith.constant 0 : i32
    %scan3A_54 = arith.constant 196 : i32
    %scan3A_55 = arith.addi %scan3A_53, %scan3A_54 : i32
    %scan3A_56 = arith.constant 1 : i32
    %scan3A_57 = scf.for %scan3A_89 = %scan3A_53 to %scan3A_55 step %scan3A_56 iter_args(%scan3A_90 = %scan3A_52) -> (i32)  : i32 {
      %mul3A_91 = arith.constant 2 : i32
      %mul3A_92 = arith.muli %mul3A_91, %scan3A_89 : i32
      %add3A_93 = arith.constant 0 : i32
      %add3A_94 = arith.addi %mul3A_92, %add3A_93 : i32
      %mul3A_95 = arith.constant 16 : i32
      %mul3A_96 = arith.muli %add3A_94, %mul3A_95 : i32
      %add3A_97 = arith.addi %arg1, %mul3A_96 : i32
      %lt3A_98 = arith.constant 6250 : i32
      %lt3A_99 = arith.cmpi slt, %add3A_97, %lt3A_98 : i32
      %convert_element_type3A_100 = arith.extui %lt3A_99 : i1 to i32
      %cond3A_101 = arith.constant 0 : i32
      %cond3A_102 = arith.cmpi ne, %convert_element_type3A_100, %cond3A_101 : i32
      scf.if %cond3A_102 {
        %mul3A_160 = arith.constant 16 : i32
        %mul3A_161 = arith.muli %add3A_94, %mul3A_160 : i32
        %add3A_162 = arith.addi %arg1, %mul3A_161 : i32
        %mul3A_163 = arith.constant 128 : i32
        %mul3A_164 = arith.muli %add3A_162, %mul3A_163 : i32
        %multiple_of3A_165 = tpu.assume_multiple %mul3A_164, 128 : i32
        %dma_wait3A = arith.constant 0 : i32
        %dma_wait3A_166 = arith.constant 0 : i32
        %dma_wait3A_167 = tpu.memref_slice %arg5[%dma_wait3A, %dma_wait3A_166] : memref<2x128xi32, #tpu.memory_space<vmem>> -> memref<1x128xi32, #tpu.memory_space<vmem>>
        %dma_wait3A_168 = tpu.memref_squeeze %dma_wait3A_167 : memref<1x128xi32, #tpu.memory_space<vmem>> -> memref<128xi32, #tpu.memory_space<vmem>>
        %dma_wait3A_169 = arith.constant 0 : i32
        %dma_wait3A_170 = tpu.memref_slice %arg3[%add3A_162, %dma_wait3A_169] : memref<6250x128xi32, #tpu.memory_space<hbm>> -> memref<1x128xi32, #tpu.memory_space<hbm>>
        %dma_wait3A_171 = tpu.memref_squeeze %dma_wait3A_170 : memref<1x128xi32, #tpu.memory_space<hbm>> -> memref<128xi32, #tpu.memory_space<hbm>>
        %dma_wait3A_172 = arith.constant 0 : i32
        %dma_wait3A_173 = tpu.memref_slice %arg5[%dma_wait3A, %dma_wait3A_172] : memref<2x128xi32, #tpu.memory_space<vmem>> -> memref<1x128xi32, #tpu.memory_space<vmem>>
        %dma_wait3A_174 = tpu.memref_squeeze %dma_wait3A_173 : memref<1x128xi32, #tpu.memory_space<vmem>> -> memref<128xi32, #tpu.memory_space<vmem>>
        %dma_wait3A_175 = arith.constant 0 : i32
        %dma_wait3A_176 = tpu.memref_slice %arg3[%add3A_162, %dma_wait3A_175] : memref<6250x128xi32, #tpu.memory_space<hbm>> -> memref<1x128xi32, #tpu.memory_space<hbm>>
        %dma_wait3A_177 = tpu.memref_squeeze %dma_wait3A_176 : memref<1x128xi32, #tpu.memory_space<hbm>> -> memref<128xi32, #tpu.memory_space<hbm>>
        tpu.wait_dma2 semaphore(%arg13 : memref<!tpu.dma_semaphore, #tpu.memory_space<semaphore_mem>>) src(%dma_wait3A_177 : memref<128xi32, #tpu.memory_space<hbm>>) dst(%dma_wait3A_174 : memref<128xi32, #tpu.memory_space<vmem>>)
        %dma_wait3A_178 = arith.constant 0 : i32
        %dma_wait3A_179 = arith.constant 0 : i32
        %dma_wait3A_180 = arith.constant 0 : i32
        %dma_wait3A_181 = tpu.memref_slice %arg6[%dma_wait3A_178, %dma_wait3A_179, %dma_wait3A_180] : memref<2x128x32xf32, #tpu.memory_space<vmem>> -> memref<1x128x32xf32, #tpu.memory_space<vmem>>
        %dma_wait3A_182 = tpu.memref_squeeze %dma_wait3A_181 : memref<1x128x32xf32, #tpu.memory_space<vmem>> -> memref<128x32xf32, #tpu.memory_space<vmem>>
        %dma_wait3A_183 = tpu.memref_slice %arg2[%multiple_of3A_165, %multiple_of3A] : memref<800000x64xf32, #tpu.memory_space<hbm>> -> memref<128x32xf32, #tpu.memory_space<hbm>>
        %dma_wait3A_184 = arith.constant 0 : i32
        %dma_wait3A_185 = arith.constant 0 : i32
        %dma_wait3A_186 = tpu.memref_slice %arg6[%dma_wait3A_178, %dma_wait3A_184, %dma_wait3A_185] : memref<2x128x32xf32, #tpu.memory_space<vmem>> -> memref<1x128x32xf32, #tpu.memory_space<vmem>>
        %dma_wait3A_187 = tpu.memref_squeeze %dma_wait3A_186 : memref<1x128x32xf32, #tpu.memory_space<vmem>> -> memref<128x32xf32, #tpu.memory_space<vmem>>
        %dma_wait3A_188 = tpu.memref_slice %arg2[%multiple_of3A_165, %multiple_of3A] : memref<800000x64xf32, #tpu.memory_space<hbm>> -> memref<128x32xf32, #tpu.memory_space<hbm>>
        tpu.wait_dma2 semaphore(%arg15 : memref<!tpu.dma_semaphore, #tpu.memory_space<semaphore_mem>>) src(%dma_wait3A_188 : memref<128x32xf32, #tpu.memory_space<hbm>>) dst(%dma_wait3A_187 : memref<128x32xf32, #tpu.memory_space<vmem>>)
        %dma_start3A = arith.constant 0 : i32
        %dma_start3A_189 = arith.constant 0 : i32
        %dma_start3A_190 = arith.constant 0 : i32
        %dma_start3A_191 = arith.constant 0 : i32
        %dma_start3A_192 = tpu.memref_slice %arg6[%dma_start3A, %dma_start3A_190, %dma_start3A_191] : memref<2x128x32xf32, #tpu.memory_space<vmem>> -> memref<1x128x32xf32, #tpu.memory_space<vmem>>
        %dma_start3A_193 = tpu.memref_squeeze %dma_start3A_192 : memref<1x128x32xf32, #tpu.memory_space<vmem>> -> memref<128x32xf32, #tpu.memory_space<vmem>>
        %dma_start3A_194 = arith.constant 0 : i32
        %dma_start3A_195 = tpu.memref_slice %arg5[%dma_start3A_189, %dma_start3A_194] : memref<2x128xi32, #tpu.memory_space<vmem>> -> memref<1x128xi32, #tpu.memory_space<vmem>>
        %dma_start3A_196 = tpu.memref_squeeze %dma_start3A_195 : memref<1x128xi32, #tpu.memory_space<vmem>> -> memref<128xi32, #tpu.memory_space<vmem>>
        %dma_start3A_197 = arith.constant 0 : i32
        %dma_start3A_198 = arith.constant 0 : i32
        %dma_start3A_199 = tpu.memref_slice %arg11[%dma_start3A_197, %dma_start3A_198] : memref<50000x32xf32, #tpu.memory_space<vmem_shared>> -> memref<50000x32xf32, #tpu.memory_space<vmem_shared>>
        tpu.enqueue_indirect_dma source(%dma_start3A_193 : memref<128x32xf32, #tpu.memory_space<vmem>>) target(%dma_start3A_199 : memref<50000x32xf32, #tpu.memory_space<vmem_shared>>) offsets(%dma_start3A_196 : memref<128xi32, #tpu.memory_space<vmem>>) semaphore(%arg17 : memref<!tpu.dma_semaphore, #tpu.memory_space<semaphore_mem>>) {add = true}
        %dma_start3A_200 = arith.constant 0 : i32
        %dma_start3A_201 = arith.constant 0 : i32
        %dma_start3A_202 = tpu.memref_slice %arg5[%dma_start3A_200, %dma_start3A_201] : memref<2x128xi32, #tpu.memory_space<vmem>> -> memref<1x128xi32, #tpu.memory_space<vmem>>
        %dma_start3A_203 = tpu.memref_squeeze %dma_start3A_202 : memref<1x128xi32, #tpu.memory_space<vmem>> -> memref<128xi32, #tpu.memory_space<vmem>>
        %dma_start3A_204 = arith.constant 0 : i32
        %dma_start3A_205 = tpu.memref_slice %arg12[%dma_start3A_204] : memref<50000xf32, #tpu.memory_space<vmem_shared>> -> memref<50000xf32, #tpu.memory_space<vmem_shared>>
        tpu.enqueue_indirect_dma source(%arg8 : memref<128xf32, #tpu.memory_space<vmem>>) target(%dma_start3A_205 : memref<50000xf32, #tpu.memory_space<vmem_shared>>) offsets(%dma_start3A_203 : memref<128xi32, #tpu.memory_space<vmem>>) semaphore(%arg17 : memref<!tpu.dma_semaphore, #tpu.memory_space<semaphore_mem>>) {add = true}
      } else {
      }
      %mul3A_103 = arith.constant 2 : i32
      %mul3A_104 = arith.muli %mul3A_103, %scan3A_89 : i32
      %add3A_105 = arith.constant 1 : i32
      %add3A_106 = arith.addi %mul3A_104, %add3A_105 : i32
      %mul3A_107 = arith.constant 16 : i32
      %mul3A_108 = arith.muli %add3A_106, %mul3A_107 : i32
      %add3A_109 = arith.addi %arg1, %mul3A_108 : i32
      %lt3A_110 = arith.constant 6250 : i32
      %lt3A_111 = arith.cmpi slt, %add3A_109, %lt3A_110 : i32
      %convert_element_type3A_112 = arith.extui %lt3A_111 : i1 to i32
      %cond3A_113 = arith.constant 0 : i32
      %cond3A_114 = arith.cmpi ne, %convert_element_type3A_112, %cond3A_113 : i32
      scf.if %cond3A_114 {
        %mul3A_160 = arith.constant 16 : i32
        %mul3A_161 = arith.muli %add3A_106, %mul3A_160 : i32
        %add3A_162 = arith.addi %arg1, %mul3A_161 : i32
        %mul3A_163 = arith.constant 128 : i32
        %mul3A_164 = arith.muli %add3A_162, %mul3A_163 : i32
        %multiple_of3A_165 = tpu.assume_multiple %mul3A_164, 128 : i32
        %dma_wait3A = arith.constant 1 : i32
        %dma_wait3A_166 = arith.constant 0 : i32
        %dma_wait3A_167 = tpu.memref_slice %arg5[%dma_wait3A, %dma_wait3A_166] : memref<2x128xi32, #tpu.memory_space<vmem>> -> memref<1x128xi32, #tpu.memory_space<vmem>>
        %dma_wait3A_168 = tpu.memref_squeeze %dma_wait3A_167 : memref<1x128xi32, #tpu.memory_space<vmem>> -> memref<128xi32, #tpu.memory_space<vmem>>
        %dma_wait3A_169 = arith.constant 0 : i32
        %dma_wait3A_170 = tpu.memref_slice %arg3[%add3A_162, %dma_wait3A_169] : memref<6250x128xi32, #tpu.memory_space<hbm>> -> memref<1x128xi32, #tpu.memory_space<hbm>>
        %dma_wait3A_171 = tpu.memref_squeeze %dma_wait3A_170 : memref<1x128xi32, #tpu.memory_space<hbm>> -> memref<128xi32, #tpu.memory_space<hbm>>
        %dma_wait3A_172 = arith.constant 0 : i32
        %dma_wait3A_173 = tpu.memref_slice %arg5[%dma_wait3A, %dma_wait3A_172] : memref<2x128xi32, #tpu.memory_space<vmem>> -> memref<1x128xi32, #tpu.memory_space<vmem>>
        %dma_wait3A_174 = tpu.memref_squeeze %dma_wait3A_173 : memref<1x128xi32, #tpu.memory_space<vmem>> -> memref<128xi32, #tpu.memory_space<vmem>>
        %dma_wait3A_175 = arith.constant 0 : i32
        %dma_wait3A_176 = tpu.memref_slice %arg3[%add3A_162, %dma_wait3A_175] : memref<6250x128xi32, #tpu.memory_space<hbm>> -> memref<1x128xi32, #tpu.memory_space<hbm>>
        %dma_wait3A_177 = tpu.memref_squeeze %dma_wait3A_176 : memref<1x128xi32, #tpu.memory_space<hbm>> -> memref<128xi32, #tpu.memory_space<hbm>>
        tpu.wait_dma2 semaphore(%arg14 : memref<!tpu.dma_semaphore, #tpu.memory_space<semaphore_mem>>) src(%dma_wait3A_177 : memref<128xi32, #tpu.memory_space<hbm>>) dst(%dma_wait3A_174 : memref<128xi32, #tpu.memory_space<vmem>>)
        %dma_wait3A_178 = arith.constant 1 : i32
        %dma_wait3A_179 = arith.constant 0 : i32
        %dma_wait3A_180 = arith.constant 0 : i32
        %dma_wait3A_181 = tpu.memref_slice %arg6[%dma_wait3A_178, %dma_wait3A_179, %dma_wait3A_180] : memref<2x128x32xf32, #tpu.memory_space<vmem>> -> memref<1x128x32xf32, #tpu.memory_space<vmem>>
        %dma_wait3A_182 = tpu.memref_squeeze %dma_wait3A_181 : memref<1x128x32xf32, #tpu.memory_space<vmem>> -> memref<128x32xf32, #tpu.memory_space<vmem>>
        %dma_wait3A_183 = tpu.memref_slice %arg2[%multiple_of3A_165, %multiple_of3A] : memref<800000x64xf32, #tpu.memory_space<hbm>> -> memref<128x32xf32, #tpu.memory_space<hbm>>
        %dma_wait3A_184 = arith.constant 0 : i32
        %dma_wait3A_185 = arith.constant 0 : i32
        %dma_wait3A_186 = tpu.memref_slice %arg6[%dma_wait3A_178, %dma_wait3A_184, %dma_wait3A_185] : memref<2x128x32xf32, #tpu.memory_space<vmem>> -> memref<1x128x32xf32, #tpu.memory_space<vmem>>
        %dma_wait3A_187 = tpu.memref_squeeze %dma_wait3A_186 : memref<1x128x32xf32, #tpu.memory_space<vmem>> -> memref<128x32xf32, #tpu.memory_space<vmem>>
        %dma_wait3A_188 = tpu.memref_slice %arg2[%multiple_of3A_165, %multiple_of3A] : memref<800000x64xf32, #tpu.memory_space<hbm>> -> memref<128x32xf32, #tpu.memory_space<hbm>>
        tpu.wait_dma2 semaphore(%arg16 : memref<!tpu.dma_semaphore, #tpu.memory_space<semaphore_mem>>) src(%dma_wait3A_188 : memref<128x32xf32, #tpu.memory_space<hbm>>) dst(%dma_wait3A_187 : memref<128x32xf32, #tpu.memory_space<vmem>>)
        %dma_start3A = arith.constant 1 : i32
        %dma_start3A_189 = arith.constant 1 : i32
        %dma_start3A_190 = arith.constant 0 : i32
        %dma_start3A_191 = arith.constant 0 : i32
        %dma_start3A_192 = tpu.memref_slice %arg6[%dma_start3A, %dma_start3A_190, %dma_start3A_191] : memref<2x128x32xf32, #tpu.memory_space<vmem>> -> memref<1x128x32xf32, #tpu.memory_space<vmem>>
        %dma_start3A_193 = tpu.memref_squeeze %dma_start3A_192 : memref<1x128x32xf32, #tpu.memory_space<vmem>> -> memref<128x32xf32, #tpu.memory_space<vmem>>
        %dma_start3A_194 = arith.constant 0 : i32
        %dma_start3A_195 = tpu.memref_slice %arg5[%dma_start3A_189, %dma_start3A_194] : memref<2x128xi32, #tpu.memory_space<vmem>> -> memref<1x128xi32, #tpu.memory_space<vmem>>
        %dma_start3A_196 = tpu.memref_squeeze %dma_start3A_195 : memref<1x128xi32, #tpu.memory_space<vmem>> -> memref<128xi32, #tpu.memory_space<vmem>>
        %dma_start3A_197 = arith.constant 0 : i32
        %dma_start3A_198 = arith.constant 0 : i32
        %dma_start3A_199 = tpu.memref_slice %arg11[%dma_start3A_197, %dma_start3A_198] : memref<50000x32xf32, #tpu.memory_space<vmem_shared>> -> memref<50000x32xf32, #tpu.memory_space<vmem_shared>>
        tpu.enqueue_indirect_dma source(%dma_start3A_193 : memref<128x32xf32, #tpu.memory_space<vmem>>) target(%dma_start3A_199 : memref<50000x32xf32, #tpu.memory_space<vmem_shared>>) offsets(%dma_start3A_196 : memref<128xi32, #tpu.memory_space<vmem>>) semaphore(%arg18 : memref<!tpu.dma_semaphore, #tpu.memory_space<semaphore_mem>>) {add = true}
        %dma_start3A_200 = arith.constant 1 : i32
        %dma_start3A_201 = arith.constant 0 : i32
        %dma_start3A_202 = tpu.memref_slice %arg5[%dma_start3A_200, %dma_start3A_201] : memref<2x128xi32, #tpu.memory_space<vmem>> -> memref<1x128xi32, #tpu.memory_space<vmem>>
        %dma_start3A_203 = tpu.memref_squeeze %dma_start3A_202 : memref<1x128xi32, #tpu.memory_space<vmem>> -> memref<128xi32, #tpu.memory_space<vmem>>
        %dma_start3A_204 = arith.constant 0 : i32
        %dma_start3A_205 = tpu.memref_slice %arg12[%dma_start3A_204] : memref<50000xf32, #tpu.memory_space<vmem_shared>> -> memref<50000xf32, #tpu.memory_space<vmem_shared>>
        tpu.enqueue_indirect_dma source(%arg8 : memref<128xf32, #tpu.memory_space<vmem>>) target(%dma_start3A_205 : memref<50000xf32, #tpu.memory_space<vmem_shared>>) offsets(%dma_start3A_203 : memref<128xi32, #tpu.memory_space<vmem>>) semaphore(%arg18 : memref<!tpu.dma_semaphore, #tpu.memory_space<semaphore_mem>>) {add = true}
      } else {
      }
      %mul3A_115 = arith.constant 2 : i32
      %mul3A_116 = arith.muli %mul3A_115, %scan3A_89 : i32
      %add3A_117 = arith.constant 0 : i32
      %add3A_118 = arith.addi %mul3A_116, %add3A_117 : i32
      %mul3A_119 = arith.constant 16 : i32
      %mul3A_120 = arith.muli %add3A_118, %mul3A_119 : i32
      %add3A_121 = arith.addi %arg1, %mul3A_120 : i32
      %lt3A_122 = arith.constant 6250 : i32
      %lt3A_123 = arith.cmpi slt, %add3A_121, %lt3A_122 : i32
      %convert_element_type3A_124 = arith.extui %lt3A_123 : i1 to i32
      %cond3A_125 = arith.constant 0 : i32
      %cond3A_126 = arith.cmpi ne, %convert_element_type3A_124, %cond3A_125 : i32
      scf.if %cond3A_126 {
        %dma_wait3A = arith.constant 0 : i32
        %dma_wait3A_160 = arith.constant 0 : i32
        %dma_wait3A_161 = arith.constant 0 : i32
        %dma_wait3A_162 = arith.constant 0 : i32
        %dma_wait3A_163 = tpu.memref_slice %arg6[%dma_wait3A, %dma_wait3A_161, %dma_wait3A_162] : memref<2x128x32xf32, #tpu.memory_space<vmem>> -> memref<1x128x32xf32, #tpu.memory_space<vmem>>
        %dma_wait3A_164 = tpu.memref_squeeze %dma_wait3A_163 : memref<1x128x32xf32, #tpu.memory_space<vmem>> -> memref<128x32xf32, #tpu.memory_space<vmem>>
        %dma_wait3A_165 = arith.constant 0 : i32
        %dma_wait3A_166 = tpu.memref_slice %arg5[%dma_wait3A_160, %dma_wait3A_165] : memref<2x128xi32, #tpu.memory_space<vmem>> -> memref<1x128xi32, #tpu.memory_space<vmem>>
        %dma_wait3A_167 = tpu.memref_squeeze %dma_wait3A_166 : memref<1x128xi32, #tpu.memory_space<vmem>> -> memref<128xi32, #tpu.memory_space<vmem>>
        %dma_wait3A_168 = arith.constant 0 : i32
        %dma_wait3A_169 = arith.constant 0 : i32
        %dma_wait3A_170 = tpu.memref_slice %arg11[%dma_wait3A_168, %dma_wait3A_169] : memref<50000x32xf32, #tpu.memory_space<vmem_shared>> -> memref<50000x32xf32, #tpu.memory_space<vmem_shared>>
        tpu.wait_indirect_dma semaphore(%arg17 : memref<!tpu.dma_semaphore, #tpu.memory_space<semaphore_mem>>) src(%dma_wait3A_164 : memref<128x32xf32, #tpu.memory_space<vmem>>) dst(%dma_wait3A_170 : memref<50000x32xf32, #tpu.memory_space<vmem_shared>>)
        %dma_wait3A_171 = arith.constant 0 : i32
        %dma_wait3A_172 = arith.constant 0 : i32
        %dma_wait3A_173 = tpu.memref_slice %arg5[%dma_wait3A_171, %dma_wait3A_172] : memref<2x128xi32, #tpu.memory_space<vmem>> -> memref<1x128xi32, #tpu.memory_space<vmem>>
        %dma_wait3A_174 = tpu.memref_squeeze %dma_wait3A_173 : memref<1x128xi32, #tpu.memory_space<vmem>> -> memref<128xi32, #tpu.memory_space<vmem>>
        %dma_wait3A_175 = arith.constant 0 : i32
        %dma_wait3A_176 = tpu.memref_slice %arg12[%dma_wait3A_175] : memref<50000xf32, #tpu.memory_space<vmem_shared>> -> memref<50000xf32, #tpu.memory_space<vmem_shared>>
        tpu.wait_indirect_dma semaphore(%arg17 : memref<!tpu.dma_semaphore, #tpu.memory_space<semaphore_mem>>) src(%arg8 : memref<128xf32, #tpu.memory_space<vmem>>) dst(%dma_wait3A_176 : memref<50000xf32, #tpu.memory_space<vmem_shared>>)
      } else {
      }
      %add3A_127 = arith.constant 2 : i32
      %add3A_128 = arith.addi %add3A_118, %add3A_127 : i32
      %mul3A_129 = arith.constant 16 : i32
      %mul3A_130 = arith.muli %add3A_128, %mul3A_129 : i32
      %add3A_131 = arith.addi %arg1, %mul3A_130 : i32
      %lt3A_132 = arith.constant 6250 : i32
      %lt3A_133 = arith.cmpi slt, %add3A_131, %lt3A_132 : i32
      %convert_element_type3A_134 = arith.extui %lt3A_133 : i1 to i32
      %cond3A_135 = arith.constant 0 : i32
      %cond3A_136 = arith.cmpi ne, %convert_element_type3A_134, %cond3A_135 : i32
      scf.if %cond3A_136 {
        %mul3A_160 = arith.constant 16 : i32
        %mul3A_161 = arith.muli %add3A_128, %mul3A_160 : i32
        %add3A_162 = arith.addi %arg1, %mul3A_161 : i32
        %mul3A_163 = arith.constant 128 : i32
        %mul3A_164 = arith.muli %add3A_162, %mul3A_163 : i32
        %multiple_of3A_165 = tpu.assume_multiple %mul3A_164, 128 : i32
        %dma_start3A = arith.constant 0 : i32
        %dma_start3A_166 = arith.constant 0 : i32
        %dma_start3A_167 = tpu.memref_slice %arg5[%dma_start3A, %dma_start3A_166] : memref<2x128xi32, #tpu.memory_space<vmem>> -> memref<1x128xi32, #tpu.memory_space<vmem>>
        %dma_start3A_168 = tpu.memref_squeeze %dma_start3A_167 : memref<1x128xi32, #tpu.memory_space<vmem>> -> memref<128xi32, #tpu.memory_space<vmem>>
        %dma_start3A_169 = arith.constant 0 : i32
        %dma_start3A_170 = tpu.memref_slice %arg3[%add3A_162, %dma_start3A_169] : memref<6250x128xi32, #tpu.memory_space<hbm>> -> memref<1x128xi32, #tpu.memory_space<hbm>>
        %dma_start3A_171 = tpu.memref_squeeze %dma_start3A_170 : memref<1x128xi32, #tpu.memory_space<hbm>> -> memref<128xi32, #tpu.memory_space<hbm>>
        %dma_start3A_172 = arith.constant 0 : i32
        %dma_start3A_173 = tpu.memref_slice %arg5[%dma_start3A, %dma_start3A_172] : memref<2x128xi32, #tpu.memory_space<vmem>> -> memref<1x128xi32, #tpu.memory_space<vmem>>
        %dma_start3A_174 = tpu.memref_squeeze %dma_start3A_173 : memref<1x128xi32, #tpu.memory_space<vmem>> -> memref<128xi32, #tpu.memory_space<vmem>>
        %dma_start3A_175 = arith.constant 0 : i32
        %dma_start3A_176 = tpu.memref_slice %arg3[%add3A_162, %dma_start3A_175] : memref<6250x128xi32, #tpu.memory_space<hbm>> -> memref<1x128xi32, #tpu.memory_space<hbm>>
        %dma_start3A_177 = tpu.memref_squeeze %dma_start3A_176 : memref<1x128xi32, #tpu.memory_space<hbm>> -> memref<128xi32, #tpu.memory_space<hbm>>
        tpu.enqueue_dma source(%dma_start3A_177 : memref<128xi32, #tpu.memory_space<hbm>>) target(%dma_start3A_174 : memref<128xi32, #tpu.memory_space<vmem>>) target_semaphore(%arg13 : memref<!tpu.dma_semaphore, #tpu.memory_space<semaphore_mem>>)
        %dma_start3A_178 = arith.constant 0 : i32
        %dma_start3A_179 = arith.constant 0 : i32
        %dma_start3A_180 = arith.constant 0 : i32
        %dma_start3A_181 = tpu.memref_slice %arg6[%dma_start3A_178, %dma_start3A_179, %dma_start3A_180] : memref<2x128x32xf32, #tpu.memory_space<vmem>> -> memref<1x128x32xf32, #tpu.memory_space<vmem>>
        %dma_start3A_182 = tpu.memref_squeeze %dma_start3A_181 : memref<1x128x32xf32, #tpu.memory_space<vmem>> -> memref<128x32xf32, #tpu.memory_space<vmem>>
        %dma_start3A_183 = tpu.memref_slice %arg2[%multiple_of3A_165, %multiple_of3A] : memref<800000x64xf32, #tpu.memory_space<hbm>> -> memref<128x32xf32, #tpu.memory_space<hbm>>
        %dma_start3A_184 = arith.constant 0 : i32
        %dma_start3A_185 = arith.constant 0 : i32
        %dma_start3A_186 = tpu.memref_slice %arg6[%dma_start3A_178, %dma_start3A_184, %dma_start3A_185] : memref<2x128x32xf32, #tpu.memory_space<vmem>> -> memref<1x128x32xf32, #tpu.memory_space<vmem>>
        %dma_start3A_187 = tpu.memref_squeeze %dma_start3A_186 : memref<1x128x32xf32, #tpu.memory_space<vmem>> -> memref<128x32xf32, #tpu.memory_space<vmem>>
        %dma_start3A_188 = tpu.memref_slice %arg2[%multiple_of3A_165, %multiple_of3A] : memref<800000x64xf32, #tpu.memory_space<hbm>> -> memref<128x32xf32, #tpu.memory_space<hbm>>
        tpu.enqueue_dma source(%dma_start3A_188 : memref<128x32xf32, #tpu.memory_space<hbm>>) target(%dma_start3A_187 : memref<128x32xf32, #tpu.memory_space<vmem>>) target_semaphore(%arg15 : memref<!tpu.dma_semaphore, #tpu.memory_space<semaphore_mem>>)
      } else {
      }
      %mul3A_137 = arith.constant 2 : i32
      %mul3A_138 = arith.muli %mul3A_137, %scan3A_89 : i32
      %add3A_139 = arith.constant 1 : i32
      %add3A_140 = arith.addi %mul3A_138, %add3A_139 : i32
      %mul3A_141 = arith.constant 16 : i32
      %mul3A_142 = arith.muli %add3A_140, %mul3A_141 : i32
      %add3A_143 = arith.addi %arg1, %mul3A_142 : i32
      %lt3A_144 = arith.constant 6250 : i32
      %lt3A_145 = arith.cmpi slt, %add3A_143, %lt3A_144 : i32
      %convert_element_type3A_146 = arith.extui %lt3A_145 : i1 to i32
      %cond3A_147 = arith.constant 0 : i32
      %cond3A_148 = arith.cmpi ne, %convert_element_type3A_146, %cond3A_147 : i32
      scf.if %cond3A_148 {
        %dma_wait3A = arith.constant 1 : i32
        %dma_wait3A_160 = arith.constant 1 : i32
        %dma_wait3A_161 = arith.constant 0 : i32
        %dma_wait3A_162 = arith.constant 0 : i32
        %dma_wait3A_163 = tpu.memref_slice %arg6[%dma_wait3A, %dma_wait3A_161, %dma_wait3A_162] : memref<2x128x32xf32, #tpu.memory_space<vmem>> -> memref<1x128x32xf32, #tpu.memory_space<vmem>>
        %dma_wait3A_164 = tpu.memref_squeeze %dma_wait3A_163 : memref<1x128x32xf32, #tpu.memory_space<vmem>> -> memref<128x32xf32, #tpu.memory_space<vmem>>
        %dma_wait3A_165 = arith.constant 0 : i32
        %dma_wait3A_166 = tpu.memref_slice %arg5[%dma_wait3A_160, %dma_wait3A_165] : memref<2x128xi32, #tpu.memory_space<vmem>> -> memref<1x128xi32, #tpu.memory_space<vmem>>
        %dma_wait3A_167 = tpu.memref_squeeze %dma_wait3A_166 : memref<1x128xi32, #tpu.memory_space<vmem>> -> memref<128xi32, #tpu.memory_space<vmem>>
        %dma_wait3A_168 = arith.constant 0 : i32
        %dma_wait3A_169 = arith.constant 0 : i32
        %dma_wait3A_170 = tpu.memref_slice %arg11[%dma_wait3A_168, %dma_wait3A_169] : memref<50000x32xf32, #tpu.memory_space<vmem_shared>> -> memref<50000x32xf32, #tpu.memory_space<vmem_shared>>
        tpu.wait_indirect_dma semaphore(%arg18 : memref<!tpu.dma_semaphore, #tpu.memory_space<semaphore_mem>>) src(%dma_wait3A_164 : memref<128x32xf32, #tpu.memory_space<vmem>>) dst(%dma_wait3A_170 : memref<50000x32xf32, #tpu.memory_space<vmem_shared>>)
        %dma_wait3A_171 = arith.constant 1 : i32
        %dma_wait3A_172 = arith.constant 0 : i32
        %dma_wait3A_173 = tpu.memref_slice %arg5[%dma_wait3A_171, %dma_wait3A_172] : memref<2x128xi32, #tpu.memory_space<vmem>> -> memref<1x128xi32, #tpu.memory_space<vmem>>
        %dma_wait3A_174 = tpu.memref_squeeze %dma_wait3A_173 : memref<1x128xi32, #tpu.memory_space<vmem>> -> memref<128xi32, #tpu.memory_space<vmem>>
        %dma_wait3A_175 = arith.constant 0 : i32
        %dma_wait3A_176 = tpu.memref_slice %arg12[%dma_wait3A_175] : memref<50000xf32, #tpu.memory_space<vmem_shared>> -> memref<50000xf32, #tpu.memory_space<vmem_shared>>
        tpu.wait_indirect_dma semaphore(%arg18 : memref<!tpu.dma_semaphore, #tpu.memory_space<semaphore_mem>>) src(%arg8 : memref<128xf32, #tpu.memory_space<vmem>>) dst(%dma_wait3A_176 : memref<50000xf32, #tpu.memory_space<vmem_shared>>)
      } else {
      }
      %add3A_149 = arith.constant 2 : i32
      %add3A_150 = arith.addi %add3A_140, %add3A_149 : i32
      %mul3A_151 = arith.constant 16 : i32
      %mul3A_152 = arith.muli %add3A_150, %mul3A_151 : i32
      %add3A_153 = arith.addi %arg1, %mul3A_152 : i32
      %lt3A_154 = arith.constant 6250 : i32
      %lt3A_155 = arith.cmpi slt, %add3A_153, %lt3A_154 : i32
      %convert_element_type3A_156 = arith.extui %lt3A_155 : i1 to i32
      %cond3A_157 = arith.constant 0 : i32
      %cond3A_158 = arith.cmpi ne, %convert_element_type3A_156, %cond3A_157 : i32
      scf.if %cond3A_158 {
        %mul3A_160 = arith.constant 16 : i32
        %mul3A_161 = arith.muli %add3A_150, %mul3A_160 : i32
        %add3A_162 = arith.addi %arg1, %mul3A_161 : i32
        %mul3A_163 = arith.constant 128 : i32
        %mul3A_164 = arith.muli %add3A_162, %mul3A_163 : i32
        %multiple_of3A_165 = tpu.assume_multiple %mul3A_164, 128 : i32
        %dma_start3A = arith.constant 1 : i32
        %dma_start3A_166 = arith.constant 0 : i32
        %dma_start3A_167 = tpu.memref_slice %arg5[%dma_start3A, %dma_start3A_166] : memref<2x128xi32, #tpu.memory_space<vmem>> -> memref<1x128xi32, #tpu.memory_space<vmem>>
        %dma_start3A_168 = tpu.memref_squeeze %dma_start3A_167 : memref<1x128xi32, #tpu.memory_space<vmem>> -> memref<128xi32, #tpu.memory_space<vmem>>
        %dma_start3A_169 = arith.constant 0 : i32
        %dma_start3A_170 = tpu.memref_slice %arg3[%add3A_162, %dma_start3A_169] : memref<6250x128xi32, #tpu.memory_space<hbm>> -> memref<1x128xi32, #tpu.memory_space<hbm>>
        %dma_start3A_171 = tpu.memref_squeeze %dma_start3A_170 : memref<1x128xi32, #tpu.memory_space<hbm>> -> memref<128xi32, #tpu.memory_space<hbm>>
        %dma_start3A_172 = arith.constant 0 : i32
        %dma_start3A_173 = tpu.memref_slice %arg5[%dma_start3A, %dma_start3A_172] : memref<2x128xi32, #tpu.memory_space<vmem>> -> memref<1x128xi32, #tpu.memory_space<vmem>>
        %dma_start3A_174 = tpu.memref_squeeze %dma_start3A_173 : memref<1x128xi32, #tpu.memory_space<vmem>> -> memref<128xi32, #tpu.memory_space<vmem>>
        %dma_start3A_175 = arith.constant 0 : i32
        %dma_start3A_176 = tpu.memref_slice %arg3[%add3A_162, %dma_start3A_175] : memref<6250x128xi32, #tpu.memory_space<hbm>> -> memref<1x128xi32, #tpu.memory_space<hbm>>
        %dma_start3A_177 = tpu.memref_squeeze %dma_start3A_176 : memref<1x128xi32, #tpu.memory_space<hbm>> -> memref<128xi32, #tpu.memory_space<hbm>>
        tpu.enqueue_dma source(%dma_start3A_177 : memref<128xi32, #tpu.memory_space<hbm>>) target(%dma_start3A_174 : memref<128xi32, #tpu.memory_space<vmem>>) target_semaphore(%arg14 : memref<!tpu.dma_semaphore, #tpu.memory_space<semaphore_mem>>)
        %dma_start3A_178 = arith.constant 1 : i32
        %dma_start3A_179 = arith.constant 0 : i32
        %dma_start3A_180 = arith.constant 0 : i32
        %dma_start3A_181 = tpu.memref_slice %arg6[%dma_start3A_178, %dma_start3A_179, %dma_start3A_180] : memref<2x128x32xf32, #tpu.memory_space<vmem>> -> memref<1x128x32xf32, #tpu.memory_space<vmem>>
        %dma_start3A_182 = tpu.memref_squeeze %dma_start3A_181 : memref<1x128x32xf32, #tpu.memory_space<vmem>> -> memref<128x32xf32, #tpu.memory_space<vmem>>
        %dma_start3A_183 = tpu.memref_slice %arg2[%multiple_of3A_165, %multiple_of3A] : memref<800000x64xf32, #tpu.memory_space<hbm>> -> memref<128x32xf32, #tpu.memory_space<hbm>>
        %dma_start3A_184 = arith.constant 0 : i32
        %dma_start3A_185 = arith.constant 0 : i32
        %dma_start3A_186 = tpu.memref_slice %arg6[%dma_start3A_178, %dma_start3A_184, %dma_start3A_185] : memref<2x128x32xf32, #tpu.memory_space<vmem>> -> memref<1x128x32xf32, #tpu.memory_space<vmem>>
        %dma_start3A_187 = tpu.memref_squeeze %dma_start3A_186 : memref<1x128x32xf32, #tpu.memory_space<vmem>> -> memref<128x32xf32, #tpu.memory_space<vmem>>
        %dma_start3A_188 = tpu.memref_slice %arg2[%multiple_of3A_165, %multiple_of3A] : memref<800000x64xf32, #tpu.memory_space<hbm>> -> memref<128x32xf32, #tpu.memory_space<hbm>>
        tpu.enqueue_dma source(%dma_start3A_188 : memref<128x32xf32, #tpu.memory_space<hbm>>) target(%dma_start3A_187 : memref<128x32xf32, #tpu.memory_space<vmem>>) target_semaphore(%arg16 : memref<!tpu.dma_semaphore, #tpu.memory_space<semaphore_mem>>)
      } else {
      }
      %scan3A_159 = arith.constant 0 : i32
      scf.yield %scan3A_159 : i32
    }
    %scan3A_58 = arith.constant 196 : i32
    %barrier3A_59 = arith.constant 0 : index
    tpu.barrier barrier_id(%barrier3A_59)
    %iota3A = tpu.iota {dimensions = array<i32: 0>} : vector<16xi32>
    %scan3A_60 = arith.constant 0 : i32
    %scan3A_61 = arith.constant 0 : i32
    %scan3A_62 = arith.constant 40 : i32
    %scan3A_63 = arith.addi %scan3A_61, %scan3A_62 : i32
    %scan3A_64 = arith.constant 1 : i32
    %scan3A_65 = scf.for %scan3A_89 = %scan3A_61 to %scan3A_63 step %scan3A_64 iter_args(%scan3A_90 = %scan3A_60) -> (i32)  : i32 {
      %mul3A_91 = arith.constant 40 : i32
      %mul3A_92 = arith.muli %arg1, %mul3A_91 : i32
      %add3A_93 = arith.addi %mul3A_92, %scan3A_89 : i32
      %lt3A_94 = arith.constant 625 : i32
      %lt3A_95 = arith.cmpi slt, %add3A_93, %lt3A_94 : i32
      %convert_element_type3A_96 = arith.extui %lt3A_95 : i1 to i32
      %cond3A_97 = arith.constant 0 : i32
      %cond3A_98 = arith.cmpi ne, %convert_element_type3A_96, %cond3A_97 : i32
      scf.if %cond3A_98 {
        %mul3A_100 = arith.constant 80 : i32
        %mul3A_101 = arith.muli %add3A_93, %mul3A_100 : i32
        %multiple_of3A_102 = tpu.assume_multiple %mul3A_101, 8 : i32
        %dma_start3A = arith.constant 0 : i32
        %dma_start3A_103 = tpu.memref_slice %arg11[%multiple_of3A_102, %dma_start3A] : memref<50000x32xf32, #tpu.memory_space<vmem_shared>> -> memref<80x32xf32, #tpu.memory_space<vmem_shared>>
        %dma_start3A_104 = arith.constant 0 : i32
        %dma_start3A_105 = tpu.memref_slice %arg11[%multiple_of3A_102, %dma_start3A_104] : memref<50000x32xf32, #tpu.memory_space<vmem_shared>> -> memref<80x32xf32, #tpu.memory_space<vmem_shared>>
        tpu.enqueue_dma source(%dma_start3A_105 : memref<80x32xf32, #tpu.memory_space<vmem_shared>>) target(%arg9 : memref<80x32xf32, #tpu.memory_space<vmem>>) target_semaphore(%arg17 : memref<!tpu.dma_semaphore, #tpu.memory_space<semaphore_mem>>)
        %dma_start3A_106 = tpu.memref_slice %arg12[%multiple_of3A_102] : memref<50000xf32, #tpu.memory_space<vmem_shared>> -> memref<80xf32, #tpu.memory_space<vmem_shared>>
        %dma_start3A_107 = tpu.memref_slice %arg12[%multiple_of3A_102] : memref<50000xf32, #tpu.memory_space<vmem_shared>> -> memref<80xf32, #tpu.memory_space<vmem_shared>>
        tpu.enqueue_dma source(%dma_start3A_107 : memref<80xf32, #tpu.memory_space<vmem_shared>>) target(%arg10 : memref<80xf32, #tpu.memory_space<vmem>>) target_semaphore(%arg18 : memref<!tpu.dma_semaphore, #tpu.memory_space<semaphore_mem>>)
        %dma_wait3A = arith.constant 0 : i32
        %dma_wait3A_108 = tpu.memref_slice %arg11[%multiple_of3A_102, %dma_wait3A] : memref<50000x32xf32, #tpu.memory_space<vmem_shared>> -> memref<80x32xf32, #tpu.memory_space<vmem_shared>>
        %dma_wait3A_109 = arith.constant 0 : i32
        %dma_wait3A_110 = tpu.memref_slice %arg11[%multiple_of3A_102, %dma_wait3A_109] : memref<50000x32xf32, #tpu.memory_space<vmem_shared>> -> memref<80x32xf32, #tpu.memory_space<vmem_shared>>
        tpu.wait_dma2 semaphore(%arg17 : memref<!tpu.dma_semaphore, #tpu.memory_space<semaphore_mem>>) src(%dma_wait3A_110 : memref<80x32xf32, #tpu.memory_space<vmem_shared>>) dst(%arg9 : memref<80x32xf32, #tpu.memory_space<vmem>>)
        %dma_wait3A_111 = tpu.memref_slice %arg12[%multiple_of3A_102] : memref<50000xf32, #tpu.memory_space<vmem_shared>> -> memref<80xf32, #tpu.memory_space<vmem_shared>>
        %dma_wait3A_112 = tpu.memref_slice %arg12[%multiple_of3A_102] : memref<50000xf32, #tpu.memory_space<vmem_shared>> -> memref<80xf32, #tpu.memory_space<vmem_shared>>
        tpu.wait_dma2 semaphore(%arg18 : memref<!tpu.dma_semaphore, #tpu.memory_space<semaphore_mem>>) src(%dma_wait3A_112 : memref<80xf32, #tpu.memory_space<vmem_shared>>) dst(%arg10 : memref<80xf32, #tpu.memory_space<vmem>>)
        %scan3A_113 = arith.constant 0 : i32
        %scan3A_114 = arith.constant 0 : i32
        %scan3A_115 = arith.constant 5 : i32
        %scan3A_116 = arith.addi %scan3A_114, %scan3A_115 : i32
        %scan3A_117 = arith.constant 1 : i32
        %scan3A_118 = scf.for %scan3A_120 = %scan3A_114 to %scan3A_116 step %scan3A_117 iter_args(%scan3A_121 = %scan3A_113) -> (i32)  : i32 {
          %mul3A_122 = arith.constant 16 : i32
          %mul3A_123 = arith.muli %scan3A_120, %mul3A_122 : i32
          %get3A = arith.index_cast %mul3A_123 : i32 to index
          %get3A_124 = tpu.vector_load %arg10[%get3A] {strides = array<i32>} : memref<80xf32, #tpu.memory_space<vmem>>, vector<16xf32>,
          %max3A = arith.constant 1.000000e+00 : f32
          %max3A_125 = vector.broadcast %max3A : f32 to vector<16xf32>
          %max3A_126 = arith.maximumf %get3A_124, %max3A_125 : vector<16xf32>
          %div3A = arith.constant 1.000000e+00 : f32
          %div3A_127 = vector.broadcast %div3A : f32 to vector<16xf32>
          %div3A_128 = arith.divf %div3A_127, %max3A_126 : vector<16xf32>
          %mul3A_129 = arith.constant 16 : i32
          %mul3A_130 = arith.muli %scan3A_120, %mul3A_129 : i32
          %add3A_131 = vector.broadcast %mul3A_130 : i32 to vector<16xi32>
          %add3A_132 = arith.addi %add3A_131, %iota3A : vector<16xi32>
          %broadcast_in_dim3A_133 = arith.constant 0 : i32
          %broadcast_in_dim3A_134 = vector.broadcast %broadcast_in_dim3A_133 : i32 to vector<16xi32>
          %gather3A = tpu.vector_load_idx %arg9[%add3A_132, %broadcast_in_dim3A_134] : memref<80x32xf32, #tpu.memory_space<vmem>>[vector<16xi32>, vector<16xi32>], vector<16xf32>,
          %mul3A_135 = arith.mulf %gather3A, %div3A_128 : vector<16xf32>
          tpu.vector_store_idx %arg9[%add3A_132, %broadcast_in_dim3A_134], %mul3A_135 : memref<80x32xf32, #tpu.memory_space<vmem>>[vector<16xi32>, vector<16xi32>], vector<16xf32>,
          %broadcast_in_dim3A_136 = arith.constant 1 : i32
          %broadcast_in_dim3A_137 = vector.broadcast %broadcast_in_dim3A_136 : i32 to vector<16xi32>
          %gather3A_138 = tpu.vector_load_idx %arg9[%add3A_132, %broadcast_in_dim3A_137] : memref<80x32xf32, #tpu.memory_space<vmem>>[vector<16xi32>, vector<16xi32>], vector<16xf32>,
          %mul3A_139 = arith.mulf %gather3A_138, %div3A_128 : vector<16xf32>
          tpu.vector_store_idx %arg9[%add3A_132, %broadcast_in_dim3A_137], %mul3A_139 : memref<80x32xf32, #tpu.memory_space<vmem>>[vector<16xi32>, vector<16xi32>], vector<16xf32>,
          %broadcast_in_dim3A_140 = arith.constant 2 : i32
          %broadcast_in_dim3A_141 = vector.broadcast %broadcast_in_dim3A_140 : i32 to vector<16xi32>
          %gather3A_142 = tpu.vector_load_idx %arg9[%add3A_132, %broadcast_in_dim3A_141] : memref<80x32xf32, #tpu.memory_space<vmem>>[vector<16xi32>, vector<16xi32>], vector<16xf32>,
          %mul3A_143 = arith.mulf %gather3A_142, %div3A_128 : vector<16xf32>
          tpu.vector_store_idx %arg9[%add3A_132, %broadcast_in_dim3A_141], %mul3A_143 : memref<80x32xf32, #tpu.memory_space<vmem>>[vector<16xi32>, vector<16xi32>], vector<16xf32>,
          %broadcast_in_dim3A_144 = arith.constant 3 : i32
          %broadcast_in_dim3A_145 = vector.broadcast %broadcast_in_dim3A_144 : i32 to vector<16xi32>
          %gather3A_146 = tpu.vector_load_idx %arg9[%add3A_132, %broadcast_in_dim3A_145] : memref<80x32xf32, #tpu.memory_space<vmem>>[vector<16xi32>, vector<16xi32>], vector<16xf32>,
          %mul3A_147 = arith.mulf %gather3A_146, %div3A_128 : vector<16xf32>
          tpu.vector_store_idx %arg9[%add3A_132, %broadcast_in_dim3A_145], %mul3A_147 : memref<80x32xf32, #tpu.memory_space<vmem>>[vector<16xi32>, vector<16xi32>], vector<16xf32>,
          %broadcast_in_dim3A_148 = arith.constant 4 : i32
          %broadcast_in_dim3A_149 = vector.broadcast %broadcast_in_dim3A_148 : i32 to vector<16xi32>
          %gather3A_150 = tpu.vector_load_idx %arg9[%add3A_132, %broadcast_in_dim3A_149] : memref<80x32xf32, #tpu.memory_space<vmem>>[vector<16xi32>, vector<16xi32>], vector<16xf32>,
          %mul3A_151 = arith.mulf %gather3A_150, %div3A_128 : vector<16xf32>
          tpu.vector_store_idx %arg9[%add3A_132, %broadcast_in_dim3A_149], %mul3A_151 : memref<80x32xf32, #tpu.memory_space<vmem>>[vector<16xi32>, vector<16xi32>], vector<16xf32>,
          %broadcast_in_dim3A_152 = arith.constant 5 : i32
          %broadcast_in_dim3A_153 = vector.broadcast %broadcast_in_dim3A_152 : i32 to vector<16xi32>
          %gather3A_154 = tpu.vector_load_idx %arg9[%add3A_132, %broadcast_in_dim3A_153] : memref<80x32xf32, #tpu.memory_space<vmem>>[vector<16xi32>, vector<16xi32>], vector<16xf32>,
          %mul3A_155 = arith.mulf %gather3A_154, %div3A_128 : vector<16xf32>
          tpu.vector_store_idx %arg9[%add3A_132, %broadcast_in_dim3A_153], %mul3A_155 : memref<80x32xf32, #tpu.memory_space<vmem>>[vector<16xi32>, vector<16xi32>], vector<16xf32>,
          %broadcast_in_dim3A_156 = arith.constant 6 : i32
          %broadcast_in_dim3A_157 = vector.broadcast %broadcast_in_dim3A_156 : i32 to vector<16xi32>
          %gather3A_158 = tpu.vector_load_idx %arg9[%add3A_132, %broadcast_in_dim3A_157] : memref<80x32xf32, #tpu.memory_space<vmem>>[vector<16xi32>, vector<16xi32>], vector<16xf32>,
          %mul3A_159 = arith.mulf %gather3A_158, %div3A_128 : vector<16xf32>
          tpu.vector_store_idx %arg9[%add3A_132, %broadcast_in_dim3A_157], %mul3A_159 : memref<80x32xf32, #tpu.memory_space<vmem>>[vector<16xi32>, vector<16xi32>], vector<16xf32>,
          %broadcast_in_dim3A_160 = arith.constant 7 : i32
          %broadcast_in_dim3A_161 = vector.broadcast %broadcast_in_dim3A_160 : i32 to vector<16xi32>
          %gather3A_162 = tpu.vector_load_idx %arg9[%add3A_132, %broadcast_in_dim3A_161] : memref<80x32xf32, #tpu.memory_space<vmem>>[vector<16xi32>, vector<16xi32>], vector<16xf32>,
          %mul3A_163 = arith.mulf %gather3A_162, %div3A_128 : vector<16xf32>
          tpu.vector_store_idx %arg9[%add3A_132, %broadcast_in_dim3A_161], %mul3A_163 : memref<80x32xf32, #tpu.memory_space<vmem>>[vector<16xi32>, vector<16xi32>], vector<16xf32>,
          %broadcast_in_dim3A_164 = arith.constant 8 : i32
          %broadcast_in_dim3A_165 = vector.broadcast %broadcast_in_dim3A_164 : i32 to vector<16xi32>
          %gather3A_166 = tpu.vector_load_idx %arg9[%add3A_132, %broadcast_in_dim3A_165] : memref<80x32xf32, #tpu.memory_space<vmem>>[vector<16xi32>, vector<16xi32>], vector<16xf32>,
          %mul3A_167 = arith.mulf %gather3A_166, %div3A_128 : vector<16xf32>
          tpu.vector_store_idx %arg9[%add3A_132, %broadcast_in_dim3A_165], %mul3A_167 : memref<80x32xf32, #tpu.memory_space<vmem>>[vector<16xi32>, vector<16xi32>], vector<16xf32>,
          %broadcast_in_dim3A_168 = arith.constant 9 : i32
          %broadcast_in_dim3A_169 = vector.broadcast %broadcast_in_dim3A_168 : i32 to vector<16xi32>
          %gather3A_170 = tpu.vector_load_idx %arg9[%add3A_132, %broadcast_in_dim3A_169] : memref<80x32xf32, #tpu.memory_space<vmem>>[vector<16xi32>, vector<16xi32>], vector<16xf32>,
          %mul3A_171 = arith.mulf %gather3A_170, %div3A_128 : vector<16xf32>
          tpu.vector_store_idx %arg9[%add3A_132, %broadcast_in_dim3A_169], %mul3A_171 : memref<80x32xf32, #tpu.memory_space<vmem>>[vector<16xi32>, vector<16xi32>], vector<16xf32>,
          %broadcast_in_dim3A_172 = arith.constant 10 : i32
          %broadcast_in_dim3A_173 = vector.broadcast %broadcast_in_dim3A_172 : i32 to vector<16xi32>
          %gather3A_174 = tpu.vector_load_idx %arg9[%add3A_132, %broadcast_in_dim3A_173] : memref<80x32xf32, #tpu.memory_space<vmem>>[vector<16xi32>, vector<16xi32>], vector<16xf32>,
          %mul3A_175 = arith.mulf %gather3A_174, %div3A_128 : vector<16xf32>
          tpu.vector_store_idx %arg9[%add3A_132, %broadcast_in_dim3A_173], %mul3A_175 : memref<80x32xf32, #tpu.memory_space<vmem>>[vector<16xi32>, vector<16xi32>], vector<16xf32>,
          %broadcast_in_dim3A_176 = arith.constant 11 : i32
          %broadcast_in_dim3A_177 = vector.broadcast %broadcast_in_dim3A_176 : i32 to vector<16xi32>
          %gather3A_178 = tpu.vector_load_idx %arg9[%add3A_132, %broadcast_in_dim3A_177] : memref<80x32xf32, #tpu.memory_space<vmem>>[vector<16xi32>, vector<16xi32>], vector<16xf32>,
          %mul3A_179 = arith.mulf %gather3A_178, %div3A_128 : vector<16xf32>
          tpu.vector_store_idx %arg9[%add3A_132, %broadcast_in_dim3A_177], %mul3A_179 : memref<80x32xf32, #tpu.memory_space<vmem>>[vector<16xi32>, vector<16xi32>], vector<16xf32>,
          %broadcast_in_dim3A_180 = arith.constant 12 : i32
          %broadcast_in_dim3A_181 = vector.broadcast %broadcast_in_dim3A_180 : i32 to vector<16xi32>
          %gather3A_182 = tpu.vector_load_idx %arg9[%add3A_132, %broadcast_in_dim3A_181] : memref<80x32xf32, #tpu.memory_space<vmem>>[vector<16xi32>, vector<16xi32>], vector<16xf32>,
          %mul3A_183 = arith.mulf %gather3A_182, %div3A_128 : vector<16xf32>
          tpu.vector_store_idx %arg9[%add3A_132, %broadcast_in_dim3A_181], %mul3A_183 : memref<80x32xf32, #tpu.memory_space<vmem>>[vector<16xi32>, vector<16xi32>], vector<16xf32>,
          %broadcast_in_dim3A_184 = arith.constant 13 : i32
          %broadcast_in_dim3A_185 = vector.broadcast %broadcast_in_dim3A_184 : i32 to vector<16xi32>
          %gather3A_186 = tpu.vector_load_idx %arg9[%add3A_132, %broadcast_in_dim3A_185] : memref<80x32xf32, #tpu.memory_space<vmem>>[vector<16xi32>, vector<16xi32>], vector<16xf32>,
          %mul3A_187 = arith.mulf %gather3A_186, %div3A_128 : vector<16xf32>
          tpu.vector_store_idx %arg9[%add3A_132, %broadcast_in_dim3A_185], %mul3A_187 : memref<80x32xf32, #tpu.memory_space<vmem>>[vector<16xi32>, vector<16xi32>], vector<16xf32>,
          %broadcast_in_dim3A_188 = arith.constant 14 : i32
          %broadcast_in_dim3A_189 = vector.broadcast %broadcast_in_dim3A_188 : i32 to vector<16xi32>
          %gather3A_190 = tpu.vector_load_idx %arg9[%add3A_132, %broadcast_in_dim3A_189] : memref<80x32xf32, #tpu.memory_space<vmem>>[vector<16xi32>, vector<16xi32>], vector<16xf32>,
          %mul3A_191 = arith.mulf %gather3A_190, %div3A_128 : vector<16xf32>
          tpu.vector_store_idx %arg9[%add3A_132, %broadcast_in_dim3A_189], %mul3A_191 : memref<80x32xf32, #tpu.memory_space<vmem>>[vector<16xi32>, vector<16xi32>], vector<16xf32>,
          %broadcast_in_dim3A_192 = arith.constant 15 : i32
          %broadcast_in_dim3A_193 = vector.broadcast %broadcast_in_dim3A_192 : i32 to vector<16xi32>
          %gather3A_194 = tpu.vector_load_idx %arg9[%add3A_132, %broadcast_in_dim3A_193] : memref<80x32xf32, #tpu.memory_space<vmem>>[vector<16xi32>, vector<16xi32>], vector<16xf32>,
          %mul3A_195 = arith.mulf %gather3A_194, %div3A_128 : vector<16xf32>
          tpu.vector_store_idx %arg9[%add3A_132, %broadcast_in_dim3A_193], %mul3A_195 : memref<80x32xf32, #tpu.memory_space<vmem>>[vector<16xi32>, vector<16xi32>], vector<16xf32>,
          %broadcast_in_dim3A_196 = arith.constant 16 : i32
          %broadcast_in_dim3A_197 = vector.broadcast %broadcast_in_dim3A_196 : i32 to vector<16xi32>
          %gather3A_198 = tpu.vector_load_idx %arg9[%add3A_132, %broadcast_in_dim3A_197] : memref<80x32xf32, #tpu.memory_space<vmem>>[vector<16xi32>, vector<16xi32>], vector<16xf32>,
          %mul3A_199 = arith.mulf %gather3A_198, %div3A_128 : vector<16xf32>
          tpu.vector_store_idx %arg9[%add3A_132, %broadcast_in_dim3A_197], %mul3A_199 : memref<80x32xf32, #tpu.memory_space<vmem>>[vector<16xi32>, vector<16xi32>], vector<16xf32>,
          %broadcast_in_dim3A_200 = arith.constant 17 : i32
          %broadcast_in_dim3A_201 = vector.broadcast %broadcast_in_dim3A_200 : i32 to vector<16xi32>
          %gather3A_202 = tpu.vector_load_idx %arg9[%add3A_132, %broadcast_in_dim3A_201] : memref<80x32xf32, #tpu.memory_space<vmem>>[vector<16xi32>, vector<16xi32>], vector<16xf32>,
          %mul3A_203 = arith.mulf %gather3A_202, %div3A_128 : vector<16xf32>
          tpu.vector_store_idx %arg9[%add3A_132, %broadcast_in_dim3A_201], %mul3A_203 : memref<80x32xf32, #tpu.memory_space<vmem>>[vector<16xi32>, vector<16xi32>], vector<16xf32>,
          %broadcast_in_dim3A_204 = arith.constant 18 : i32
          %broadcast_in_dim3A_205 = vector.broadcast %broadcast_in_dim3A_204 : i32 to vector<16xi32>
          %gather3A_206 = tpu.vector_load_idx %arg9[%add3A_132, %broadcast_in_dim3A_205] : memref<80x32xf32, #tpu.memory_space<vmem>>[vector<16xi32>, vector<16xi32>], vector<16xf32>,
          %mul3A_207 = arith.mulf %gather3A_206, %div3A_128 : vector<16xf32>
          tpu.vector_store_idx %arg9[%add3A_132, %broadcast_in_dim3A_205], %mul3A_207 : memref<80x32xf32, #tpu.memory_space<vmem>>[vector<16xi32>, vector<16xi32>], vector<16xf32>,
          %broadcast_in_dim3A_208 = arith.constant 19 : i32
          %broadcast_in_dim3A_209 = vector.broadcast %broadcast_in_dim3A_208 : i32 to vector<16xi32>
          %gather3A_210 = tpu.vector_load_idx %arg9[%add3A_132, %broadcast_in_dim3A_209] : memref<80x32xf32, #tpu.memory_space<vmem>>[vector<16xi32>, vector<16xi32>], vector<16xf32>,
          %mul3A_211 = arith.mulf %gather3A_210, %div3A_128 : vector<16xf32>
          tpu.vector_store_idx %arg9[%add3A_132, %broadcast_in_dim3A_209], %mul3A_211 : memref<80x32xf32, #tpu.memory_space<vmem>>[vector<16xi32>, vector<16xi32>], vector<16xf32>,
          %broadcast_in_dim3A_212 = arith.constant 20 : i32
          %broadcast_in_dim3A_213 = vector.broadcast %broadcast_in_dim3A_212 : i32 to vector<16xi32>
          %gather3A_214 = tpu.vector_load_idx %arg9[%add3A_132, %broadcast_in_dim3A_213] : memref<80x32xf32, #tpu.memory_space<vmem>>[vector<16xi32>, vector<16xi32>], vector<16xf32>,
          %mul3A_215 = arith.mulf %gather3A_214, %div3A_128 : vector<16xf32>
          tpu.vector_store_idx %arg9[%add3A_132, %broadcast_in_dim3A_213], %mul3A_215 : memref<80x32xf32, #tpu.memory_space<vmem>>[vector<16xi32>, vector<16xi32>], vector<16xf32>,
          %broadcast_in_dim3A_216 = arith.constant 21 : i32
          %broadcast_in_dim3A_217 = vector.broadcast %broadcast_in_dim3A_216 : i32 to vector<16xi32>
          %gather3A_218 = tpu.vector_load_idx %arg9[%add3A_132, %broadcast_in_dim3A_217] : memref<80x32xf32, #tpu.memory_space<vmem>>[vector<16xi32>, vector<16xi32>], vector<16xf32>,
          %mul3A_219 = arith.mulf %gather3A_218, %div3A_128 : vector<16xf32>
          tpu.vector_store_idx %arg9[%add3A_132, %broadcast_in_dim3A_217], %mul3A_219 : memref<80x32xf32, #tpu.memory_space<vmem>>[vector<16xi32>, vector<16xi32>], vector<16xf32>,
          %broadcast_in_dim3A_220 = arith.constant 22 : i32
          %broadcast_in_dim3A_221 = vector.broadcast %broadcast_in_dim3A_220 : i32 to vector<16xi32>
          %gather3A_222 = tpu.vector_load_idx %arg9[%add3A_132, %broadcast_in_dim3A_221] : memref<80x32xf32, #tpu.memory_space<vmem>>[vector<16xi32>, vector<16xi32>], vector<16xf32>,
          %mul3A_223 = arith.mulf %gather3A_222, %div3A_128 : vector<16xf32>
          tpu.vector_store_idx %arg9[%add3A_132, %broadcast_in_dim3A_221], %mul3A_223 : memref<80x32xf32, #tpu.memory_space<vmem>>[vector<16xi32>, vector<16xi32>], vector<16xf32>,
          %broadcast_in_dim3A_224 = arith.constant 23 : i32
          %broadcast_in_dim3A_225 = vector.broadcast %broadcast_in_dim3A_224 : i32 to vector<16xi32>
          %gather3A_226 = tpu.vector_load_idx %arg9[%add3A_132, %broadcast_in_dim3A_225] : memref<80x32xf32, #tpu.memory_space<vmem>>[vector<16xi32>, vector<16xi32>], vector<16xf32>,
          %mul3A_227 = arith.mulf %gather3A_226, %div3A_128 : vector<16xf32>
          tpu.vector_store_idx %arg9[%add3A_132, %broadcast_in_dim3A_225], %mul3A_227 : memref<80x32xf32, #tpu.memory_space<vmem>>[vector<16xi32>, vector<16xi32>], vector<16xf32>,
          %broadcast_in_dim3A_228 = arith.constant 24 : i32
          %broadcast_in_dim3A_229 = vector.broadcast %broadcast_in_dim3A_228 : i32 to vector<16xi32>
          %gather3A_230 = tpu.vector_load_idx %arg9[%add3A_132, %broadcast_in_dim3A_229] : memref<80x32xf32, #tpu.memory_space<vmem>>[vector<16xi32>, vector<16xi32>], vector<16xf32>,
          %mul3A_231 = arith.mulf %gather3A_230, %div3A_128 : vector<16xf32>
          tpu.vector_store_idx %arg9[%add3A_132, %broadcast_in_dim3A_229], %mul3A_231 : memref<80x32xf32, #tpu.memory_space<vmem>>[vector<16xi32>, vector<16xi32>], vector<16xf32>,
          %broadcast_in_dim3A_232 = arith.constant 25 : i32
          %broadcast_in_dim3A_233 = vector.broadcast %broadcast_in_dim3A_232 : i32 to vector<16xi32>
          %gather3A_234 = tpu.vector_load_idx %arg9[%add3A_132, %broadcast_in_dim3A_233] : memref<80x32xf32, #tpu.memory_space<vmem>>[vector<16xi32>, vector<16xi32>], vector<16xf32>,
          %mul3A_235 = arith.mulf %gather3A_234, %div3A_128 : vector<16xf32>
          tpu.vector_store_idx %arg9[%add3A_132, %broadcast_in_dim3A_233], %mul3A_235 : memref<80x32xf32, #tpu.memory_space<vmem>>[vector<16xi32>, vector<16xi32>], vector<16xf32>,
          %broadcast_in_dim3A_236 = arith.constant 26 : i32
          %broadcast_in_dim3A_237 = vector.broadcast %broadcast_in_dim3A_236 : i32 to vector<16xi32>
          %gather3A_238 = tpu.vector_load_idx %arg9[%add3A_132, %broadcast_in_dim3A_237] : memref<80x32xf32, #tpu.memory_space<vmem>>[vector<16xi32>, vector<16xi32>], vector<16xf32>,
          %mul3A_239 = arith.mulf %gather3A_238, %div3A_128 : vector<16xf32>
          tpu.vector_store_idx %arg9[%add3A_132, %broadcast_in_dim3A_237], %mul3A_239 : memref<80x32xf32, #tpu.memory_space<vmem>>[vector<16xi32>, vector<16xi32>], vector<16xf32>,
          %broadcast_in_dim3A_240 = arith.constant 27 : i32
          %broadcast_in_dim3A_241 = vector.broadcast %broadcast_in_dim3A_240 : i32 to vector<16xi32>
          %gather3A_242 = tpu.vector_load_idx %arg9[%add3A_132, %broadcast_in_dim3A_241] : memref<80x32xf32, #tpu.memory_space<vmem>>[vector<16xi32>, vector<16xi32>], vector<16xf32>,
          %mul3A_243 = arith.mulf %gather3A_242, %div3A_128 : vector<16xf32>
          tpu.vector_store_idx %arg9[%add3A_132, %broadcast_in_dim3A_241], %mul3A_243 : memref<80x32xf32, #tpu.memory_space<vmem>>[vector<16xi32>, vector<16xi32>], vector<16xf32>,
          %broadcast_in_dim3A_244 = arith.constant 28 : i32
          %broadcast_in_dim3A_245 = vector.broadcast %broadcast_in_dim3A_244 : i32 to vector<16xi32>
          %gather3A_246 = tpu.vector_load_idx %arg9[%add3A_132, %broadcast_in_dim3A_245] : memref<80x32xf32, #tpu.memory_space<vmem>>[vector<16xi32>, vector<16xi32>], vector<16xf32>,
          %mul3A_247 = arith.mulf %gather3A_246, %div3A_128 : vector<16xf32>
          tpu.vector_store_idx %arg9[%add3A_132, %broadcast_in_dim3A_245], %mul3A_247 : memref<80x32xf32, #tpu.memory_space<vmem>>[vector<16xi32>, vector<16xi32>], vector<16xf32>,
          %broadcast_in_dim3A_248 = arith.constant 29 : i32
          %broadcast_in_dim3A_249 = vector.broadcast %broadcast_in_dim3A_248 : i32 to vector<16xi32>
          %gather3A_250 = tpu.vector_load_idx %arg9[%add3A_132, %broadcast_in_dim3A_249] : memref<80x32xf32, #tpu.memory_space<vmem>>[vector<16xi32>, vector<16xi32>], vector<16xf32>,
          %mul3A_251 = arith.mulf %gather3A_250, %div3A_128 : vector<16xf32>
          tpu.vector_store_idx %arg9[%add3A_132, %broadcast_in_dim3A_249], %mul3A_251 : memref<80x32xf32, #tpu.memory_space<vmem>>[vector<16xi32>, vector<16xi32>], vector<16xf32>,
          %broadcast_in_dim3A_252 = arith.constant 30 : i32
          %broadcast_in_dim3A_253 = vector.broadcast %broadcast_in_dim3A_252 : i32 to vector<16xi32>
          %gather3A_254 = tpu.vector_load_idx %arg9[%add3A_132, %broadcast_in_dim3A_253] : memref<80x32xf32, #tpu.memory_space<vmem>>[vector<16xi32>, vector<16xi32>], vector<16xf32>,
          %mul3A_255 = arith.mulf %gather3A_254, %div3A_128 : vector<16xf32>
          tpu.vector_store_idx %arg9[%add3A_132, %broadcast_in_dim3A_253], %mul3A_255 : memref<80x32xf32, #tpu.memory_space<vmem>>[vector<16xi32>, vector<16xi32>], vector<16xf32>,
          %broadcast_in_dim3A_256 = arith.constant 31 : i32
          %broadcast_in_dim3A_257 = vector.broadcast %broadcast_in_dim3A_256 : i32 to vector<16xi32>
          %gather3A_258 = tpu.vector_load_idx %arg9[%add3A_132, %broadcast_in_dim3A_257] : memref<80x32xf32, #tpu.memory_space<vmem>>[vector<16xi32>, vector<16xi32>], vector<16xf32>,
          %mul3A_259 = arith.mulf %gather3A_258, %div3A_128 : vector<16xf32>
          tpu.vector_store_idx %arg9[%add3A_132, %broadcast_in_dim3A_257], %mul3A_259 : memref<80x32xf32, #tpu.memory_space<vmem>>[vector<16xi32>, vector<16xi32>], vector<16xf32>,
          %scan3A_260 = arith.constant 0 : i32
          scf.yield %scan3A_260 : i32
        }
        %scan3A_119 = arith.constant 5 : i32
        "tpu.region"() ({
          %run_scoped3A = tpu.sem_alloc : memref<!tpu.dma_semaphore, #tpu.memory_space<semaphore_mem>>
          %dma_start3A_120 = arith.constant 0 : i32
          %dma_start3A_121 = tpu.memref_slice %arg11[%multiple_of3A_102, %dma_start3A_120] : memref<50000x32xf32, #tpu.memory_space<vmem_shared>> -> memref<80x32xf32, #tpu.memory_space<vmem_shared>>
          %dma_start3A_122 = arith.constant 0 : i32
          %dma_start3A_123 = tpu.memref_slice %arg11[%multiple_of3A_102, %dma_start3A_122] : memref<50000x32xf32, #tpu.memory_space<vmem_shared>> -> memref<80x32xf32, #tpu.memory_space<vmem_shared>>
          tpu.enqueue_dma source(%arg9 : memref<80x32xf32, #tpu.memory_space<vmem>>) target(%dma_start3A_123 : memref<80x32xf32, #tpu.memory_space<vmem_shared>>) target_semaphore(%run_scoped3A : memref<!tpu.dma_semaphore, #tpu.memory_space<semaphore_mem>>)
          %dma_wait3A_124 = arith.constant 0 : i32
          %dma_wait3A_125 = tpu.memref_slice %arg11[%multiple_of3A_102, %dma_wait3A_124] : memref<50000x32xf32, #tpu.memory_space<vmem_shared>> -> memref<80x32xf32, #tpu.memory_space<vmem_shared>>
          %dma_wait3A_126 = arith.constant 0 : i32
          %dma_wait3A_127 = tpu.memref_slice %arg11[%multiple_of3A_102, %dma_wait3A_126] : memref<50000x32xf32, #tpu.memory_space<vmem_shared>> -> memref<80x32xf32, #tpu.memory_space<vmem_shared>>
          tpu.wait_dma2 semaphore(%run_scoped3A : memref<!tpu.dma_semaphore, #tpu.memory_space<semaphore_mem>>) src(%arg9 : memref<80x32xf32, #tpu.memory_space<vmem>>) dst(%dma_wait3A_127 : memref<80x32xf32, #tpu.memory_space<vmem_shared>>)
          tpu.yield
        }) : () -> ()
      } else {
      }
      %scan3A_99 = arith.constant 0 : i32
      scf.yield %scan3A_99 : i32
    }
    %scan3A_66 = arith.constant 40 : i32
    %barrier3A_67 = arith.constant 0 : index
    tpu.barrier barrier_id(%barrier3A_67)
    %add3A_68 = arith.constant 0 : i32
    %add3A_69 = arith.addi %arg1, %add3A_68 : i32
    %lt3A_70 = arith.constant 6250 : i32
    %lt3A_71 = arith.cmpi slt, %add3A_69, %lt3A_70 : i32
    %convert_element_type3A_72 = arith.extui %lt3A_71 : i1 to i32
    %cond3A_73 = arith.constant 0 : i32
    %cond3A_74 = arith.cmpi ne, %convert_element_type3A_72, %cond3A_73 : i32
    scf.if %cond3A_74 {
      %add3A_89 = arith.constant 0 : i32
      %add3A_90 = arith.addi %arg1, %add3A_89 : i32
      %mul3A_91 = arith.constant 128 : i32
      %mul3A_92 = arith.muli %add3A_90, %mul3A_91 : i32
      %multiple_of3A_93 = tpu.assume_multiple %mul3A_92, 128 : i32
      %dma_start3A = arith.constant 0 : i32
      %dma_start3A_94 = arith.constant 0 : i32
      %dma_start3A_95 = tpu.memref_slice %arg5[%dma_start3A, %dma_start3A_94] : memref<2x128xi32, #tpu.memory_space<vmem>> -> memref<1x128xi32, #tpu.memory_space<vmem>>
      %dma_start3A_96 = tpu.memref_squeeze %dma_start3A_95 : memref<1x128xi32, #tpu.memory_space<vmem>> -> memref<128xi32, #tpu.memory_space<vmem>>
      %dma_start3A_97 = arith.constant 0 : i32
      %dma_start3A_98 = tpu.memref_slice %arg3[%add3A_90, %dma_start3A_97] : memref<6250x128xi32, #tpu.memory_space<hbm>> -> memref<1x128xi32, #tpu.memory_space<hbm>>
      %dma_start3A_99 = tpu.memref_squeeze %dma_start3A_98 : memref<1x128xi32, #tpu.memory_space<hbm>> -> memref<128xi32, #tpu.memory_space<hbm>>
      %dma_start3A_100 = arith.constant 0 : i32
      %dma_start3A_101 = tpu.memref_slice %arg5[%dma_start3A, %dma_start3A_100] : memref<2x128xi32, #tpu.memory_space<vmem>> -> memref<1x128xi32, #tpu.memory_space<vmem>>
      %dma_start3A_102 = tpu.memref_squeeze %dma_start3A_101 : memref<1x128xi32, #tpu.memory_space<vmem>> -> memref<128xi32, #tpu.memory_space<vmem>>
      %dma_start3A_103 = arith.constant 0 : i32
      %dma_start3A_104 = tpu.memref_slice %arg3[%add3A_90, %dma_start3A_103] : memref<6250x128xi32, #tpu.memory_space<hbm>> -> memref<1x128xi32, #tpu.memory_space<hbm>>
      %dma_start3A_105 = tpu.memref_squeeze %dma_start3A_104 : memref<1x128xi32, #tpu.memory_space<hbm>> -> memref<128xi32, #tpu.memory_space<hbm>>
      tpu.enqueue_dma source(%dma_start3A_105 : memref<128xi32, #tpu.memory_space<hbm>>) target(%dma_start3A_102 : memref<128xi32, #tpu.memory_space<vmem>>) target_semaphore(%arg13 : memref<!tpu.dma_semaphore, #tpu.memory_space<semaphore_mem>>)
      %dma_start3A_106 = arith.constant 0 : i32
      %dma_start3A_107 = arith.constant 0 : i32
      %dma_start3A_108 = arith.constant 0 : i32
      %dma_start3A_109 = tpu.memref_slice %arg6[%dma_start3A_106, %dma_start3A_107, %dma_start3A_108] : memref<2x128x32xf32, #tpu.memory_space<vmem>> -> memref<1x128x32xf32, #tpu.memory_space<vmem>>
      %dma_start3A_110 = tpu.memref_squeeze %dma_start3A_109 : memref<1x128x32xf32, #tpu.memory_space<vmem>> -> memref<128x32xf32, #tpu.memory_space<vmem>>
      %dma_start3A_111 = tpu.memref_slice %arg2[%multiple_of3A_93, %multiple_of3A] : memref<800000x64xf32, #tpu.memory_space<hbm>> -> memref<128x32xf32, #tpu.memory_space<hbm>>
      %dma_start3A_112 = arith.constant 0 : i32
      %dma_start3A_113 = arith.constant 0 : i32
      %dma_start3A_114 = tpu.memref_slice %arg6[%dma_start3A_106, %dma_start3A_112, %dma_start3A_113] : memref<2x128x32xf32, #tpu.memory_space<vmem>> -> memref<1x128x32xf32, #tpu.memory_space<vmem>>
      %dma_start3A_115 = tpu.memref_squeeze %dma_start3A_114 : memref<1x128x32xf32, #tpu.memory_space<vmem>> -> memref<128x32xf32, #tpu.memory_space<vmem>>
      %dma_start3A_116 = tpu.memref_slice %arg2[%multiple_of3A_93, %multiple_of3A] : memref<800000x64xf32, #tpu.memory_space<hbm>> -> memref<128x32xf32, #tpu.memory_space<hbm>>
      tpu.enqueue_dma source(%dma_start3A_116 : memref<128x32xf32, #tpu.memory_space<hbm>>) target(%dma_start3A_115 : memref<128x32xf32, #tpu.memory_space<vmem>>) target_semaphore(%arg15 : memref<!tpu.dma_semaphore, #tpu.memory_space<semaphore_mem>>)
    } else {
    }
    %add3A_75 = arith.constant 16 : i32
    %add3A_76 = arith.addi %arg1, %add3A_75 : i32
    %lt3A_77 = arith.constant 6250 : i32
    %lt3A_78 = arith.cmpi slt, %add3A_76, %lt3A_77 : i32
    %convert_element_type3A_79 = arith.extui %lt3A_78 : i1 to i32
    %cond3A_80 = arith.constant 0 : i32
    %cond3A_81 = arith.cmpi ne, %convert_element_type3A_79, %cond3A_80 : i32
    scf.if %cond3A_81 {
      %add3A_89 = arith.constant 16 : i32
      %add3A_90 = arith.addi %arg1, %add3A_89 : i32
      %mul3A_91 = arith.constant 128 : i32
      %mul3A_92 = arith.muli %add3A_90, %mul3A_91 : i32
      %multiple_of3A_93 = tpu.assume_multiple %mul3A_92, 128 : i32
      %dma_start3A = arith.constant 1 : i32
      %dma_start3A_94 = arith.constant 0 : i32
      %dma_start3A_95 = tpu.memref_slice %arg5[%dma_start3A, %dma_start3A_94] : memref<2x128xi32, #tpu.memory_space<vmem>> -> memref<1x128xi32, #tpu.memory_space<vmem>>
      %dma_start3A_96 = tpu.memref_squeeze %dma_start3A_95 : memref<1x128xi32, #tpu.memory_space<vmem>> -> memref<128xi32, #tpu.memory_space<vmem>>
      %dma_start3A_97 = arith.constant 0 : i32
      %dma_start3A_98 = tpu.memref_slice %arg3[%add3A_90, %dma_start3A_97] : memref<6250x128xi32, #tpu.memory_space<hbm>> -> memref<1x128xi32, #tpu.memory_space<hbm>>
      %dma_start3A_99 = tpu.memref_squeeze %dma_start3A_98 : memref<1x128xi32, #tpu.memory_space<hbm>> -> memref<128xi32, #tpu.memory_space<hbm>>
      %dma_start3A_100 = arith.constant 0 : i32
      %dma_start3A_101 = tpu.memref_slice %arg5[%dma_start3A, %dma_start3A_100] : memref<2x128xi32, #tpu.memory_space<vmem>> -> memref<1x128xi32, #tpu.memory_space<vmem>>
      %dma_start3A_102 = tpu.memref_squeeze %dma_start3A_101 : memref<1x128xi32, #tpu.memory_space<vmem>> -> memref<128xi32, #tpu.memory_space<vmem>>
      %dma_start3A_103 = arith.constant 0 : i32
      %dma_start3A_104 = tpu.memref_slice %arg3[%add3A_90, %dma_start3A_103] : memref<6250x128xi32, #tpu.memory_space<hbm>> -> memref<1x128xi32, #tpu.memory_space<hbm>>
      %dma_start3A_105 = tpu.memref_squeeze %dma_start3A_104 : memref<1x128xi32, #tpu.memory_space<hbm>> -> memref<128xi32, #tpu.memory_space<hbm>>
      tpu.enqueue_dma source(%dma_start3A_105 : memref<128xi32, #tpu.memory_space<hbm>>) target(%dma_start3A_102 : memref<128xi32, #tpu.memory_space<vmem>>) target_semaphore(%arg14 : memref<!tpu.dma_semaphore, #tpu.memory_space<semaphore_mem>>)
      %dma_start3A_106 = arith.constant 1 : i32
      %dma_start3A_107 = arith.constant 0 : i32
      %dma_start3A_108 = arith.constant 0 : i32
      %dma_start3A_109 = tpu.memref_slice %arg6[%dma_start3A_106, %dma_start3A_107, %dma_start3A_108] : memref<2x128x32xf32, #tpu.memory_space<vmem>> -> memref<1x128x32xf32, #tpu.memory_space<vmem>>
      %dma_start3A_110 = tpu.memref_squeeze %dma_start3A_109 : memref<1x128x32xf32, #tpu.memory_space<vmem>> -> memref<128x32xf32, #tpu.memory_space<vmem>>
      %dma_start3A_111 = tpu.memref_slice %arg2[%multiple_of3A_93, %multiple_of3A] : memref<800000x64xf32, #tpu.memory_space<hbm>> -> memref<128x32xf32, #tpu.memory_space<hbm>>
      %dma_start3A_112 = arith.constant 0 : i32
      %dma_start3A_113 = arith.constant 0 : i32
      %dma_start3A_114 = tpu.memref_slice %arg6[%dma_start3A_106, %dma_start3A_112, %dma_start3A_113] : memref<2x128x32xf32, #tpu.memory_space<vmem>> -> memref<1x128x32xf32, #tpu.memory_space<vmem>>
      %dma_start3A_115 = tpu.memref_squeeze %dma_start3A_114 : memref<1x128x32xf32, #tpu.memory_space<vmem>> -> memref<128x32xf32, #tpu.memory_space<vmem>>
      %dma_start3A_116 = tpu.memref_slice %arg2[%multiple_of3A_93, %multiple_of3A] : memref<800000x64xf32, #tpu.memory_space<hbm>> -> memref<128x32xf32, #tpu.memory_space<hbm>>
      tpu.enqueue_dma source(%dma_start3A_116 : memref<128x32xf32, #tpu.memory_space<hbm>>) target(%dma_start3A_115 : memref<128x32xf32, #tpu.memory_space<vmem>>) target_semaphore(%arg16 : memref<!tpu.dma_semaphore, #tpu.memory_space<semaphore_mem>>)
    } else {
    }
    %scan3A_82 = arith.constant 0 : i32
    %scan3A_83 = arith.constant 0 : i32
    %scan3A_84 = arith.constant 197 : i32
    %scan3A_85 = arith.addi %scan3A_83, %scan3A_84 : i32
    %scan3A_86 = arith.constant 1 : i32
    %scan3A_87 = scf.for %scan3A_89 = %scan3A_83 to %scan3A_85 step %scan3A_86 iter_args(%scan3A_90 = %scan3A_82) -> (i32)  : i32 {
      %mul3A_91 = arith.constant 2 : i32
      %mul3A_92 = arith.muli %mul3A_91, %scan3A_89 : i32
      %add3A_93 = arith.constant 0 : i32
      %add3A_94 = arith.addi %mul3A_92, %add3A_93 : i32
      %sub3A = arith.constant 2 : i32
      %sub3A_95 = arith.subi %add3A_94, %sub3A : i32
      %mul3A_96 = arith.constant 16 : i32
      %mul3A_97 = arith.muli %sub3A_95, %mul3A_96 : i32
      %add3A_98 = arith.addi %arg1, %mul3A_97 : i32
      %ge3A = arith.constant 0 : i32
      %ge3A_99 = arith.cmpi sge, %add3A_98, %ge3A : i32
      %lt3A_100 = arith.constant 6250 : i32
      %lt3A_101 = arith.cmpi slt, %add3A_98, %lt3A_100 : i32
      %and3A = arith.andi %ge3A_99, %lt3A_101 : i1
      %convert_element_type3A_102 = arith.extui %and3A : i1 to i32
      %cond3A_103 = arith.constant 0 : i32
      %cond3A_104 = arith.cmpi ne, %convert_element_type3A_102, %cond3A_103 : i32
      scf.if %cond3A_104 {
        %sub3A_163 = arith.constant 2 : i32
        %sub3A_164 = arith.subi %add3A_94, %sub3A_163 : i32
        %mul3A_165 = arith.constant 16 : i32
        %mul3A_166 = arith.muli %sub3A_164, %mul3A_165 : i32
        %add3A_167 = arith.addi %arg1, %mul3A_166 : i32
        %mul3A_168 = arith.constant 128 : i32
        %mul3A_169 = arith.muli %add3A_167, %mul3A_168 : i32
        %multiple_of3A_170 = tpu.assume_multiple %mul3A_169, 128 : i32
        %dma_wait3A = arith.constant 0 : i32
        %dma_wait3A_171 = arith.constant 0 : i32
        %dma_wait3A_172 = arith.constant 0 : i32
        %dma_wait3A_173 = tpu.memref_slice %arg7[%dma_wait3A, %dma_wait3A_171, %dma_wait3A_172] : memref<2x128x32xf32, #tpu.memory_space<vmem>> -> memref<1x128x32xf32, #tpu.memory_space<vmem>>
        %dma_wait3A_174 = tpu.memref_squeeze %dma_wait3A_173 : memref<1x128x32xf32, #tpu.memory_space<vmem>> -> memref<128x32xf32, #tpu.memory_space<vmem>>
        %dma_wait3A_175 = tpu.memref_slice %arg4[%multiple_of3A_170, %multiple_of3A] : memref<800000x64xf32, #tpu.memory_space<hbm>> -> memref<128x32xf32, #tpu.memory_space<hbm>>
        %dma_wait3A_176 = tpu.memref_slice %arg4[%multiple_of3A_170, %multiple_of3A] : memref<800000x64xf32, #tpu.memory_space<hbm>> -> memref<128x32xf32, #tpu.memory_space<hbm>>
        %dma_wait3A_177 = arith.constant 0 : i32
        %dma_wait3A_178 = arith.constant 0 : i32
        %dma_wait3A_179 = tpu.memref_slice %arg7[%dma_wait3A, %dma_wait3A_177, %dma_wait3A_178] : memref<2x128x32xf32, #tpu.memory_space<vmem>> -> memref<1x128x32xf32, #tpu.memory_space<vmem>>
        %dma_wait3A_180 = tpu.memref_squeeze %dma_wait3A_179 : memref<1x128x32xf32, #tpu.memory_space<vmem>> -> memref<128x32xf32, #tpu.memory_space<vmem>>
        tpu.wait_dma2 semaphore(%arg19 : memref<!tpu.dma_semaphore, #tpu.memory_space<semaphore_mem>>) src(%dma_wait3A_180 : memref<128x32xf32, #tpu.memory_space<vmem>>) dst(%dma_wait3A_176 : memref<128x32xf32, #tpu.memory_space<hbm>>)
      } else {
      }
      %mul3A_105 = arith.constant 16 : i32
      %mul3A_106 = arith.muli %add3A_94, %mul3A_105 : i32
      %add3A_107 = arith.addi %arg1, %mul3A_106 : i32
      %lt3A_108 = arith.constant 6250 : i32
      %lt3A_109 = arith.cmpi slt, %add3A_107, %lt3A_108 : i32
      %convert_element_type3A_110 = arith.extui %lt3A_109 : i1 to i32
      %cond3A_111 = arith.constant 0 : i32
      %cond3A_112 = arith.cmpi ne, %convert_element_type3A_110, %cond3A_111 : i32
      scf.if %cond3A_112 {
        %mul3A_163 = arith.constant 16 : i32
        %mul3A_164 = arith.muli %add3A_94, %mul3A_163 : i32
        %add3A_165 = arith.addi %arg1, %mul3A_164 : i32
        %mul3A_166 = arith.constant 128 : i32
        %mul3A_167 = arith.muli %add3A_165, %mul3A_166 : i32
        %multiple_of3A_168 = tpu.assume_multiple %mul3A_167, 128 : i32
        %dma_wait3A = arith.constant 0 : i32
        %dma_wait3A_169 = arith.constant 0 : i32
        %dma_wait3A_170 = tpu.memref_slice %arg5[%dma_wait3A, %dma_wait3A_169] : memref<2x128xi32, #tpu.memory_space<vmem>> -> memref<1x128xi32, #tpu.memory_space<vmem>>
        %dma_wait3A_171 = tpu.memref_squeeze %dma_wait3A_170 : memref<1x128xi32, #tpu.memory_space<vmem>> -> memref<128xi32, #tpu.memory_space<vmem>>
        %dma_wait3A_172 = arith.constant 0 : i32
        %dma_wait3A_173 = tpu.memref_slice %arg3[%add3A_165, %dma_wait3A_172] : memref<6250x128xi32, #tpu.memory_space<hbm>> -> memref<1x128xi32, #tpu.memory_space<hbm>>
        %dma_wait3A_174 = tpu.memref_squeeze %dma_wait3A_173 : memref<1x128xi32, #tpu.memory_space<hbm>> -> memref<128xi32, #tpu.memory_space<hbm>>
        %dma_wait3A_175 = arith.constant 0 : i32
        %dma_wait3A_176 = tpu.memref_slice %arg5[%dma_wait3A, %dma_wait3A_175] : memref<2x128xi32, #tpu.memory_space<vmem>> -> memref<1x128xi32, #tpu.memory_space<vmem>>
        %dma_wait3A_177 = tpu.memref_squeeze %dma_wait3A_176 : memref<1x128xi32, #tpu.memory_space<vmem>> -> memref<128xi32, #tpu.memory_space<vmem>>
        %dma_wait3A_178 = arith.constant 0 : i32
        %dma_wait3A_179 = tpu.memref_slice %arg3[%add3A_165, %dma_wait3A_178] : memref<6250x128xi32, #tpu.memory_space<hbm>> -> memref<1x128xi32, #tpu.memory_space<hbm>>
        %dma_wait3A_180 = tpu.memref_squeeze %dma_wait3A_179 : memref<1x128xi32, #tpu.memory_space<hbm>> -> memref<128xi32, #tpu.memory_space<hbm>>
        tpu.wait_dma2 semaphore(%arg13 : memref<!tpu.dma_semaphore, #tpu.memory_space<semaphore_mem>>) src(%dma_wait3A_180 : memref<128xi32, #tpu.memory_space<hbm>>) dst(%dma_wait3A_177 : memref<128xi32, #tpu.memory_space<vmem>>)
        %dma_wait3A_181 = arith.constant 0 : i32
        %dma_wait3A_182 = arith.constant 0 : i32
        %dma_wait3A_183 = arith.constant 0 : i32
        %dma_wait3A_184 = tpu.memref_slice %arg6[%dma_wait3A_181, %dma_wait3A_182, %dma_wait3A_183] : memref<2x128x32xf32, #tpu.memory_space<vmem>> -> memref<1x128x32xf32, #tpu.memory_space<vmem>>
        %dma_wait3A_185 = tpu.memref_squeeze %dma_wait3A_184 : memref<1x128x32xf32, #tpu.memory_space<vmem>> -> memref<128x32xf32, #tpu.memory_space<vmem>>
        %dma_wait3A_186 = tpu.memref_slice %arg2[%multiple_of3A_168, %multiple_of3A] : memref<800000x64xf32, #tpu.memory_space<hbm>> -> memref<128x32xf32, #tpu.memory_space<hbm>>
        %dma_wait3A_187 = arith.constant 0 : i32
        %dma_wait3A_188 = arith.constant 0 : i32
        %dma_wait3A_189 = tpu.memref_slice %arg6[%dma_wait3A_181, %dma_wait3A_187, %dma_wait3A_188] : memref<2x128x32xf32, #tpu.memory_space<vmem>> -> memref<1x128x32xf32, #tpu.memory_space<vmem>>
        %dma_wait3A_190 = tpu.memref_squeeze %dma_wait3A_189 : memref<1x128x32xf32, #tpu.memory_space<vmem>> -> memref<128x32xf32, #tpu.memory_space<vmem>>
        %dma_wait3A_191 = tpu.memref_slice %arg2[%multiple_of3A_168, %multiple_of3A] : memref<800000x64xf32, #tpu.memory_space<hbm>> -> memref<128x32xf32, #tpu.memory_space<hbm>>
        tpu.wait_dma2 semaphore(%arg15 : memref<!tpu.dma_semaphore, #tpu.memory_space<semaphore_mem>>) src(%dma_wait3A_191 : memref<128x32xf32, #tpu.memory_space<hbm>>) dst(%dma_wait3A_190 : memref<128x32xf32, #tpu.memory_space<vmem>>)
        %dma_start3A = arith.constant 0 : i32
        %dma_start3A_192 = arith.constant 0 : i32
        %dma_start3A_193 = arith.constant 0 : i32
        %dma_start3A_194 = arith.constant 0 : i32
        %dma_start3A_195 = tpu.memref_slice %arg7[%dma_start3A_192, %dma_start3A_193, %dma_start3A_194] : memref<2x128x32xf32, #tpu.memory_space<vmem>> -> memref<1x128x32xf32, #tpu.memory_space<vmem>>
        %dma_start3A_196 = tpu.memref_squeeze %dma_start3A_195 : memref<1x128x32xf32, #tpu.memory_space<vmem>> -> memref<128x32xf32, #tpu.memory_space<vmem>>
        %dma_start3A_197 = arith.constant 0 : i32
        %dma_start3A_198 = tpu.memref_slice %arg5[%dma_start3A, %dma_start3A_197] : memref<2x128xi32, #tpu.memory_space<vmem>> -> memref<1x128xi32, #tpu.memory_space<vmem>>
        %dma_start3A_199 = tpu.memref_squeeze %dma_start3A_198 : memref<1x128xi32, #tpu.memory_space<vmem>> -> memref<128xi32, #tpu.memory_space<vmem>>
        %dma_start3A_200 = arith.constant 0 : i32
        %dma_start3A_201 = arith.constant 0 : i32
        %dma_start3A_202 = tpu.memref_slice %arg11[%dma_start3A_200, %dma_start3A_201] : memref<50000x32xf32, #tpu.memory_space<vmem_shared>> -> memref<50000x32xf32, #tpu.memory_space<vmem_shared>>
        tpu.enqueue_indirect_dma source(%dma_start3A_202 : memref<50000x32xf32, #tpu.memory_space<vmem_shared>>) target(%dma_start3A_196 : memref<128x32xf32, #tpu.memory_space<vmem>>) offsets(%dma_start3A_199 : memref<128xi32, #tpu.memory_space<vmem>>) semaphore(%arg17 : memref<!tpu.dma_semaphore, #tpu.memory_space<semaphore_mem>>)
      } else {
      }
      %mul3A_113 = arith.constant 2 : i32
      %mul3A_114 = arith.muli %mul3A_113, %scan3A_89 : i32
      %add3A_115 = arith.constant 1 : i32
      %add3A_116 = arith.addi %mul3A_114, %add3A_115 : i32
      %sub3A_117 = arith.constant 2 : i32
      %sub3A_118 = arith.subi %add3A_116, %sub3A_117 : i32
      %mul3A_119 = arith.constant 16 : i32
      %mul3A_120 = arith.muli %sub3A_118, %mul3A_119 : i32
      %add3A_121 = arith.addi %arg1, %mul3A_120 : i32
      %ge3A_122 = arith.constant 0 : i32
      %ge3A_123 = arith.cmpi sge, %add3A_121, %ge3A_122 : i32
      %lt3A_124 = arith.constant 6250 : i32
      %lt3A_125 = arith.cmpi slt, %add3A_121, %lt3A_124 : i32
      %and3A_126 = arith.andi %ge3A_123, %lt3A_125 : i1
      %convert_element_type3A_127 = arith.extui %and3A_126 : i1 to i32
      %cond3A_128 = arith.constant 0 : i32
      %cond3A_129 = arith.cmpi ne, %convert_element_type3A_127, %cond3A_128 : i32
      scf.if %cond3A_129 {
        %sub3A_163 = arith.constant 2 : i32
        %sub3A_164 = arith.subi %add3A_116, %sub3A_163 : i32
        %mul3A_165 = arith.constant 16 : i32
        %mul3A_166 = arith.muli %sub3A_164, %mul3A_165 : i32
        %add3A_167 = arith.addi %arg1, %mul3A_166 : i32
        %mul3A_168 = arith.constant 128 : i32
        %mul3A_169 = arith.muli %add3A_167, %mul3A_168 : i32
        %multiple_of3A_170 = tpu.assume_multiple %mul3A_169, 128 : i32
        %dma_wait3A = arith.constant 1 : i32
        %dma_wait3A_171 = arith.constant 0 : i32
        %dma_wait3A_172 = arith.constant 0 : i32
        %dma_wait3A_173 = tpu.memref_slice %arg7[%dma_wait3A, %dma_wait3A_171, %dma_wait3A_172] : memref<2x128x32xf32, #tpu.memory_space<vmem>> -> memref<1x128x32xf32, #tpu.memory_space<vmem>>
        %dma_wait3A_174 = tpu.memref_squeeze %dma_wait3A_173 : memref<1x128x32xf32, #tpu.memory_space<vmem>> -> memref<128x32xf32, #tpu.memory_space<vmem>>
        %dma_wait3A_175 = tpu.memref_slice %arg4[%multiple_of3A_170, %multiple_of3A] : memref<800000x64xf32, #tpu.memory_space<hbm>> -> memref<128x32xf32, #tpu.memory_space<hbm>>
        %dma_wait3A_176 = tpu.memref_slice %arg4[%multiple_of3A_170, %multiple_of3A] : memref<800000x64xf32, #tpu.memory_space<hbm>> -> memref<128x32xf32, #tpu.memory_space<hbm>>
        %dma_wait3A_177 = arith.constant 0 : i32
        %dma_wait3A_178 = arith.constant 0 : i32
        %dma_wait3A_179 = tpu.memref_slice %arg7[%dma_wait3A, %dma_wait3A_177, %dma_wait3A_178] : memref<2x128x32xf32, #tpu.memory_space<vmem>> -> memref<1x128x32xf32, #tpu.memory_space<vmem>>
        %dma_wait3A_180 = tpu.memref_squeeze %dma_wait3A_179 : memref<1x128x32xf32, #tpu.memory_space<vmem>> -> memref<128x32xf32, #tpu.memory_space<vmem>>
        tpu.wait_dma2 semaphore(%arg20 : memref<!tpu.dma_semaphore, #tpu.memory_space<semaphore_mem>>) src(%dma_wait3A_180 : memref<128x32xf32, #tpu.memory_space<vmem>>) dst(%dma_wait3A_176 : memref<128x32xf32, #tpu.memory_space<hbm>>)
      } else {
      }
      %mul3A_130 = arith.constant 16 : i32
      %mul3A_131 = arith.muli %add3A_116, %mul3A_130 : i32
      %add3A_132 = arith.addi %arg1, %mul3A_131 : i32
      %lt3A_133 = arith.constant 6250 : i32
      %lt3A_134 = arith.cmpi slt, %add3A_132, %lt3A_133 : i32
      %convert_element_type3A_135 = arith.extui %lt3A_134 : i1 to i32
      %cond3A_136 = arith.constant 0 : i32
      %cond3A_137 = arith.cmpi ne, %convert_element_type3A_135, %cond3A_136 : i32
      scf.if %cond3A_137 {
        %mul3A_163 = arith.constant 16 : i32
        %mul3A_164 = arith.muli %add3A_116, %mul3A_163 : i32
        %add3A_165 = arith.addi %arg1, %mul3A_164 : i32
        %mul3A_166 = arith.constant 128 : i32
        %mul3A_167 = arith.muli %add3A_165, %mul3A_166 : i32
        %multiple_of3A_168 = tpu.assume_multiple %mul3A_167, 128 : i32
        %dma_wait3A = arith.constant 1 : i32
        %dma_wait3A_169 = arith.constant 0 : i32
        %dma_wait3A_170 = tpu.memref_slice %arg5[%dma_wait3A, %dma_wait3A_169] : memref<2x128xi32, #tpu.memory_space<vmem>> -> memref<1x128xi32, #tpu.memory_space<vmem>>
        %dma_wait3A_171 = tpu.memref_squeeze %dma_wait3A_170 : memref<1x128xi32, #tpu.memory_space<vmem>> -> memref<128xi32, #tpu.memory_space<vmem>>
        %dma_wait3A_172 = arith.constant 0 : i32
        %dma_wait3A_173 = tpu.memref_slice %arg3[%add3A_165, %dma_wait3A_172] : memref<6250x128xi32, #tpu.memory_space<hbm>> -> memref<1x128xi32, #tpu.memory_space<hbm>>
        %dma_wait3A_174 = tpu.memref_squeeze %dma_wait3A_173 : memref<1x128xi32, #tpu.memory_space<hbm>> -> memref<128xi32, #tpu.memory_space<hbm>>
        %dma_wait3A_175 = arith.constant 0 : i32
        %dma_wait3A_176 = tpu.memref_slice %arg5[%dma_wait3A, %dma_wait3A_175] : memref<2x128xi32, #tpu.memory_space<vmem>> -> memref<1x128xi32, #tpu.memory_space<vmem>>
        %dma_wait3A_177 = tpu.memref_squeeze %dma_wait3A_176 : memref<1x128xi32, #tpu.memory_space<vmem>> -> memref<128xi32, #tpu.memory_space<vmem>>
        %dma_wait3A_178 = arith.constant 0 : i32
        %dma_wait3A_179 = tpu.memref_slice %arg3[%add3A_165, %dma_wait3A_178] : memref<6250x128xi32, #tpu.memory_space<hbm>> -> memref<1x128xi32, #tpu.memory_space<hbm>>
        %dma_wait3A_180 = tpu.memref_squeeze %dma_wait3A_179 : memref<1x128xi32, #tpu.memory_space<hbm>> -> memref<128xi32, #tpu.memory_space<hbm>>
        tpu.wait_dma2 semaphore(%arg14 : memref<!tpu.dma_semaphore, #tpu.memory_space<semaphore_mem>>) src(%dma_wait3A_180 : memref<128xi32, #tpu.memory_space<hbm>>) dst(%dma_wait3A_177 : memref<128xi32, #tpu.memory_space<vmem>>)
        %dma_wait3A_181 = arith.constant 1 : i32
        %dma_wait3A_182 = arith.constant 0 : i32
        %dma_wait3A_183 = arith.constant 0 : i32
        %dma_wait3A_184 = tpu.memref_slice %arg6[%dma_wait3A_181, %dma_wait3A_182, %dma_wait3A_183] : memref<2x128x32xf32, #tpu.memory_space<vmem>> -> memref<1x128x32xf32, #tpu.memory_space<vmem>>
        %dma_wait3A_185 = tpu.memref_squeeze %dma_wait3A_184 : memref<1x128x32xf32, #tpu.memory_space<vmem>> -> memref<128x32xf32, #tpu.memory_space<vmem>>
        %dma_wait3A_186 = tpu.memref_slice %arg2[%multiple_of3A_168, %multiple_of3A] : memref<800000x64xf32, #tpu.memory_space<hbm>> -> memref<128x32xf32, #tpu.memory_space<hbm>>
        %dma_wait3A_187 = arith.constant 0 : i32
        %dma_wait3A_188 = arith.constant 0 : i32
        %dma_wait3A_189 = tpu.memref_slice %arg6[%dma_wait3A_181, %dma_wait3A_187, %dma_wait3A_188] : memref<2x128x32xf32, #tpu.memory_space<vmem>> -> memref<1x128x32xf32, #tpu.memory_space<vmem>>
        %dma_wait3A_190 = tpu.memref_squeeze %dma_wait3A_189 : memref<1x128x32xf32, #tpu.memory_space<vmem>> -> memref<128x32xf32, #tpu.memory_space<vmem>>
        %dma_wait3A_191 = tpu.memref_slice %arg2[%multiple_of3A_168, %multiple_of3A] : memref<800000x64xf32, #tpu.memory_space<hbm>> -> memref<128x32xf32, #tpu.memory_space<hbm>>
        tpu.wait_dma2 semaphore(%arg16 : memref<!tpu.dma_semaphore, #tpu.memory_space<semaphore_mem>>) src(%dma_wait3A_191 : memref<128x32xf32, #tpu.memory_space<hbm>>) dst(%dma_wait3A_190 : memref<128x32xf32, #tpu.memory_space<vmem>>)
        %dma_start3A = arith.constant 1 : i32
        %dma_start3A_192 = arith.constant 1 : i32
        %dma_start3A_193 = arith.constant 0 : i32
        %dma_start3A_194 = arith.constant 0 : i32
        %dma_start3A_195 = tpu.memref_slice %arg7[%dma_start3A_192, %dma_start3A_193, %dma_start3A_194] : memref<2x128x32xf32, #tpu.memory_space<vmem>> -> memref<1x128x32xf32, #tpu.memory_space<vmem>>
        %dma_start3A_196 = tpu.memref_squeeze %dma_start3A_195 : memref<1x128x32xf32, #tpu.memory_space<vmem>> -> memref<128x32xf32, #tpu.memory_space<vmem>>
        %dma_start3A_197 = arith.constant 0 : i32
        %dma_start3A_198 = tpu.memref_slice %arg5[%dma_start3A, %dma_start3A_197] : memref<2x128xi32, #tpu.memory_space<vmem>> -> memref<1x128xi32, #tpu.memory_space<vmem>>
        %dma_start3A_199 = tpu.memref_squeeze %dma_start3A_198 : memref<1x128xi32, #tpu.memory_space<vmem>> -> memref<128xi32, #tpu.memory_space<vmem>>
        %dma_start3A_200 = arith.constant 0 : i32
        %dma_start3A_201 = arith.constant 0 : i32
        %dma_start3A_202 = tpu.memref_slice %arg11[%dma_start3A_200, %dma_start3A_201] : memref<50000x32xf32, #tpu.memory_space<vmem_shared>> -> memref<50000x32xf32, #tpu.memory_space<vmem_shared>>
        tpu.enqueue_indirect_dma source(%dma_start3A_202 : memref<50000x32xf32, #tpu.memory_space<vmem_shared>>) target(%dma_start3A_196 : memref<128x32xf32, #tpu.memory_space<vmem>>) offsets(%dma_start3A_199 : memref<128xi32, #tpu.memory_space<vmem>>) semaphore(%arg18 : memref<!tpu.dma_semaphore, #tpu.memory_space<semaphore_mem>>)
      } else {
      }
      %mul3A_138 = arith.constant 2 : i32
      %mul3A_139 = arith.muli %mul3A_138, %scan3A_89 : i32
      %add3A_140 = arith.constant 0 : i32
      %add3A_141 = arith.addi %mul3A_139, %add3A_140 : i32
      %mul3A_142 = arith.constant 16 : i32
      %mul3A_143 = arith.muli %add3A_141, %mul3A_142 : i32
      %add3A_144 = arith.addi %arg1, %mul3A_143 : i32
      %lt3A_145 = arith.constant 6250 : i32
      %lt3A_146 = arith.cmpi slt, %add3A_144, %lt3A_145 : i32
      %convert_element_type3A_147 = arith.extui %lt3A_146 : i1 to i32
      %cond3A_148 = arith.constant 0 : i32
      %cond3A_149 = arith.cmpi ne, %convert_element_type3A_147, %cond3A_148 : i32
      scf.if %cond3A_149 {
        %dma_wait3A = arith.constant 0 : i32
        %dma_wait3A_163 = arith.constant 0 : i32
        %dma_wait3A_164 = arith.constant 0 : i32
        %dma_wait3A_165 = arith.constant 0 : i32
        %dma_wait3A_166 = tpu.memref_slice %arg7[%dma_wait3A_163, %dma_wait3A_164, %dma_wait3A_165] : memref<2x128x32xf32, #tpu.memory_space<vmem>> -> memref<1x128x32xf32, #tpu.memory_space<vmem>>
        %dma_wait3A_167 = tpu.memref_squeeze %dma_wait3A_166 : memref<1x128x32xf32, #tpu.memory_space<vmem>> -> memref<128x32xf32, #tpu.memory_space<vmem>>
        %dma_wait3A_168 = arith.constant 0 : i32
        %dma_wait3A_169 = tpu.memref_slice %arg5[%dma_wait3A, %dma_wait3A_168] : memref<2x128xi32, #tpu.memory_space<vmem>> -> memref<1x128xi32, #tpu.memory_space<vmem>>
        %dma_wait3A_170 = tpu.memref_squeeze %dma_wait3A_169 : memref<1x128xi32, #tpu.memory_space<vmem>> -> memref<128xi32, #tpu.memory_space<vmem>>
        %dma_wait3A_171 = arith.constant 0 : i32
        %dma_wait3A_172 = arith.constant 0 : i32
        %dma_wait3A_173 = tpu.memref_slice %arg11[%dma_wait3A_171, %dma_wait3A_172] : memref<50000x32xf32, #tpu.memory_space<vmem_shared>> -> memref<50000x32xf32, #tpu.memory_space<vmem_shared>>
        tpu.wait_indirect_dma semaphore(%arg17 : memref<!tpu.dma_semaphore, #tpu.memory_space<semaphore_mem>>) src(%dma_wait3A_173 : memref<50000x32xf32, #tpu.memory_space<vmem_shared>>) dst(%dma_wait3A_167 : memref<128x32xf32, #tpu.memory_space<vmem>>)
        %parallel_loop3A = arith.constant 0 : i32
        %parallel_loop3A_174 = arith.constant 128 : i32
        %parallel_loop3A_175 = arith.constant 4 : i32
        scf.for %parallel_loop3A_202 = %parallel_loop3A to %parallel_loop3A_174 step %parallel_loop3A_175  : i32 {
          %parallel_loop3A_203 = arith.constant 0 : i32
          %parallel_loop3A_204 = arith.addi %parallel_loop3A_202, %parallel_loop3A_203 : i32
          %parallel_loop3A_205 = arith.constant 0 : i32
          %parallel_loop3A_206 = arith.index_cast %parallel_loop3A_205 : i32 to index
          %parallel_loop3A_207 = arith.index_cast %parallel_loop3A_204 : i32 to index
          %parallel_loop3A_208 = arith.constant 0 : index
          %parallel_loop3A_209 = tpu.vector_load %arg6[%parallel_loop3A_206, %parallel_loop3A_207, %parallel_loop3A_208] {strides = array<i32>} : memref<2x128x32xf32, #tpu.memory_space<vmem>>, vector<16xf32>,
          %parallel_loop3A_210 = arith.constant 0 : i32
          %parallel_loop3A_211 = arith.index_cast %parallel_loop3A_210 : i32 to index
          %parallel_loop3A_212 = arith.index_cast %parallel_loop3A_204 : i32 to index
          %parallel_loop3A_213 = arith.constant 0 : index
          %parallel_loop3A_214 = tpu.vector_load %arg7[%parallel_loop3A_211, %parallel_loop3A_212, %parallel_loop3A_213] {strides = array<i32>} : memref<2x128x32xf32, #tpu.memory_space<vmem>>, vector<16xf32>,
          %parallel_loop3A_215 = arith.subf %parallel_loop3A_209, %parallel_loop3A_214 : vector<16xf32>
          %parallel_loop3A_216 = arith.constant 0 : i32
          %parallel_loop3A_217 = arith.index_cast %parallel_loop3A_216 : i32 to index
          %parallel_loop3A_218 = arith.index_cast %parallel_loop3A_204 : i32 to index
          %parallel_loop3A_219 = arith.constant 0 : index
          %parallel_loop3A_220 = tpu.vector_load %arg7[%parallel_loop3A_217, %parallel_loop3A_218, %parallel_loop3A_219] {strides = array<i32>} : memref<2x128x32xf32, #tpu.memory_space<vmem>>, vector<16xf32>,
          tpu.vector_store %arg7[%parallel_loop3A_217, %parallel_loop3A_218, %parallel_loop3A_219], %parallel_loop3A_215 {strides = array<i32>} : memref<2x128x32xf32, #tpu.memory_space<vmem>>, vector<16xf32>,
          %parallel_loop3A_221 = arith.constant 0 : i32
          %parallel_loop3A_222 = arith.index_cast %parallel_loop3A_221 : i32 to index
          %parallel_loop3A_223 = arith.index_cast %parallel_loop3A_204 : i32 to index
          %parallel_loop3A_224 = arith.constant 16 : index
          %parallel_loop3A_225 = tpu.vector_load %arg6[%parallel_loop3A_222, %parallel_loop3A_223, %parallel_loop3A_224] {strides = array<i32>} : memref<2x128x32xf32, #tpu.memory_space<vmem>>, vector<16xf32>,
          %parallel_loop3A_226 = arith.constant 0 : i32
          %parallel_loop3A_227 = arith.index_cast %parallel_loop3A_226 : i32 to index
          %parallel_loop3A_228 = arith.index_cast %parallel_loop3A_204 : i32 to index
          %parallel_loop3A_229 = arith.constant 16 : index
          %parallel_loop3A_230 = tpu.vector_load %arg7[%parallel_loop3A_227, %parallel_loop3A_228, %parallel_loop3A_229] {strides = array<i32>} : memref<2x128x32xf32, #tpu.memory_space<vmem>>, vector<16xf32>,
          %parallel_loop3A_231 = arith.subf %parallel_loop3A_225, %parallel_loop3A_230 : vector<16xf32>
          %parallel_loop3A_232 = arith.constant 0 : i32
          %parallel_loop3A_233 = arith.index_cast %parallel_loop3A_232 : i32 to index
          %parallel_loop3A_234 = arith.index_cast %parallel_loop3A_204 : i32 to index
          %parallel_loop3A_235 = arith.constant 16 : index
          %parallel_loop3A_236 = tpu.vector_load %arg7[%parallel_loop3A_233, %parallel_loop3A_234, %parallel_loop3A_235] {strides = array<i32>} : memref<2x128x32xf32, #tpu.memory_space<vmem>>, vector<16xf32>,
          tpu.vector_store %arg7[%parallel_loop3A_233, %parallel_loop3A_234, %parallel_loop3A_235], %parallel_loop3A_231 {strides = array<i32>} : memref<2x128x32xf32, #tpu.memory_space<vmem>>, vector<16xf32>,
          %parallel_loop3A_237 = arith.constant 1 : i32
          %parallel_loop3A_238 = arith.addi %parallel_loop3A_202, %parallel_loop3A_237 : i32
          %parallel_loop3A_239 = arith.constant 0 : i32
          %parallel_loop3A_240 = arith.index_cast %parallel_loop3A_239 : i32 to index
          %parallel_loop3A_241 = arith.index_cast %parallel_loop3A_238 : i32 to index
          %parallel_loop3A_242 = arith.constant 0 : index
          %parallel_loop3A_243 = tpu.vector_load %arg6[%parallel_loop3A_240, %parallel_loop3A_241, %parallel_loop3A_242] {strides = array<i32>} : memref<2x128x32xf32, #tpu.memory_space<vmem>>, vector<16xf32>,
          %parallel_loop3A_244 = arith.constant 0 : i32
          %parallel_loop3A_245 = arith.index_cast %parallel_loop3A_244 : i32 to index
          %parallel_loop3A_246 = arith.index_cast %parallel_loop3A_238 : i32 to index
          %parallel_loop3A_247 = arith.constant 0 : index
          %parallel_loop3A_248 = tpu.vector_load %arg7[%parallel_loop3A_245, %parallel_loop3A_246, %parallel_loop3A_247] {strides = array<i32>} : memref<2x128x32xf32, #tpu.memory_space<vmem>>, vector<16xf32>,
          %parallel_loop3A_249 = arith.subf %parallel_loop3A_243, %parallel_loop3A_248 : vector<16xf32>
          %parallel_loop3A_250 = arith.constant 0 : i32
          %parallel_loop3A_251 = arith.index_cast %parallel_loop3A_250 : i32 to index
          %parallel_loop3A_252 = arith.index_cast %parallel_loop3A_238 : i32 to index
          %parallel_loop3A_253 = arith.constant 0 : index
          %parallel_loop3A_254 = tpu.vector_load %arg7[%parallel_loop3A_251, %parallel_loop3A_252, %parallel_loop3A_253] {strides = array<i32>} : memref<2x128x32xf32, #tpu.memory_space<vmem>>, vector<16xf32>,
          tpu.vector_store %arg7[%parallel_loop3A_251, %parallel_loop3A_252, %parallel_loop3A_253], %parallel_loop3A_249 {strides = array<i32>} : memref<2x128x32xf32, #tpu.memory_space<vmem>>, vector<16xf32>,
          %parallel_loop3A_255 = arith.constant 0 : i32
          %parallel_loop3A_256 = arith.index_cast %parallel_loop3A_255 : i32 to index
          %parallel_loop3A_257 = arith.index_cast %parallel_loop3A_238 : i32 to index
          %parallel_loop3A_258 = arith.constant 16 : index
          %parallel_loop3A_259 = tpu.vector_load %arg6[%parallel_loop3A_256, %parallel_loop3A_257, %parallel_loop3A_258] {strides = array<i32>} : memref<2x128x32xf32, #tpu.memory_space<vmem>>, vector<16xf32>,
          %parallel_loop3A_260 = arith.constant 0 : i32
          %parallel_loop3A_261 = arith.index_cast %parallel_loop3A_260 : i32 to index
          %parallel_loop3A_262 = arith.index_cast %parallel_loop3A_238 : i32 to index
          %parallel_loop3A_263 = arith.constant 16 : index
          %parallel_loop3A_264 = tpu.vector_load %arg7[%parallel_loop3A_261, %parallel_loop3A_262, %parallel_loop3A_263] {strides = array<i32>} : memref<2x128x32xf32, #tpu.memory_space<vmem>>, vector<16xf32>,
          %parallel_loop3A_265 = arith.subf %parallel_loop3A_259, %parallel_loop3A_264 : vector<16xf32>
          %parallel_loop3A_266 = arith.constant 0 : i32
          %parallel_loop3A_267 = arith.index_cast %parallel_loop3A_266 : i32 to index
          %parallel_loop3A_268 = arith.index_cast %parallel_loop3A_238 : i32 to index
          %parallel_loop3A_269 = arith.constant 16 : index
          %parallel_loop3A_270 = tpu.vector_load %arg7[%parallel_loop3A_267, %parallel_loop3A_268, %parallel_loop3A_269] {strides = array<i32>} : memref<2x128x32xf32, #tpu.memory_space<vmem>>, vector<16xf32>,
          tpu.vector_store %arg7[%parallel_loop3A_267, %parallel_loop3A_268, %parallel_loop3A_269], %parallel_loop3A_265 {strides = array<i32>} : memref<2x128x32xf32, #tpu.memory_space<vmem>>, vector<16xf32>,
          %parallel_loop3A_271 = arith.constant 2 : i32
          %parallel_loop3A_272 = arith.addi %parallel_loop3A_202, %parallel_loop3A_271 : i32
          %parallel_loop3A_273 = arith.constant 0 : i32
          %parallel_loop3A_274 = arith.index_cast %parallel_loop3A_273 : i32 to index
          %parallel_loop3A_275 = arith.index_cast %parallel_loop3A_272 : i32 to index
          %parallel_loop3A_276 = arith.constant 0 : index
          %parallel_loop3A_277 = tpu.vector_load %arg6[%parallel_loop3A_274, %parallel_loop3A_275, %parallel_loop3A_276] {strides = array<i32>} : memref<2x128x32xf32, #tpu.memory_space<vmem>>, vector<16xf32>,
          %parallel_loop3A_278 = arith.constant 0 : i32
          %parallel_loop3A_279 = arith.index_cast %parallel_loop3A_278 : i32 to index
          %parallel_loop3A_280 = arith.index_cast %parallel_loop3A_272 : i32 to index
          %parallel_loop3A_281 = arith.constant 0 : index
          %parallel_loop3A_282 = tpu.vector_load %arg7[%parallel_loop3A_279, %parallel_loop3A_280, %parallel_loop3A_281] {strides = array<i32>} : memref<2x128x32xf32, #tpu.memory_space<vmem>>, vector<16xf32>,
          %parallel_loop3A_283 = arith.subf %parallel_loop3A_277, %parallel_loop3A_282 : vector<16xf32>
          %parallel_loop3A_284 = arith.constant 0 : i32
          %parallel_loop3A_285 = arith.index_cast %parallel_loop3A_284 : i32 to index
          %parallel_loop3A_286 = arith.index_cast %parallel_loop3A_272 : i32 to index
          %parallel_loop3A_287 = arith.constant 0 : index
          %parallel_loop3A_288 = tpu.vector_load %arg7[%parallel_loop3A_285, %parallel_loop3A_286, %parallel_loop3A_287] {strides = array<i32>} : memref<2x128x32xf32, #tpu.memory_space<vmem>>, vector<16xf32>,
          tpu.vector_store %arg7[%parallel_loop3A_285, %parallel_loop3A_286, %parallel_loop3A_287], %parallel_loop3A_283 {strides = array<i32>} : memref<2x128x32xf32, #tpu.memory_space<vmem>>, vector<16xf32>,
          %parallel_loop3A_289 = arith.constant 0 : i32
          %parallel_loop3A_290 = arith.index_cast %parallel_loop3A_289 : i32 to index
          %parallel_loop3A_291 = arith.index_cast %parallel_loop3A_272 : i32 to index
          %parallel_loop3A_292 = arith.constant 16 : index
          %parallel_loop3A_293 = tpu.vector_load %arg6[%parallel_loop3A_290, %parallel_loop3A_291, %parallel_loop3A_292] {strides = array<i32>} : memref<2x128x32xf32, #tpu.memory_space<vmem>>, vector<16xf32>,
          %parallel_loop3A_294 = arith.constant 0 : i32
          %parallel_loop3A_295 = arith.index_cast %parallel_loop3A_294 : i32 to index
          %parallel_loop3A_296 = arith.index_cast %parallel_loop3A_272 : i32 to index
          %parallel_loop3A_297 = arith.constant 16 : index
          %parallel_loop3A_298 = tpu.vector_load %arg7[%parallel_loop3A_295, %parallel_loop3A_296, %parallel_loop3A_297] {strides = array<i32>} : memref<2x128x32xf32, #tpu.memory_space<vmem>>, vector<16xf32>,
          %parallel_loop3A_299 = arith.subf %parallel_loop3A_293, %parallel_loop3A_298 : vector<16xf32>
          %parallel_loop3A_300 = arith.constant 0 : i32
          %parallel_loop3A_301 = arith.index_cast %parallel_loop3A_300 : i32 to index
          %parallel_loop3A_302 = arith.index_cast %parallel_loop3A_272 : i32 to index
          %parallel_loop3A_303 = arith.constant 16 : index
          %parallel_loop3A_304 = tpu.vector_load %arg7[%parallel_loop3A_301, %parallel_loop3A_302, %parallel_loop3A_303] {strides = array<i32>} : memref<2x128x32xf32, #tpu.memory_space<vmem>>, vector<16xf32>,
          tpu.vector_store %arg7[%parallel_loop3A_301, %parallel_loop3A_302, %parallel_loop3A_303], %parallel_loop3A_299 {strides = array<i32>} : memref<2x128x32xf32, #tpu.memory_space<vmem>>, vector<16xf32>,
          %parallel_loop3A_305 = arith.constant 3 : i32
          %parallel_loop3A_306 = arith.addi %parallel_loop3A_202, %parallel_loop3A_305 : i32
          %parallel_loop3A_307 = arith.constant 0 : i32
          %parallel_loop3A_308 = arith.index_cast %parallel_loop3A_307 : i32 to index
          %parallel_loop3A_309 = arith.index_cast %parallel_loop3A_306 : i32 to index
          %parallel_loop3A_310 = arith.constant 0 : index
          %parallel_loop3A_311 = tpu.vector_load %arg6[%parallel_loop3A_308, %parallel_loop3A_309, %parallel_loop3A_310] {strides = array<i32>} : memref<2x128x32xf32, #tpu.memory_space<vmem>>, vector<16xf32>,
          %parallel_loop3A_312 = arith.constant 0 : i32
          %parallel_loop3A_313 = arith.index_cast %parallel_loop3A_312 : i32 to index
          %parallel_loop3A_314 = arith.index_cast %parallel_loop3A_306 : i32 to index
          %parallel_loop3A_315 = arith.constant 0 : index
          %parallel_loop3A_316 = tpu.vector_load %arg7[%parallel_loop3A_313, %parallel_loop3A_314, %parallel_loop3A_315] {strides = array<i32>} : memref<2x128x32xf32, #tpu.memory_space<vmem>>, vector<16xf32>,
          %parallel_loop3A_317 = arith.subf %parallel_loop3A_311, %parallel_loop3A_316 : vector<16xf32>
          %parallel_loop3A_318 = arith.constant 0 : i32
          %parallel_loop3A_319 = arith.index_cast %parallel_loop3A_318 : i32 to index
          %parallel_loop3A_320 = arith.index_cast %parallel_loop3A_306 : i32 to index
          %parallel_loop3A_321 = arith.constant 0 : index
          %parallel_loop3A_322 = tpu.vector_load %arg7[%parallel_loop3A_319, %parallel_loop3A_320, %parallel_loop3A_321] {strides = array<i32>} : memref<2x128x32xf32, #tpu.memory_space<vmem>>, vector<16xf32>,
          tpu.vector_store %arg7[%parallel_loop3A_319, %parallel_loop3A_320, %parallel_loop3A_321], %parallel_loop3A_317 {strides = array<i32>} : memref<2x128x32xf32, #tpu.memory_space<vmem>>, vector<16xf32>,
          %parallel_loop3A_323 = arith.constant 0 : i32
          %parallel_loop3A_324 = arith.index_cast %parallel_loop3A_323 : i32 to index
          %parallel_loop3A_325 = arith.index_cast %parallel_loop3A_306 : i32 to index
          %parallel_loop3A_326 = arith.constant 16 : index
          %parallel_loop3A_327 = tpu.vector_load %arg6[%parallel_loop3A_324, %parallel_loop3A_325, %parallel_loop3A_326] {strides = array<i32>} : memref<2x128x32xf32, #tpu.memory_space<vmem>>, vector<16xf32>,
          %parallel_loop3A_328 = arith.constant 0 : i32
          %parallel_loop3A_329 = arith.index_cast %parallel_loop3A_328 : i32 to index
          %parallel_loop3A_330 = arith.index_cast %parallel_loop3A_306 : i32 to index
          %parallel_loop3A_331 = arith.constant 16 : index
          %parallel_loop3A_332 = tpu.vector_load %arg7[%parallel_loop3A_329, %parallel_loop3A_330, %parallel_loop3A_331] {strides = array<i32>} : memref<2x128x32xf32, #tpu.memory_space<vmem>>, vector<16xf32>,
          %parallel_loop3A_333 = arith.subf %parallel_loop3A_327, %parallel_loop3A_332 : vector<16xf32>
          %parallel_loop3A_334 = arith.constant 0 : i32
          %parallel_loop3A_335 = arith.index_cast %parallel_loop3A_334 : i32 to index
          %parallel_loop3A_336 = arith.index_cast %parallel_loop3A_306 : i32 to index
          %parallel_loop3A_337 = arith.constant 16 : index
          %parallel_loop3A_338 = tpu.vector_load %arg7[%parallel_loop3A_335, %parallel_loop3A_336, %parallel_loop3A_337] {strides = array<i32>} : memref<2x128x32xf32, #tpu.memory_space<vmem>>, vector<16xf32>,
          tpu.vector_store %arg7[%parallel_loop3A_335, %parallel_loop3A_336, %parallel_loop3A_337], %parallel_loop3A_333 {strides = array<i32>} : memref<2x128x32xf32, #tpu.memory_space<vmem>>, vector<16xf32>,
        } {sc.loop_unroll_factor = 2 : i64, sc.parallel_access}
        %mul3A_176 = arith.constant 16 : i32
        %mul3A_177 = arith.muli %add3A_141, %mul3A_176 : i32
        %add3A_178 = arith.addi %arg1, %mul3A_177 : i32
        %mul3A_179 = arith.constant 128 : i32
        %mul3A_180 = arith.muli %add3A_178, %mul3A_179 : i32
        %multiple_of3A_181 = tpu.assume_multiple %mul3A_180, 128 : i32
        %dma_start3A = arith.constant 0 : i32
        %dma_start3A_182 = arith.constant 0 : i32
        %dma_start3A_183 = arith.constant 0 : i32
        %dma_start3A_184 = tpu.memref_slice %arg7[%dma_start3A, %dma_start3A_182, %dma_start3A_183] : memref<2x128x32xf32, #tpu.memory_space<vmem>> -> memref<1x128x32xf32, #tpu.memory_space<vmem>>
        %dma_start3A_185 = tpu.memref_squeeze %dma_start3A_184 : memref<1x128x32xf32, #tpu.memory_space<vmem>> -> memref<128x32xf32, #tpu.memory_space<vmem>>
        %dma_start3A_186 = tpu.memref_slice %arg4[%multiple_of3A_181, %multiple_of3A] : memref<800000x64xf32, #tpu.memory_space<hbm>> -> memref<128x32xf32, #tpu.memory_space<hbm>>
        %dma_start3A_187 = tpu.memref_slice %arg4[%multiple_of3A_181, %multiple_of3A] : memref<800000x64xf32, #tpu.memory_space<hbm>> -> memref<128x32xf32, #tpu.memory_space<hbm>>
        %dma_start3A_188 = arith.constant 0 : i32
        %dma_start3A_189 = arith.constant 0 : i32
        %dma_start3A_190 = tpu.memref_slice %arg7[%dma_start3A, %dma_start3A_188, %dma_start3A_189] : memref<2x128x32xf32, #tpu.memory_space<vmem>> -> memref<1x128x32xf32, #tpu.memory_space<vmem>>
        %dma_start3A_191 = tpu.memref_squeeze %dma_start3A_190 : memref<1x128x32xf32, #tpu.memory_space<vmem>> -> memref<128x32xf32, #tpu.memory_space<vmem>>
        tpu.enqueue_dma source(%dma_start3A_191 : memref<128x32xf32, #tpu.memory_space<vmem>>) target(%dma_start3A_187 : memref<128x32xf32, #tpu.memory_space<hbm>>) target_semaphore(%arg19 : memref<!tpu.dma_semaphore, #tpu.memory_space<semaphore_mem>>)
        %add3A_192 = arith.constant 2 : i32
        %add3A_193 = arith.addi %add3A_141, %add3A_192 : i32
        %mul3A_194 = arith.constant 16 : i32
        %mul3A_195 = arith.muli %add3A_193, %mul3A_194 : i32
        %add3A_196 = arith.addi %arg1, %mul3A_195 : i32
        %lt3A_197 = arith.constant 6250 : i32
        %lt3A_198 = arith.cmpi slt, %add3A_196, %lt3A_197 : i32
        %convert_element_type3A_199 = arith.extui %lt3A_198 : i1 to i32
        %cond3A_200 = arith.constant 0 : i32
        %cond3A_201 = arith.cmpi ne, %convert_element_type3A_199, %cond3A_200 : i32
        scf.if %cond3A_201 {
          %mul3A_202 = arith.constant 16 : i32
          %mul3A_203 = arith.muli %add3A_193, %mul3A_202 : i32
          %add3A_204 = arith.addi %arg1, %mul3A_203 : i32
          %mul3A_205 = arith.constant 128 : i32
          %mul3A_206 = arith.muli %add3A_204, %mul3A_205 : i32
          %multiple_of3A_207 = tpu.assume_multiple %mul3A_206, 128 : i32
          %dma_start3A_208 = arith.constant 0 : i32
          %dma_start3A_209 = arith.constant 0 : i32
          %dma_start3A_210 = tpu.memref_slice %arg5[%dma_start3A_208, %dma_start3A_209] : memref<2x128xi32, #tpu.memory_space<vmem>> -> memref<1x128xi32, #tpu.memory_space<vmem>>
          %dma_start3A_211 = tpu.memref_squeeze %dma_start3A_210 : memref<1x128xi32, #tpu.memory_space<vmem>> -> memref<128xi32, #tpu.memory_space<vmem>>
          %dma_start3A_212 = arith.constant 0 : i32
          %dma_start3A_213 = tpu.memref_slice %arg3[%add3A_204, %dma_start3A_212] : memref<6250x128xi32, #tpu.memory_space<hbm>> -> memref<1x128xi32, #tpu.memory_space<hbm>>
          %dma_start3A_214 = tpu.memref_squeeze %dma_start3A_213 : memref<1x128xi32, #tpu.memory_space<hbm>> -> memref<128xi32, #tpu.memory_space<hbm>>
          %dma_start3A_215 = arith.constant 0 : i32
          %dma_start3A_216 = tpu.memref_slice %arg5[%dma_start3A_208, %dma_start3A_215] : memref<2x128xi32, #tpu.memory_space<vmem>> -> memref<1x128xi32, #tpu.memory_space<vmem>>
          %dma_start3A_217 = tpu.memref_squeeze %dma_start3A_216 : memref<1x128xi32, #tpu.memory_space<vmem>> -> memref<128xi32, #tpu.memory_space<vmem>>
          %dma_start3A_218 = arith.constant 0 : i32
          %dma_start3A_219 = tpu.memref_slice %arg3[%add3A_204, %dma_start3A_218] : memref<6250x128xi32, #tpu.memory_space<hbm>> -> memref<1x128xi32, #tpu.memory_space<hbm>>
          %dma_start3A_220 = tpu.memref_squeeze %dma_start3A_219 : memref<1x128xi32, #tpu.memory_space<hbm>> -> memref<128xi32, #tpu.memory_space<hbm>>
          tpu.enqueue_dma source(%dma_start3A_220 : memref<128xi32, #tpu.memory_space<hbm>>) target(%dma_start3A_217 : memref<128xi32, #tpu.memory_space<vmem>>) target_semaphore(%arg13 : memref<!tpu.dma_semaphore, #tpu.memory_space<semaphore_mem>>)
          %dma_start3A_221 = arith.constant 0 : i32
          %dma_start3A_222 = arith.constant 0 : i32
          %dma_start3A_223 = arith.constant 0 : i32
          %dma_start3A_224 = tpu.memref_slice %arg6[%dma_start3A_221, %dma_start3A_222, %dma_start3A_223] : memref<2x128x32xf32, #tpu.memory_space<vmem>> -> memref<1x128x32xf32, #tpu.memory_space<vmem>>
          %dma_start3A_225 = tpu.memref_squeeze %dma_start3A_224 : memref<1x128x32xf32, #tpu.memory_space<vmem>> -> memref<128x32xf32, #tpu.memory_space<vmem>>
          %dma_start3A_226 = tpu.memref_slice %arg2[%multiple_of3A_207, %multiple_of3A] : memref<800000x64xf32, #tpu.memory_space<hbm>> -> memref<128x32xf32, #tpu.memory_space<hbm>>
          %dma_start3A_227 = arith.constant 0 : i32
          %dma_start3A_228 = arith.constant 0 : i32
          %dma_start3A_229 = tpu.memref_slice %arg6[%dma_start3A_221, %dma_start3A_227, %dma_start3A_228] : memref<2x128x32xf32, #tpu.memory_space<vmem>> -> memref<1x128x32xf32, #tpu.memory_space<vmem>>
          %dma_start3A_230 = tpu.memref_squeeze %dma_start3A_229 : memref<1x128x32xf32, #tpu.memory_space<vmem>> -> memref<128x32xf32, #tpu.memory_space<vmem>>
          %dma_start3A_231 = tpu.memref_slice %arg2[%multiple_of3A_207, %multiple_of3A] : memref<800000x64xf32, #tpu.memory_space<hbm>> -> memref<128x32xf32, #tpu.memory_space<hbm>>
          tpu.enqueue_dma source(%dma_start3A_231 : memref<128x32xf32, #tpu.memory_space<hbm>>) target(%dma_start3A_230 : memref<128x32xf32, #tpu.memory_space<vmem>>) target_semaphore(%arg15 : memref<!tpu.dma_semaphore, #tpu.memory_space<semaphore_mem>>)
        } else {
        }
      } else {
      }
      %mul3A_150 = arith.constant 2 : i32
      %mul3A_151 = arith.muli %mul3A_150, %scan3A_89 : i32
      %add3A_152 = arith.constant 1 : i32
      %add3A_153 = arith.addi %mul3A_151, %add3A_152 : i32
      %mul3A_154 = arith.constant 16 : i32
      %mul3A_155 = arith.muli %add3A_153, %mul3A_154 : i32
      %add3A_156 = arith.addi %arg1, %mul3A_155 : i32
      %lt3A_157 = arith.constant 6250 : i32
      %lt3A_158 = arith.cmpi slt, %add3A_156, %lt3A_157 : i32
      %convert_element_type3A_159 = arith.extui %lt3A_158 : i1 to i32
      %cond3A_160 = arith.constant 0 : i32
      %cond3A_161 = arith.cmpi ne, %convert_element_type3A_159, %cond3A_160 : i32
      scf.if %cond3A_161 {
        %dma_wait3A = arith.constant 1 : i32
        %dma_wait3A_163 = arith.constant 1 : i32
        %dma_wait3A_164 = arith.constant 0 : i32
        %dma_wait3A_165 = arith.constant 0 : i32
        %dma_wait3A_166 = tpu.memref_slice %arg7[%dma_wait3A_163, %dma_wait3A_164, %dma_wait3A_165] : memref<2x128x32xf32, #tpu.memory_space<vmem>> -> memref<1x128x32xf32, #tpu.memory_space<vmem>>
        %dma_wait3A_167 = tpu.memref_squeeze %dma_wait3A_166 : memref<1x128x32xf32, #tpu.memory_space<vmem>> -> memref<128x32xf32, #tpu.memory_space<vmem>>
        %dma_wait3A_168 = arith.constant 0 : i32
        %dma_wait3A_169 = tpu.memref_slice %arg5[%dma_wait3A, %dma_wait3A_168] : memref<2x128xi32, #tpu.memory_space<vmem>> -> memref<1x128xi32, #tpu.memory_space<vmem>>
        %dma_wait3A_170 = tpu.memref_squeeze %dma_wait3A_169 : memref<1x128xi32, #tpu.memory_space<vmem>> -> memref<128xi32, #tpu.memory_space<vmem>>
        %dma_wait3A_171 = arith.constant 0 : i32
        %dma_wait3A_172 = arith.constant 0 : i32
        %dma_wait3A_173 = tpu.memref_slice %arg11[%dma_wait3A_171, %dma_wait3A_172] : memref<50000x32xf32, #tpu.memory_space<vmem_shared>> -> memref<50000x32xf32, #tpu.memory_space<vmem_shared>>
        tpu.wait_indirect_dma semaphore(%arg18 : memref<!tpu.dma_semaphore, #tpu.memory_space<semaphore_mem>>) src(%dma_wait3A_173 : memref<50000x32xf32, #tpu.memory_space<vmem_shared>>) dst(%dma_wait3A_167 : memref<128x32xf32, #tpu.memory_space<vmem>>)
        %parallel_loop3A = arith.constant 0 : i32
        %parallel_loop3A_174 = arith.constant 128 : i32
        %parallel_loop3A_175 = arith.constant 4 : i32
        scf.for %parallel_loop3A_202 = %parallel_loop3A to %parallel_loop3A_174 step %parallel_loop3A_175  : i32 {
          %parallel_loop3A_203 = arith.constant 0 : i32
          %parallel_loop3A_204 = arith.addi %parallel_loop3A_202, %parallel_loop3A_203 : i32
          %parallel_loop3A_205 = arith.constant 1 : i32
          %parallel_loop3A_206 = arith.index_cast %parallel_loop3A_205 : i32 to index
          %parallel_loop3A_207 = arith.index_cast %parallel_loop3A_204 : i32 to index
          %parallel_loop3A_208 = arith.constant 0 : index
          %parallel_loop3A_209 = tpu.vector_load %arg6[%parallel_loop3A_206, %parallel_loop3A_207, %parallel_loop3A_208] {strides = array<i32>} : memref<2x128x32xf32, #tpu.memory_space<vmem>>, vector<16xf32>,
          %parallel_loop3A_210 = arith.constant 1 : i32
          %parallel_loop3A_211 = arith.index_cast %parallel_loop3A_210 : i32 to index
          %parallel_loop3A_212 = arith.index_cast %parallel_loop3A_204 : i32 to index
          %parallel_loop3A_213 = arith.constant 0 : index
          %parallel_loop3A_214 = tpu.vector_load %arg7[%parallel_loop3A_211, %parallel_loop3A_212, %parallel_loop3A_213] {strides = array<i32>} : memref<2x128x32xf32, #tpu.memory_space<vmem>>, vector<16xf32>,
          %parallel_loop3A_215 = arith.subf %parallel_loop3A_209, %parallel_loop3A_214 : vector<16xf32>
          %parallel_loop3A_216 = arith.constant 1 : i32
          %parallel_loop3A_217 = arith.index_cast %parallel_loop3A_216 : i32 to index
          %parallel_loop3A_218 = arith.index_cast %parallel_loop3A_204 : i32 to index
          %parallel_loop3A_219 = arith.constant 0 : index
          %parallel_loop3A_220 = tpu.vector_load %arg7[%parallel_loop3A_217, %parallel_loop3A_218, %parallel_loop3A_219] {strides = array<i32>} : memref<2x128x32xf32, #tpu.memory_space<vmem>>, vector<16xf32>,
          tpu.vector_store %arg7[%parallel_loop3A_217, %parallel_loop3A_218, %parallel_loop3A_219], %parallel_loop3A_215 {strides = array<i32>} : memref<2x128x32xf32, #tpu.memory_space<vmem>>, vector<16xf32>,
          %parallel_loop3A_221 = arith.constant 1 : i32
          %parallel_loop3A_222 = arith.index_cast %parallel_loop3A_221 : i32 to index
          %parallel_loop3A_223 = arith.index_cast %parallel_loop3A_204 : i32 to index
          %parallel_loop3A_224 = arith.constant 16 : index
          %parallel_loop3A_225 = tpu.vector_load %arg6[%parallel_loop3A_222, %parallel_loop3A_223, %parallel_loop3A_224] {strides = array<i32>} : memref<2x128x32xf32, #tpu.memory_space<vmem>>, vector<16xf32>,
          %parallel_loop3A_226 = arith.constant 1 : i32
          %parallel_loop3A_227 = arith.index_cast %parallel_loop3A_226 : i32 to index
          %parallel_loop3A_228 = arith.index_cast %parallel_loop3A_204 : i32 to index
          %parallel_loop3A_229 = arith.constant 16 : index
          %parallel_loop3A_230 = tpu.vector_load %arg7[%parallel_loop3A_227, %parallel_loop3A_228, %parallel_loop3A_229] {strides = array<i32>} : memref<2x128x32xf32, #tpu.memory_space<vmem>>, vector<16xf32>,
          %parallel_loop3A_231 = arith.subf %parallel_loop3A_225, %parallel_loop3A_230 : vector<16xf32>
          %parallel_loop3A_232 = arith.constant 1 : i32
          %parallel_loop3A_233 = arith.index_cast %parallel_loop3A_232 : i32 to index
          %parallel_loop3A_234 = arith.index_cast %parallel_loop3A_204 : i32 to index
          %parallel_loop3A_235 = arith.constant 16 : index
          %parallel_loop3A_236 = tpu.vector_load %arg7[%parallel_loop3A_233, %parallel_loop3A_234, %parallel_loop3A_235] {strides = array<i32>} : memref<2x128x32xf32, #tpu.memory_space<vmem>>, vector<16xf32>,
          tpu.vector_store %arg7[%parallel_loop3A_233, %parallel_loop3A_234, %parallel_loop3A_235], %parallel_loop3A_231 {strides = array<i32>} : memref<2x128x32xf32, #tpu.memory_space<vmem>>, vector<16xf32>,
          %parallel_loop3A_237 = arith.constant 1 : i32
          %parallel_loop3A_238 = arith.addi %parallel_loop3A_202, %parallel_loop3A_237 : i32
          %parallel_loop3A_239 = arith.constant 1 : i32
          %parallel_loop3A_240 = arith.index_cast %parallel_loop3A_239 : i32 to index
          %parallel_loop3A_241 = arith.index_cast %parallel_loop3A_238 : i32 to index
          %parallel_loop3A_242 = arith.constant 0 : index
          %parallel_loop3A_243 = tpu.vector_load %arg6[%parallel_loop3A_240, %parallel_loop3A_241, %parallel_loop3A_242] {strides = array<i32>} : memref<2x128x32xf32, #tpu.memory_space<vmem>>, vector<16xf32>,
          %parallel_loop3A_244 = arith.constant 1 : i32
          %parallel_loop3A_245 = arith.index_cast %parallel_loop3A_244 : i32 to index
          %parallel_loop3A_246 = arith.index_cast %parallel_loop3A_238 : i32 to index
          %parallel_loop3A_247 = arith.constant 0 : index
          %parallel_loop3A_248 = tpu.vector_load %arg7[%parallel_loop3A_245, %parallel_loop3A_246, %parallel_loop3A_247] {strides = array<i32>} : memref<2x128x32xf32, #tpu.memory_space<vmem>>, vector<16xf32>,
          %parallel_loop3A_249 = arith.subf %parallel_loop3A_243, %parallel_loop3A_248 : vector<16xf32>
          %parallel_loop3A_250 = arith.constant 1 : i32
          %parallel_loop3A_251 = arith.index_cast %parallel_loop3A_250 : i32 to index
          %parallel_loop3A_252 = arith.index_cast %parallel_loop3A_238 : i32 to index
          %parallel_loop3A_253 = arith.constant 0 : index
          %parallel_loop3A_254 = tpu.vector_load %arg7[%parallel_loop3A_251, %parallel_loop3A_252, %parallel_loop3A_253] {strides = array<i32>} : memref<2x128x32xf32, #tpu.memory_space<vmem>>, vector<16xf32>,
          tpu.vector_store %arg7[%parallel_loop3A_251, %parallel_loop3A_252, %parallel_loop3A_253], %parallel_loop3A_249 {strides = array<i32>} : memref<2x128x32xf32, #tpu.memory_space<vmem>>, vector<16xf32>,
          %parallel_loop3A_255 = arith.constant 1 : i32
          %parallel_loop3A_256 = arith.index_cast %parallel_loop3A_255 : i32 to index
          %parallel_loop3A_257 = arith.index_cast %parallel_loop3A_238 : i32 to index
          %parallel_loop3A_258 = arith.constant 16 : index
          %parallel_loop3A_259 = tpu.vector_load %arg6[%parallel_loop3A_256, %parallel_loop3A_257, %parallel_loop3A_258] {strides = array<i32>} : memref<2x128x32xf32, #tpu.memory_space<vmem>>, vector<16xf32>,
          %parallel_loop3A_260 = arith.constant 1 : i32
          %parallel_loop3A_261 = arith.index_cast %parallel_loop3A_260 : i32 to index
          %parallel_loop3A_262 = arith.index_cast %parallel_loop3A_238 : i32 to index
          %parallel_loop3A_263 = arith.constant 16 : index
          %parallel_loop3A_264 = tpu.vector_load %arg7[%parallel_loop3A_261, %parallel_loop3A_262, %parallel_loop3A_263] {strides = array<i32>} : memref<2x128x32xf32, #tpu.memory_space<vmem>>, vector<16xf32>,
          %parallel_loop3A_265 = arith.subf %parallel_loop3A_259, %parallel_loop3A_264 : vector<16xf32>
          %parallel_loop3A_266 = arith.constant 1 : i32
          %parallel_loop3A_267 = arith.index_cast %parallel_loop3A_266 : i32 to index
          %parallel_loop3A_268 = arith.index_cast %parallel_loop3A_238 : i32 to index
          %parallel_loop3A_269 = arith.constant 16 : index
          %parallel_loop3A_270 = tpu.vector_load %arg7[%parallel_loop3A_267, %parallel_loop3A_268, %parallel_loop3A_269] {strides = array<i32>} : memref<2x128x32xf32, #tpu.memory_space<vmem>>, vector<16xf32>,
          tpu.vector_store %arg7[%parallel_loop3A_267, %parallel_loop3A_268, %parallel_loop3A_269], %parallel_loop3A_265 {strides = array<i32>} : memref<2x128x32xf32, #tpu.memory_space<vmem>>, vector<16xf32>,
          %parallel_loop3A_271 = arith.constant 2 : i32
          %parallel_loop3A_272 = arith.addi %parallel_loop3A_202, %parallel_loop3A_271 : i32
          %parallel_loop3A_273 = arith.constant 1 : i32
          %parallel_loop3A_274 = arith.index_cast %parallel_loop3A_273 : i32 to index
          %parallel_loop3A_275 = arith.index_cast %parallel_loop3A_272 : i32 to index
          %parallel_loop3A_276 = arith.constant 0 : index
          %parallel_loop3A_277 = tpu.vector_load %arg6[%parallel_loop3A_274, %parallel_loop3A_275, %parallel_loop3A_276] {strides = array<i32>} : memref<2x128x32xf32, #tpu.memory_space<vmem>>, vector<16xf32>,
          %parallel_loop3A_278 = arith.constant 1 : i32
          %parallel_loop3A_279 = arith.index_cast %parallel_loop3A_278 : i32 to index
          %parallel_loop3A_280 = arith.index_cast %parallel_loop3A_272 : i32 to index
          %parallel_loop3A_281 = arith.constant 0 : index
          %parallel_loop3A_282 = tpu.vector_load %arg7[%parallel_loop3A_279, %parallel_loop3A_280, %parallel_loop3A_281] {strides = array<i32>} : memref<2x128x32xf32, #tpu.memory_space<vmem>>, vector<16xf32>,
          %parallel_loop3A_283 = arith.subf %parallel_loop3A_277, %parallel_loop3A_282 : vector<16xf32>
          %parallel_loop3A_284 = arith.constant 1 : i32
          %parallel_loop3A_285 = arith.index_cast %parallel_loop3A_284 : i32 to index
          %parallel_loop3A_286 = arith.index_cast %parallel_loop3A_272 : i32 to index
          %parallel_loop3A_287 = arith.constant 0 : index
          %parallel_loop3A_288 = tpu.vector_load %arg7[%parallel_loop3A_285, %parallel_loop3A_286, %parallel_loop3A_287] {strides = array<i32>} : memref<2x128x32xf32, #tpu.memory_space<vmem>>, vector<16xf32>,
          tpu.vector_store %arg7[%parallel_loop3A_285, %parallel_loop3A_286, %parallel_loop3A_287], %parallel_loop3A_283 {strides = array<i32>} : memref<2x128x32xf32, #tpu.memory_space<vmem>>, vector<16xf32>,
          %parallel_loop3A_289 = arith.constant 1 : i32
          %parallel_loop3A_290 = arith.index_cast %parallel_loop3A_289 : i32 to index
          %parallel_loop3A_291 = arith.index_cast %parallel_loop3A_272 : i32 to index
          %parallel_loop3A_292 = arith.constant 16 : index
          %parallel_loop3A_293 = tpu.vector_load %arg6[%parallel_loop3A_290, %parallel_loop3A_291, %parallel_loop3A_292] {strides = array<i32>} : memref<2x128x32xf32, #tpu.memory_space<vmem>>, vector<16xf32>,
          %parallel_loop3A_294 = arith.constant 1 : i32
          %parallel_loop3A_295 = arith.index_cast %parallel_loop3A_294 : i32 to index
          %parallel_loop3A_296 = arith.index_cast %parallel_loop3A_272 : i32 to index
          %parallel_loop3A_297 = arith.constant 16 : index
          %parallel_loop3A_298 = tpu.vector_load %arg7[%parallel_loop3A_295, %parallel_loop3A_296, %parallel_loop3A_297] {strides = array<i32>} : memref<2x128x32xf32, #tpu.memory_space<vmem>>, vector<16xf32>,
          %parallel_loop3A_299 = arith.subf %parallel_loop3A_293, %parallel_loop3A_298 : vector<16xf32>
          %parallel_loop3A_300 = arith.constant 1 : i32
          %parallel_loop3A_301 = arith.index_cast %parallel_loop3A_300 : i32 to index
          %parallel_loop3A_302 = arith.index_cast %parallel_loop3A_272 : i32 to index
          %parallel_loop3A_303 = arith.constant 16 : index
          %parallel_loop3A_304 = tpu.vector_load %arg7[%parallel_loop3A_301, %parallel_loop3A_302, %parallel_loop3A_303] {strides = array<i32>} : memref<2x128x32xf32, #tpu.memory_space<vmem>>, vector<16xf32>,
          tpu.vector_store %arg7[%parallel_loop3A_301, %parallel_loop3A_302, %parallel_loop3A_303], %parallel_loop3A_299 {strides = array<i32>} : memref<2x128x32xf32, #tpu.memory_space<vmem>>, vector<16xf32>,
          %parallel_loop3A_305 = arith.constant 3 : i32
          %parallel_loop3A_306 = arith.addi %parallel_loop3A_202, %parallel_loop3A_305 : i32
          %parallel_loop3A_307 = arith.constant 1 : i32
          %parallel_loop3A_308 = arith.index_cast %parallel_loop3A_307 : i32 to index
          %parallel_loop3A_309 = arith.index_cast %parallel_loop3A_306 : i32 to index
          %parallel_loop3A_310 = arith.constant 0 : index
          %parallel_loop3A_311 = tpu.vector_load %arg6[%parallel_loop3A_308, %parallel_loop3A_309, %parallel_loop3A_310] {strides = array<i32>} : memref<2x128x32xf32, #tpu.memory_space<vmem>>, vector<16xf32>,
          %parallel_loop3A_312 = arith.constant 1 : i32
          %parallel_loop3A_313 = arith.index_cast %parallel_loop3A_312 : i32 to index
          %parallel_loop3A_314 = arith.index_cast %parallel_loop3A_306 : i32 to index
          %parallel_loop3A_315 = arith.constant 0 : index
          %parallel_loop3A_316 = tpu.vector_load %arg7[%parallel_loop3A_313, %parallel_loop3A_314, %parallel_loop3A_315] {strides = array<i32>} : memref<2x128x32xf32, #tpu.memory_space<vmem>>, vector<16xf32>,
          %parallel_loop3A_317 = arith.subf %parallel_loop3A_311, %parallel_loop3A_316 : vector<16xf32>
          %parallel_loop3A_318 = arith.constant 1 : i32
          %parallel_loop3A_319 = arith.index_cast %parallel_loop3A_318 : i32 to index
          %parallel_loop3A_320 = arith.index_cast %parallel_loop3A_306 : i32 to index
          %parallel_loop3A_321 = arith.constant 0 : index
          %parallel_loop3A_322 = tpu.vector_load %arg7[%parallel_loop3A_319, %parallel_loop3A_320, %parallel_loop3A_321] {strides = array<i32>} : memref<2x128x32xf32, #tpu.memory_space<vmem>>, vector<16xf32>,
          tpu.vector_store %arg7[%parallel_loop3A_319, %parallel_loop3A_320, %parallel_loop3A_321], %parallel_loop3A_317 {strides = array<i32>} : memref<2x128x32xf32, #tpu.memory_space<vmem>>, vector<16xf32>,
          %parallel_loop3A_323 = arith.constant 1 : i32
          %parallel_loop3A_324 = arith.index_cast %parallel_loop3A_323 : i32 to index
          %parallel_loop3A_325 = arith.index_cast %parallel_loop3A_306 : i32 to index
          %parallel_loop3A_326 = arith.constant 16 : index
          %parallel_loop3A_327 = tpu.vector_load %arg6[%parallel_loop3A_324, %parallel_loop3A_325, %parallel_loop3A_326] {strides = array<i32>} : memref<2x128x32xf32, #tpu.memory_space<vmem>>, vector<16xf32>,
          %parallel_loop3A_328 = arith.constant 1 : i32
          %parallel_loop3A_329 = arith.index_cast %parallel_loop3A_328 : i32 to index
          %parallel_loop3A_330 = arith.index_cast %parallel_loop3A_306 : i32 to index
          %parallel_loop3A_331 = arith.constant 16 : index
          %parallel_loop3A_332 = tpu.vector_load %arg7[%parallel_loop3A_329, %parallel_loop3A_330, %parallel_loop3A_331] {strides = array<i32>} : memref<2x128x32xf32, #tpu.memory_space<vmem>>, vector<16xf32>,
          %parallel_loop3A_333 = arith.subf %parallel_loop3A_327, %parallel_loop3A_332 : vector<16xf32>
          %parallel_loop3A_334 = arith.constant 1 : i32
          %parallel_loop3A_335 = arith.index_cast %parallel_loop3A_334 : i32 to index
          %parallel_loop3A_336 = arith.index_cast %parallel_loop3A_306 : i32 to index
          %parallel_loop3A_337 = arith.constant 16 : index
          %parallel_loop3A_338 = tpu.vector_load %arg7[%parallel_loop3A_335, %parallel_loop3A_336, %parallel_loop3A_337] {strides = array<i32>} : memref<2x128x32xf32, #tpu.memory_space<vmem>>, vector<16xf32>,
          tpu.vector_store %arg7[%parallel_loop3A_335, %parallel_loop3A_336, %parallel_loop3A_337], %parallel_loop3A_333 {strides = array<i32>} : memref<2x128x32xf32, #tpu.memory_space<vmem>>, vector<16xf32>,
        } {sc.loop_unroll_factor = 2 : i64, sc.parallel_access}
        %mul3A_176 = arith.constant 16 : i32
        %mul3A_177 = arith.muli %add3A_153, %mul3A_176 : i32
        %add3A_178 = arith.addi %arg1, %mul3A_177 : i32
        %mul3A_179 = arith.constant 128 : i32
        %mul3A_180 = arith.muli %add3A_178, %mul3A_179 : i32
        %multiple_of3A_181 = tpu.assume_multiple %mul3A_180, 128 : i32
        %dma_start3A = arith.constant 1 : i32
        %dma_start3A_182 = arith.constant 0 : i32
        %dma_start3A_183 = arith.constant 0 : i32
        %dma_start3A_184 = tpu.memref_slice %arg7[%dma_start3A, %dma_start3A_182, %dma_start3A_183] : memref<2x128x32xf32, #tpu.memory_space<vmem>> -> memref<1x128x32xf32, #tpu.memory_space<vmem>>
        %dma_start3A_185 = tpu.memref_squeeze %dma_start3A_184 : memref<1x128x32xf32, #tpu.memory_space<vmem>> -> memref<128x32xf32, #tpu.memory_space<vmem>>
        %dma_start3A_186 = tpu.memref_slice %arg4[%multiple_of3A_181, %multiple_of3A] : memref<800000x64xf32, #tpu.memory_space<hbm>> -> memref<128x32xf32, #tpu.memory_space<hbm>>
        %dma_start3A_187 = tpu.memref_slice %arg4[%multiple_of3A_181, %multiple_of3A] : memref<800000x64xf32, #tpu.memory_space<hbm>> -> memref<128x32xf32, #tpu.memory_space<hbm>>
        %dma_start3A_188 = arith.constant 0 : i32
        %dma_start3A_189 = arith.constant 0 : i32
        %dma_start3A_190 = tpu.memref_slice %arg7[%dma_start3A, %dma_start3A_188, %dma_start3A_189] : memref<2x128x32xf32, #tpu.memory_space<vmem>> -> memref<1x128x32xf32, #tpu.memory_space<vmem>>
        %dma_start3A_191 = tpu.memref_squeeze %dma_start3A_190 : memref<1x128x32xf32, #tpu.memory_space<vmem>> -> memref<128x32xf32, #tpu.memory_space<vmem>>
        tpu.enqueue_dma source(%dma_start3A_191 : memref<128x32xf32, #tpu.memory_space<vmem>>) target(%dma_start3A_187 : memref<128x32xf32, #tpu.memory_space<hbm>>) target_semaphore(%arg20 : memref<!tpu.dma_semaphore, #tpu.memory_space<semaphore_mem>>)
        %add3A_192 = arith.constant 2 : i32
        %add3A_193 = arith.addi %add3A_153, %add3A_192 : i32
        %mul3A_194 = arith.constant 16 : i32
        %mul3A_195 = arith.muli %add3A_193, %mul3A_194 : i32
        %add3A_196 = arith.addi %arg1, %mul3A_195 : i32
        %lt3A_197 = arith.constant 6250 : i32
        %lt3A_198 = arith.cmpi slt, %add3A_196, %lt3A_197 : i32
        %convert_element_type3A_199 = arith.extui %lt3A_198 : i1 to i32
        %cond3A_200 = arith.constant 0 : i32
        %cond3A_201 = arith.cmpi ne, %convert_element_type3A_199, %cond3A_200 : i32
        scf.if %cond3A_201 {
          %mul3A_202 = arith.constant 16 : i32
          %mul3A_203 = arith.muli %add3A_193, %mul3A_202 : i32
          %add3A_204 = arith.addi %arg1, %mul3A_203 : i32
          %mul3A_205 = arith.constant 128 : i32
          %mul3A_206 = arith.muli %add3A_204, %mul3A_205 : i32
          %multiple_of3A_207 = tpu.assume_multiple %mul3A_206, 128 : i32
          %dma_start3A_208 = arith.constant 1 : i32
          %dma_start3A_209 = arith.constant 0 : i32
          %dma_start3A_210 = tpu.memref_slice %arg5[%dma_start3A_208, %dma_start3A_209] : memref<2x128xi32, #tpu.memory_space<vmem>> -> memref<1x128xi32, #tpu.memory_space<vmem>>
          %dma_start3A_211 = tpu.memref_squeeze %dma_start3A_210 : memref<1x128xi32, #tpu.memory_space<vmem>> -> memref<128xi32, #tpu.memory_space<vmem>>
          %dma_start3A_212 = arith.constant 0 : i32
          %dma_start3A_213 = tpu.memref_slice %arg3[%add3A_204, %dma_start3A_212] : memref<6250x128xi32, #tpu.memory_space<hbm>> -> memref<1x128xi32, #tpu.memory_space<hbm>>
          %dma_start3A_214 = tpu.memref_squeeze %dma_start3A_213 : memref<1x128xi32, #tpu.memory_space<hbm>> -> memref<128xi32, #tpu.memory_space<hbm>>
          %dma_start3A_215 = arith.constant 0 : i32
          %dma_start3A_216 = tpu.memref_slice %arg5[%dma_start3A_208, %dma_start3A_215] : memref<2x128xi32, #tpu.memory_space<vmem>> -> memref<1x128xi32, #tpu.memory_space<vmem>>
          %dma_start3A_217 = tpu.memref_squeeze %dma_start3A_216 : memref<1x128xi32, #tpu.memory_space<vmem>> -> memref<128xi32, #tpu.memory_space<vmem>>
          %dma_start3A_218 = arith.constant 0 : i32
          %dma_start3A_219 = tpu.memref_slice %arg3[%add3A_204, %dma_start3A_218] : memref<6250x128xi32, #tpu.memory_space<hbm>> -> memref<1x128xi32, #tpu.memory_space<hbm>>
          %dma_start3A_220 = tpu.memref_squeeze %dma_start3A_219 : memref<1x128xi32, #tpu.memory_space<hbm>> -> memref<128xi32, #tpu.memory_space<hbm>>
          tpu.enqueue_dma source(%dma_start3A_220 : memref<128xi32, #tpu.memory_space<hbm>>) target(%dma_start3A_217 : memref<128xi32, #tpu.memory_space<vmem>>) target_semaphore(%arg14 : memref<!tpu.dma_semaphore, #tpu.memory_space<semaphore_mem>>)
          %dma_start3A_221 = arith.constant 1 : i32
          %dma_start3A_222 = arith.constant 0 : i32
          %dma_start3A_223 = arith.constant 0 : i32
          %dma_start3A_224 = tpu.memref_slice %arg6[%dma_start3A_221, %dma_start3A_222, %dma_start3A_223] : memref<2x128x32xf32, #tpu.memory_space<vmem>> -> memref<1x128x32xf32, #tpu.memory_space<vmem>>
          %dma_start3A_225 = tpu.memref_squeeze %dma_start3A_224 : memref<1x128x32xf32, #tpu.memory_space<vmem>> -> memref<128x32xf32, #tpu.memory_space<vmem>>
          %dma_start3A_226 = tpu.memref_slice %arg2[%multiple_of3A_207, %multiple_of3A] : memref<800000x64xf32, #tpu.memory_space<hbm>> -> memref<128x32xf32, #tpu.memory_space<hbm>>
          %dma_start3A_227 = arith.constant 0 : i32
          %dma_start3A_228 = arith.constant 0 : i32
          %dma_start3A_229 = tpu.memref_slice %arg6[%dma_start3A_221, %dma_start3A_227, %dma_start3A_228] : memref<2x128x32xf32, #tpu.memory_space<vmem>> -> memref<1x128x32xf32, #tpu.memory_space<vmem>>
          %dma_start3A_230 = tpu.memref_squeeze %dma_start3A_229 : memref<1x128x32xf32, #tpu.memory_space<vmem>> -> memref<128x32xf32, #tpu.memory_space<vmem>>
          %dma_start3A_231 = tpu.memref_slice %arg2[%multiple_of3A_207, %multiple_of3A] : memref<800000x64xf32, #tpu.memory_space<hbm>> -> memref<128x32xf32, #tpu.memory_space<hbm>>
          tpu.enqueue_dma source(%dma_start3A_231 : memref<128x32xf32, #tpu.memory_space<hbm>>) target(%dma_start3A_230 : memref<128x32xf32, #tpu.memory_space<vmem>>) target_semaphore(%arg16 : memref<!tpu.dma_semaphore, #tpu.memory_space<semaphore_mem>>)
        } else {
        }
      } else {
      }
      %scan3A_162 = arith.constant 0 : i32
      scf.yield %scan3A_162 : i32
    }
    %scan3A_88 = arith.constant 197 : i32
    return
  }
}

</mosaic_0001>

<sc_bundles>
// kernel: kernel.3.cloned.1.call-start
scs
__scs_entry_jumppad:
0x0: {  	(pc) =	sbr.rel $0x88, $3  }
0x1: {  	(tag) =	ssettag $0x0;
	lr =	simm.s32 $0x1  }
0x2: {  	[smem:$0x3F9F] =	sst lr;
	_ =	strace $0xD0000000  }
0x3: {  	_ = 	snop  }
0x4: {  	_ = 	snop  }
0x5: {  	_ = 	snop  }
0x6: {  	_ = 	snop  }
0x7: {  	_ = 	snop  }
__scs_overlays_trampoline_lowered:
0x8: {  	[smem:$0x3FAE] =	sst s0  }
0x9: {  	[smem:$0x3FAF] =	sst s1  }
0xa: {  	[smem:$0x3FB0] =	sst s2  }
0xb: {  	[smem:$0x3FB1] =	sst s3  }
0xc: {  	[smem:$0x3FB2] =	sst s4  }
0xd: {  	[smem:$0x3FB3] =	sst s5  }
0xe: {  	[smem:$0x3FB4] =	sst s6  }
0xf: {  	[smem:$0x3FB5] =	sst s7  }
0x10: {  	[smem:$0x3FB6] =	sst s8  }
0x11: {  	[smem:$0x3FB7] =	sst s9;
	s0 =	simm.s32 @!p0 $0x0  }
0x12: {  	s1 =	sld [smem:$0x3F9D];
	s0 =	simm.s32 @p0 $0x1  }
0x13: {  	[smem:$0x3FB8] =	sst s0;
	s0 =	simm.s32 @!p1 $0x0  }
0x14: {  	s2 =	sld [smem:$0x3F9C];
	s0 =	simm.s32 @p1 $0x1  }
0x15: {  	[smem:$0x3FB9] =	sst s0;
	s0 =	simm.s32 @!p2 $0x0  }
0x16: {  	s3 =	sld [smem:$0x3FDB];
	s0 =	simm.s32 @p2 $0x1  }
0x17: {  	s4 =	simm.s32 $0x1BF5;
	[smem:$0x3FBB] =	sst s0  }
0x18: {  	s0 =	sld [smem:$0x3F9E];
	_ =	swait.ge [sflag:s4], $0x0  }
0x19: {  	s7 =	sld [smem:$0x3F9F]  }
0x1a: {  	s8 =	sadd.s32 $0xFFFFE003, lr  }
0x1b: {  	s9 =	sadd.s32 $0xFFFFFEF7, lr;
	s5 =	simm.s32 $0xFFFFFFFF;
	p2 =	slt.u32 s8, $0xFFFFF086  }
0x1c: {  	p1 =	slt.u32 s9, $0xF7A;
	s5 =	simm.s32 @!p2 $0x0  }
0x1d: {  	s5 =	simm.s32 @p1 $0x1;
	p0 =	seq.s32 s7, s2  }
0x1e: {  	s7 =	smul.u32 @!p0 $0xF7A, s2;
	p2 =	seq.s32 @!p0 s5, $0x0  }
0x1f: {  	s9 =	smul.u32 $0xF7A, s1;
	s8 =	simm.s32 @!p0 $0x1BF5;
	p2 =	por !p2, p0  }
0x20: {  	[sflag:s8] =	ssyncset.s32 @!p0 $0xFFFFF086;
	s6 =	sadd.s32 @!p0 s3, s7;
	s7 =	simm.s32 @!p0 $0x108  }
0x21: {  	s3 =	sadd.s32 s3, s9;
	s6 =	sadd.s32 @!p0 $0x88, s6;
	s7 =	simm.s32 @p2 $0x1082  }
0x22: {  	[simem:s7], [sflag:s8] =	dma.local @!p0 [hbm:s6], $0xF7A  }
0x23: {  	s9 =	sor.u32 $0xD0000000, s2;
	s6 =	simm.s32 $0x108;
	_ =	swait.ge @!p0 [sflag:s8], $0x0  }
0x24: {  	s3 =	sadd.s32 $0x88, s3;
	s6 =	simm.s32 @!p1 $0x1082;
	[sflag:s4] =	ssyncset.s32 $0xFFFFF086  }
0x25: {  	[simem:s6], [sflag:s4] =	dma.local [hbm:s3], $0xF7A  }
0x26: {  	[smem:$0x3F9F] =	sst s1;
	(tag) =	ssettag s2;
	_ =	strace s9  }
0x27: {  	s1 =	sld [smem:$0x3FAF]  }
0x28: {  	s2 =	sld [smem:$0x3FB0]  }
0x29: {  	s4 =	sld [smem:$0x3FB2]  }
0x2a: {  	p0 =	seq.s32 s5, $0x0;
	s5 =	sld [smem:$0x3FB3]  }
0x2b: {  	s6 =	sld [smem:$0x3FB4]  }
0x2c: {  	s7 =	sld [smem:$0x3FB5]  }
0x2d: {  	s3 =	simm.s32 $0x108;
	s8 =	sld [smem:$0x3FB6]  }
0x2e: {  	s3 =	simm.s32 @!p0 $0x1082;
	s9 =	sld [smem:$0x3FB7]  }
0x2f: {  	lr =	sadd.s32 s0, s3;
	s0 =	sld [smem:$0x3FAE]  }
0x30: {  	s3 =	sld [smem:$0x3FB1]  }
0x31: {  	[smem:$0x3FBA] =	sst s10  }
0x32: {  	s10 =	sld [smem:$0x3FB8];
	_ =	sdelay $0x3  }
0x33: {  	p0 =	seq.s32 s10, $0x1;
	s10 =	sld [smem:$0x3FBA];
	_ =	sdelay $0x3  }
0x34: {  	[smem:$0x3FBA] =	sst s10  }
0x35: {  	s10 =	sld [smem:$0x3FB9];
	_ =	sdelay $0x3  }
0x36: {  	p1 =	seq.s32 s10, $0x1;
	s10 =	sld [smem:$0x3FBA];
	_ =	sdelay $0x3  }
0x37: {  	[smem:$0x3FBA] =	sst s10  }
0x38: {  	s10 =	sld [smem:$0x3FBB]  }
0x39: {  	_ = 	snop;
	(pc) =	sbr.ind lr, $3  }
0x3a: {  	_ = 	snop  }
0x3b: {  	_ = 	snop  }
0x3c: {  	p2 =	seq.s32 s10, $0x1;
	s10 =	sld [smem:$0x3FBA]  }
0x3d: {  	_ =	shalt  }
0x3e: {  	_ =	shalt  }
0x3f: {  	_ =	shalt  }
0x40: {  	_ =	shalt  }
0x41: {  	_ =	shalt  }
0x42: {  	_ =	shalt  }
0x43: {  	_ =	shalt  }
0x44: {  	_ =	shalt  }
0x45: {  	_ =	shalt  }
0x46: {  	_ =	shalt  }
0x47: {  	_ =	shalt  }
0x48: {  	_ =	shalt  }
0x49: {  	_ =	shalt  }
0x4a: {  	_ =	shalt  }
0x4b: {  	_ =	shalt  }
0x4c: {  	_ =	shalt  }
0x4d: {  	_ =	shalt  }
0x4e: {  	_ =	shalt  }
0x4f: {  	_ =	shalt  }
0x50: {  	_ =	shalt  }
0x51: {  	_ =	shalt  }
0x52: {  	_ =	shalt  }
0x53: {  	_ =	shalt  }
0x54: {  	_ =	shalt  }
0x55: {  	_ =	shalt  }
0x56: {  	_ =	shalt  }
0x57: {  	_ =	shalt  }
0x58: {  	_ =	shalt  }
0x59: {  	_ =	shalt  }
0x5a: {  	_ =	shalt  }
0x5b: {  	_ =	shalt  }
0x5c: {  	_ =	shalt  }
0x5d: {  	_ =	shalt  }
0x5e: {  	_ =	shalt  }
0x5f: {  	_ =	shalt  }
0x60: {  	_ =	shalt  }
0x61: {  	_ =	shalt  }
0x62: {  	_ =	shalt  }
0x63: {  	_ =	shalt  }
0x64: {  	_ =	shalt  }
0x65: {  	_ =	shalt  }
0x66: {  	_ =	shalt  }
0x67: {  	_ =	shalt  }
0x68: {  	_ =	shalt  }
0x69: {  	_ =	shalt  }
0x6a: {  	_ =	shalt  }
0x6b: {  	_ =	shalt  }
0x6c: {  	_ =	shalt  }
0x6d: {  	_ =	shalt  }
0x6e: {  	_ =	shalt  }
0x6f: {  	_ =	shalt  }
0x70: {  	_ =	shalt  }
0x71: {  	_ =	shalt  }
0x72: {  	_ =	shalt  }
0x73: {  	_ =	shalt  }
0x74: {  	_ =	shalt  }
0x75: {  	_ =	shalt  }
0x76: {  	_ =	shalt  }
0x77: {  	_ =	shalt  }
0x78: {  	_ =	shalt  }
0x79: {  	_ =	shalt  }
0x7a: {  	_ =	shalt  }
0x7b: {  	_ =	shalt  }
0x7c: {  	_ =	shalt  }
0x7d: {  	_ =	shalt  }
0x7e: {  	_ =	shalt  }
0x7f: {  	_ =	shalt  }
0x80: {  	_ =	shalt  }
0x81: {  	_ =	shalt  }
0x82: {  	_ =	shalt  }
0x83: {  	_ =	shalt  }
0x84: {  	_ =	shalt  }
0x85: {  	_ =	shalt  }
0x86: {  	_ =	shalt  }
0x87: {  	_ =	shalt  }
.Lfunc_end0:
.L_simem_size_0:
called_computation.1_lowered:
.L_overlay_start_0:
0x88: {  	s2 =	sld [smem:$0x3FD9]  }
0x89: {  	s3 =	sld [smem:$0x3FFE];
	_ =	sdelay $0x1  }
0x8a: {  	s1 =	srdreg.scid  }
0x8b: {  	s0 =	sand.u32 $0x1, s1  }
0x8c: {  	s17 =	sshll.u32 s0, $0xA;
	s2 =	sadd.s32 s3, s2  }
0x8d: {  	s2 =	sadd.s32 s2, s17  }
0x8e: {  	[smem:$0x3FC6] =	sst s2  }
0x8f: {  	_ = 	snop  }
0x90: {  	s2 =	sld [smem:$0x3FC8]  }
0x91: {  	s18 =	sld [smem:$0x3FD0];
	(tm) =	ssettm $0x1  }
0x92: {  	s4 =	sld [smem:$0x3FFB];
	_ =	sdelay $0x3  }
0x93: {  	_ =	strace s4  }
0x94: {  	s4 =	sld [smem:$0x3FFC];
	_ =	sdelay $0x3  }
0x95: {  	_ =	strace s4  }
0x96: {  	s4 =	sld [smem:$0x3FFD];
	_ =	sdelay $0x3  }
0x97: {  	_ =	strace s4  }
0x98: {  	_ =	strace $0x8FFFFFFF  }
0x99: {  	s19 =	sld [smem:$0x3FDB];
	_ =	sdelay $0x1  }
0x9a: {  	s5 =	simm.s32 $_scs_section_size  }
0x9b: {  	s6 =	simm.s32 $_size__tile_overlayer_lowered;
	s7 =	simm.s32 $_tile_overlayer_lowered  }
0x9c: {  	s22 =	simm.s32 $0x1BFF;
	s21 =	sshll.u32 s7, $0x1;
	s4 =	sadd.s32 s5, s19  }
0x9d: {  	s8 =	simm.s32 $0x0;
	s20 =	sshll.u32 s6, $0x1;
	s6 =	sadd.s32 s21, s4  }
0x9e: {  	[timem:s8], [sflag:s22] =	dma.local [hbm:s6], s20  }
0x9f: {  	_ =	swait.ge [sflag:s22], s20  }
0xa0: {  	s5 =	ssub.s32 $0x0, s20;
	[sflag:s22] =	ssyncset.done $0x0  }
0xa1: {  	[sflag:s22] =	ssyncadd.s32 s5;
	_ =	sdelay $0x1  }
0xa2: {  	s23 =	simm.s32 $0x1B8B  }
0xa3: {  	_ =	swait.ge [sflag:s23], $0x1  }
0xa4: {  	[sflag:s23] =	ssyncset.done $0x0  }
0xa5: {  	s25 =	simm.s32 $0x1B8E;
	s24 =	sld [smem:$0x3FFE];
	[sflag:s23] =	ssyncadd.s32 $0xFFFFFFFF  }
0xa6: {  	s26 =	simm.s32 $execute0_lowered;
	[smem:$0x3FD2] =	sst s25  }
0xa7: {  	s6 =	sshll.u32 s26, $0x1;
	_ =	strace $0x80000046;
	[dreg:$0x1] =	wrdreg $0xFFFFFFFF  }
0xa8: {  	s28 =	simm.s32 $_size_execute0_lowered;
	s4 =	sadd.s32 s4, s6;
	[dreg:$0x0] =	wrdreg $0x0  }
0xa9: {  	s6 =	sshll.u32 s28, $0x1;
	[dreg:$0x2] =	wrdreg s4  }
0xaa: {  	[dreg:$0x3] =	wrdreg s6  }
0xab: {  	[dreg:$0x4] =	wrdreg $0xC0  }
0xac: {  	_ =	task [dreg:s8], $0x5FFFF  }
0xad: {  	[dreg:$0x1] =	wrdreg $0xFFFFFFFF  }
0xae: {  	[dreg:$0x0] =	wrdreg $0x60  }
0xaf: {  	[dreg:$0x2] =	wrdreg s18  }
0xb0: {  	[dreg:$0x3] =	wrdreg s2  }
0xb1: {  	[dreg:$0x4] =	wrdreg s24  }
0xb2: {  	[dreg:$0x5] =	wrdreg $0x4BD00  }
0xb3: {  	[dreg:$0x6] =	wrdreg $0x1D2700  }
0xb4: {  	[dreg:$0x7] =	wrdreg $0x9  }
0xb5: {  	_ =	task.clear_ibuf [dreg:s8], $0x8FFFF;
	_ =	strace $0x90000046  }
0xb6: {  	s29 =	simm.s32 $0x9;
	_ =	strace $0x80000048  }
0xb7: {  	_ =	swait.ge [sflag:s29], $0x1  }
0xb8: {  	[sflag:s29] =	ssyncadd.s32 $0xFFFFFFFF  }
0xb9: {  	_ =	strace $0x90000048  }
0xba: {  	_ =	sfence  }
0xbb: {  	s30 =	sld [smem:$0x0];
	_ =	sdelay $0x2  }
0xbc: {  	s31 =	sshll.u32 s1, $0xD;
	s1 =	sshrl.u32 s1, $0x2  }
0xbd: {  	s3 =	sand.u32 $0x4000, s31;
	s1 =	sadd.s32 s1, s30  }
0xbe: {  	s0 =	sor.u32 s3, s0;
	s1 =	sshll.u32 s1, $0x11  }
0xbf: {  	s0 =	sor.u32 s1, s0  }
0xc0: {  	s0 =	sadd.s32 $0x8F2B, s0  }
0xc1: {  	[sflag:s0] =	ssyncadd.remote.s32 $0x1  }
0xc2: {  	_ =	sfence.sel $0xFFFF  }
0xc3: {  	[dreg:$0x0] =	wrdreg $0xFFFFFFFF;
	(pc) =	sbr.abs _section_cstart, $3  }
0xc4: {  	[dreg:$0x1] =	wrdreg $0xFFFFFFFF  }
0xc5: {  	_ =	task.clear_ibuf [dreg:s8], $0x2FFFF;
	_ =	strace $0x9FFFFFFF  }
0xc6: {  	(tm) =	ssettm $0x7FFFFFFF  }
0xc7: {  	_ =	shalt  }
tec
execute0_lowered:
.L_overlay_start_1:
0x0: {  	(tag) =	ssettag $0x1  }
0x1: {  	s1 =	rddreg [dreg:$0x0]  }
0x2: {  	s2 =	rddreg [dreg:$0x1]  }
0x3: {  	s0 =	rddreg [dreg:$0x2]  }
0x4: {  	s3 =	rddreg [dreg:$0x3]  }
0x5: {  	s4 =	rddreg [dreg:$0x4];
	s5 =	srdreg.scid  }
0x6: {  	s13 =	simm.s32 $0x0;
	s6 =	stileid.u32;
	s30 =	simm.s32 $0x4180  }
0x7: {  	s31 =	simm.s32 $0x5;
	s28 =	simm.s32 $0x2100;
	s5 =	sand.u32 $0x1, s5  }
0x8: {  	[smem:$0x7FF] =	sst s13;
	s7 =	sadd.s32 $0x800, s0;
	s9 =	smul.u32 $0x28, s6  }
0x9: {  	s26 =	sshll.u32 s6, $0xD;
	s10 =	sor.u32 $0x10, s6;
	s11 =	sshll.u32 s6, $0x4  }
0xa: {  	s17 =	ssub.s32 $0x186A, s6;
	s18 =	ssub.s32 $0x185A, s6;
	s20 =	smul.u32 $0x64000, s6  }
0xb: {  	s19 =	sor.u32 $0x30, s6;
	s21 =	smul.u32 $0x3200, s6;
	s8 =	ssub.s32 $0x2, s5  }
0xc: {  	_ =	strace $0x80000047;
	s12 =	sshll.u32 s10, $0xD;
	[dreg:$0x6] =	wrdreg s17  }
0xd: {  	s15 =	sadd.s32 s2, s11;
	s10 =	sshll.u32 s10, $0x4;
	[dreg:$0xd] =	wrdreg s19  }
0xe: {  	[dreg:$0x7] =	wrdreg s18;
	s17 =	sor.u32 $0xFFFFFFF0, s6;
	s25 =	sshrl.u32 s8, $0x1  }
0xf: {  	s10 =	sadd.s32 s2, s10;
	s22 =	sshrl.u32 s20, $0x2;
	s24 =	sshrl.u32 s21, $0x2  }
0x10: {  	[dreg:$0x9] =	wrdreg s15;
	s0 =	ssub.s32 s8, s25;
	s8 =	sshll.u32 s5, $0x5  }
0x11: {  	[dreg:$0xb] =	wrdreg s10;
	s25 =	sadd.s32 $0x300, s15;
	s5 =	sor.u32 s8, s26  }
0x12: {  	s12 =	sor.u32 s8, s12;
	s0 =	smax.u32 s0, $0x1;
	[dreg:$0x11] =	wrdreg s25  }
0x13: {  	s25 =	simm.s32 $0x40;
	s29 =	sshrl.u32 s5, $0x3;
	s14 =	sshrl.u32 s12, $0x3  }
0x14: {  	[dreg:$0xe] =	wrdreg s0;
	s23 =	sor.u32 $0x60000, s5;
	s0 =	sadd.s32 s22, s3  }
0x15: {  	s11 =	sadd.s32 s1, s29;
	s16 =	sadd.s32 s1, s14;
	[dreg:$0xf] =	wrdreg s0  }
.Ltmp0:
0x16: {  	s14 =	sor.u32 $0x20, s6;
	[dreg:$0xa] =	wrdreg s11;
	(pc) =	sbr.rel .LBB2_1-.Ltmp0, $4  }
0x17: {  	s10 =	sshrl.u32 s23, $0x3;
	s0 =	sadd.s32 s24, s4;
	[dreg:$0xc] =	wrdreg s16  }
0x18: {  	s29 =	sor.u32 $0x40000, s5;
	s24 =	simm.s32 $0x20;
	[dreg:$0x10] =	wrdreg s0  }
0x19: {  	v2 =	vlaneseq.u32;
	s16 =	sor.u32 $0xFFFFFFE0, s6;
	s26 =	sadd.s32 s10, s1;
	[dreg:$0x13] =	wrdreg s29  }
0x1a: {  	v0 =	vimm.f32 $1.000000000e+00;
	v1 =	vimm.f32 $0.0e+00;
	v2 =	vmul.u32 $0x20, v2;
	s0 =	simm.s32 $0x6;
	[dreg:$0x12] =	wrdreg s26;
	s26 =	simm.s32 $0x9  }
.LBB2_22:
0x1b: {  	s13 =	rddreg [dreg:$0x8]  }
0x1c: {  	s5 =	rddreg [dreg:$0xe];
	s13 =	sadd.s32 $0x1, s13  }
0x1d: {  	p0 =	sne.s32 s13, s5  }
.Ltmp1:
0x1e: {  	_ = 	snop;
	(pc) =	sbr.rel @!p0 .LBB2_23-.Ltmp1, $1  }
0x1f: {  	_ =	sdelay $0x3  }
.LBB2_1:
0x20: {  	[tilespmem:$0x4100] =	vst v0  }
0x21: {  	[tilespmem:$0x4110] =	vst v0  }
0x22: {  	[tilespmem:$0x4120] =	vst v0  }
0x23: {  	[tilespmem:$0x4130] =	vst v0  }
0x24: {  	[tilespmem:$0x4140] =	vst v0  }
0x25: {  	[tilespmem:$0x4150] =	vst v0  }
0x26: {  	[tilespmem:$0x4160] =	vst v0  }
0x27: {  	[dreg:$0x8] =	wrdreg s13;
	[tilespmem:$0x4170] =	vst v0;
	s5 =	simm.s32 $0x80;
	s10 =	simm.s32 $0x0  }
.LBB2_2:
0x28: {  	p0 =	sne.s32 s5, $0x2780;
	[tilespmem:s10+$0x4180] =	vst v1;
	s11 =	smov.u32 s5;
	s5 =	sadd.s32 $0x80, s5  }
.Ltmp2:
0x29: {  	[tilespmem:s10+$0x4190] =	vst v1;
	(pc) =	sbr.rel @p0 .LBB2_2-.Ltmp2, $2  }
0x2a: {  	_ =	sdelay $0x2  }
0x2b: {  	s10 =	sshra.s32 s11, $0x2  }
0x2c: {  	[tilespmem:s10+$0x4180] =	vst v1  }
0x2d: {  	[tilespmem:s10+$0x4190] =	vst v1  }
0x2e: {  	[tilespmem:$0x4B80] =	vst v1  }
0x2f: {  	[tilespmem:$0x4B90] =	vst v1  }
0x30: {  	s5 =	sadd.s32 $0x0, s9;
	[tilespmem:$0x4BA0] =	vst v1  }
0x31: {  	s13 =	rddreg [dreg:$0xf];
	[tilespmem:$0x4BB0] =	vst v1;
	p0 =	sgt.u32 s5, $0x270  }
0x32: {  	[tilespmem:$0x4BC0] =	vst v1;
	s5 =	simm.s32 @!p0 $0x4180;
	s11 =	simm.s32 @!p0 $0xA;
	p0 =	por p0, p0  }
0x33: {  	[spmem:s13] =	stream.linear.scatter @!p0 [tilespmem:s5], [sflag:$0xA], $0xA00, $0x38;
	[tilespmem:$0x1DEA8] =	vst v63  }
0x34: {  	_ =	swait.ge @!p0 [sflag:s11], $0xA00  }
0x35: {  	s29 =	sadd.s32 $0x1, s9;
	s5 =	simm.s32 @!p0 $0x4B80;
	[sflag:s11] =	ssyncset.done @!p0 $0x0  }
0x36: {  	s12 =	simm.s32 @!p0 $0x9;
	s15 =	rddreg [dreg:$0x10];
	[sflag:s11] =	ssyncadd.s32 @!p0 $0xFFFFF600  }
0x37: {  	[spmem:s15] =	stream.linear.scatter @!p0 [tilespmem:s5], [sflag:$0x9], $0x50, $0x38;
	[tilespmem:$0x1DEA8] =	vst v63  }
0x38: {  	s10 =	simm.s32 $0x2;
	p1 =	sgt.u32 s29, $0x270;
	_ =	swait.ge @!p0 [sflag:s12], $0x50  }
0x39: {  	s11 =	sadd.s32 $0xA00, s13;
	s5 =	sadd.s32 $0x50, s15;
	[sflag:s12] =	ssyncset.done @!p0 $0x0  }
.LBB2_4:
0x3a: {  	s13 =	simm.s32 @!p1 $0x4180;
	s18 =	simm.s32 @!p1 $0xA;
	[sflag:s12] =	ssyncadd.s32 @!p0 $0xFFFFFFB0  }
0x3b: {  	s19 =	smov.u32 s10;
	p0 =	por p1, p1;
	s10 =	sadd.s32 $0x1, s10  }
0x3c: {  	[spmem:s11] =	stream.linear.scatter @!p0 [tilespmem:s13], [sflag:$0xA], $0xA00, $0x38;
	[tilespmem:$0x1DEA8] =	vst v63  }
0x3d: {  	p2 =	sne.s32 s10, $0x28;
	_ =	swait.ge @!p0 [sflag:s18], $0xA00  }
.Ltmp3:
0x3e: {  	[sflag:s18] =	ssyncset.done @!p0 $0x0;
	(pc) =	sbr.rel @p2 .LBB2_4-.Ltmp3, $4  }
0x3f: {  	s13 =	simm.s32 @!p0 $0x4B80;
	s12 =	simm.s32 @!p0 $0x9;
	[sflag:s18] =	ssyncadd.s32 @!p0 $0xFFFFF600  }
0x40: {  	[spmem:s5] =	stream.linear.scatter @!p0 [tilespmem:s13], [sflag:$0x9], $0x50, $0x38;
	[tilespmem:$0x1DEA8] =	vst v63  }
0x41: {  	s13 =	sadd.s32 s19, s9;
	s5 =	sadd.s32 $0x50, s5;
	_ =	swait.ge @!p0 [sflag:s12], $0x50  }
0x42: {  	s11 =	sadd.s32 $0xA00, s11;
	p1 =	sgt.u32 s13, $0x270;
	[sflag:s12] =	ssyncset.done @!p0 $0x0  }
0x43: {  	s10 =	simm.s32 @!p1 $0x4180  }
0x44: {  	s13 =	simm.s32 @!p1 $0xA;
	[sflag:s12] =	ssyncadd.s32 @!p0 $0xFFFFFFB0;
	p0 =	por p1, p1  }
0x45: {  	[spmem:s11] =	stream.linear.scatter @!p0 [tilespmem:s10], [sflag:$0xA], $0xA00, $0x38;
	[tilespmem:$0x1DEA8] =	vst v63  }
0x46: {  	_ =	swait.ge @!p0 [sflag:s13], $0xA00  }
0x47: {  	[sflag:s13] =	ssyncset.done @!p0 $0x0  }
0x48: {  	s10 =	simm.s32 @!p0 $0x4B80;
	s11 =	simm.s32 @!p0 $0x9;
	[sflag:s13] =	ssyncadd.s32 @!p0 $0xFFFFF600  }
0x49: {  	[spmem:s5] =	stream.linear.scatter @!p0 [tilespmem:s10], [sflag:$0x9], $0x50, $0x38;
	[tilespmem:$0x1DEA8] =	vst v63  }
0x4a: {  	_ =	swait.ge @!p0 [sflag:s11], $0x50  }
0x4b: {  	[sflag:s11] =	ssyncset.done @!p0 $0x0  }
0x4c: {  	[sflag:s11] =	ssyncadd.s32 @!p0 $0xFFFFFFB0  }
0x4d: {  	[bflag:$0x0] =	sbarrier.arrive $0xFFFF  }
0x4e: {  	s11 =	rddreg [dreg:$0x9]  }
0x4f: {  	s29 =	simm.s32 $0x0;
	s12 =	rddreg [dreg:$0xa]  }
0x50: {  	[tilespmem:s29], [sflag:$0x1] =	stream.linear.gather [hbm4b:s11+s29], $0x80, $0x38;
	[tilespmem:$0x1DEA8] =	vst v63  }
0x51: {  	s13 =	simm.s32 $0x100;
	s19 =	rddreg [dreg:$0x6]  }
0x52: {  	[tilespmem:s13], [sflag:$0x3] =	stream.strided.gather [hbm4b:s12+s24], $0x1000, s25, s24, $0x38;
	[tilespmem:$0x1DEA8] =	vst v63  }
0x53: {  	s18 =	simm.s32 $0x80;
	s15 =	rddreg [dreg:$0xb];
	p1 =	sle.u32 s19, $0x0  }
0x54: {  	[tilespmem:s18], [sflag:$0x2] =	stream.linear.gather [hbm4b:s15+s29], $0x80, $0x38;
	[tilespmem:$0x1DEA8] =	vst v63  }
0x55: {  	s21 =	simm.s32 $0x1100;
	s20 =	rddreg [dreg:$0xc];
	s5 =	simm.s32 @!p1 $0x1  }
0x56: {  	[tilespmem:s21], [sflag:$0x4] =	stream.strided.gather [hbm4b:s20+s24], $0x1000, s25, s24, $0x38;
	[tilespmem:$0x1DEA8] =	vst v63  }
0x57: {  	_ =	swait.ge @!p1 [sflag:s5], $0x80  }
0x58: {  	[sflag:s5] =	ssyncset.done @!p1 $0x0  }
0x59: {  	s10 =	simm.s32 @!p1 $0x3;
	[sflag:s5] =	ssyncadd.s32 @!p1 $0xFFFFFF80  }
0x5a: {  	s12 =	simm.s32 @!p1 $0x80;
	_ =	swait.ge @!p1 [sflag:s10], $0x1000  }
0x5b: {  	s13 =	simm.s32 @!p1 $0x0;
	[sflag:s10] =	ssyncset.done @!p1 $0x0;
	s22 =	rddreg [dreg:$0x7]  }
0x5c: {  	s5 =	simm.s32 @!p1 $0x100;
	[sflag:s10] =	ssyncadd.s32 @!p1 $0xFFFFF000;
	p0 =	sle.u32 s22, $0x0  }
0x5d: {  	[spmem:s3] =	stream.indirect.scatter.add.f32 @!p1 [tilespmem:s5], [sflag:$0x5], $0x20, s13, s12, $0xb8;
	[tilespmem:$0x1DEA8] =	vst v63  }
0x5e: {  	s5 =	simm.s32 @!p1 $0x4100;
	s10 =	simm.s32 @!p0 $0x2  }
0x5f: {  	[spmem:s4] =	stream.indirect.scatter.add.f32 @!p1 [tilespmem:s5], [sflag:$0x5], $0x1, s13, s12, $0xb8;
	[tilespmem:$0x1DEA8] =	vst v63  }
0x60: {  	_ =	swait.ge @!p0 [sflag:s10], $0x80  }
0x61: {  	[sflag:s10] =	ssyncset.done @!p0 $0x0  }
0x62: {  	s5 =	simm.s32 @!p0 $0x4;
	[sflag:s10] =	ssyncadd.s32 @!p0 $0xFFFFFF80  }
0x63: {  	_ =	swait.ge @!p0 [sflag:s5], $0x1000  }
0x64: {  	[sflag:s5] =	ssyncset.done @!p0 $0x0  }
0x65: {  	s11 =	simm.s32 @!p0 $0x1100;
	s10 =	simm.s32 @!p0 $0x80;
	[sflag:s5] =	ssyncadd.s32 @!p0 $0xFFFFF000  }
0x66: {  	[spmem:s3] =	stream.indirect.scatter.add.f32 @!p0 [tilespmem:s11], [sflag:$0x6], $0x20, s10, s10, $0xb8;
	[tilespmem:$0x1DEA8] =	vst v63  }
0x67: {  	s5 =	simm.s32 @!p0 $0x4100;
	s11 =	simm.s32 @!p1 $0x5  }
0x68: {  	[spmem:s4] =	stream.indirect.scatter.add.f32 @!p0 [tilespmem:s5], [sflag:$0x6], $0x1, s10, s10, $0xb8;
	[tilespmem:$0x1DEA8] =	vst v63  }
0x69: {  	_ =	swait.ge @!p1 [sflag:s11], $0x1000  }
0x6a: {  	s23 =	sadd.s32 $0x0, s6;
	[sflag:s11] =	ssyncset.done @!p1 $0x0  }
0x6b: {  	s29 =	sadd.s32 $0x20, s23;
	[sflag:s11] =	ssyncadd.s32 @!p1 $0xFFFFF000  }
0x6c: {  	p2 =	sgt.u32 s29, $0x1869;
	_ =	swait.ge @!p1 [sflag:s11], $0x80  }
0x6d: {  	s18 =	simm.s32 @!p2 $0x40;
	s20 =	simm.s32 @!p0 $0x6;
	s15 =	rddreg [dreg:$0x11]  }
0x6e: {  	s12 =	simm.s32 @!p2 $0x0;
	[sflag:s11] =	ssyncset.done @!p1 $0x0;
	s19 =	rddreg [dreg:$0x13]  }
0x6f: {  	s10 =	sadd.s32 @!p2 $0xFFFFFF00, s15;
	s13 =	sshrl.u32 @!p2 s19, $0x3;
	[sflag:s11] =	ssyncadd.s32 @!p1 $0xFFFFFF80  }
0x70: {  	[tilespmem:s12], [sflag:$0x1] =	stream.linear.gather @!p2 [hbm4b:s10+s12], $0x80, $0x38;
	[tilespmem:$0x1DEA8] =	vst v63  }
0x71: {  	s11 =	sadd.s32 @!p2 s1, s13;
	s10 =	simm.s32 @!p2 $0x20;
	s12 =	simm.s32 @!p2 $0x100  }
0x72: {  	[tilespmem:s12], [sflag:$0x3] =	stream.strided.gather @!p2 [hbm4b:s11+s10], $0x1000, s18, s10, $0x38;
	[tilespmem:$0x1DEA8] =	vst v63  }
0x73: {  	_ =	swait.ge @!p0 [sflag:s20], $0x1000  }
0x74: {  	[sflag:s20] =	ssyncset.done @!p0 $0x0  }
0x75: {  	s5 =	sadd.s32 $0x30, s23;
	[sflag:s20] =	ssyncadd.s32 @!p0 $0xFFFFF000  }
0x76: {  	p3 =	sgt.u32 s5, $0x1869;
	s5 =	smov.u32 s15;
	_ =	swait.ge @!p0 [sflag:s20], $0x80  }
0x77: {  	s13 =	simm.s32 $0x20;
	s12 =	sadd.s32 $0x40000, s19;
	s19 =	rddreg [dreg:$0x12]  }
0x78: {  	s18 =	simm.s32 $0x40;
	s11 =	sadd.s32 $0x200, s15;
	s10 =	sadd.s32 $0x8000, s19  }
.LBB2_6:
0x79: {  	s21 =	rddreg [dreg:$0x6]  }
0x7a: {  	[sflag:s20] =	ssyncset.done @!p0 $0x0;
	s22 =	simm.s32 @!p3 $0x1100;
	s23 =	simm.s32 @!p3 $0x80  }
0x7b: {  	[sflag:s20] =	ssyncadd.s32 @!p0 $0xFFFFFF80;
	s20 =	simm.s32 @!p3 $0x0;
	p2 =	sge.u32 s13, s21  }
0x7c: {  	[tilespmem:s23], [sflag:$0x2] =	stream.linear.gather @!p3 [hbm4b:s5+s20], $0x80, $0x38;
	[tilespmem:$0x1DEA8] =	vst v63  }
0x7d: {  	s5 =	simm.s32 @!p3 $0x20;
	s20 =	simm.s32 @!p3 $0x40;
	s21 =	simm.s32 @!p2 $0x1  }
0x7e: {  	[tilespmem:s22], [sflag:$0x4] =	stream.strided.gather @!p3 [hbm4b:s19+s5], $0x1000, s20, s5, $0x38;
	[tilespmem:$0x1DEA8] =	vst v63  }
0x7f: {  	_ =	swait.ge @!p2 [sflag:s21], $0x80  }
0x80: {  	[sflag:s21] =	ssyncset.done @!p2 $0x0  }
0x81: {  	s20 =	simm.s32 @!p2 $0x3;
	[sflag:s21] =	ssyncadd.s32 @!p2 $0xFFFFFF80  }
0x82: {  	s29 =	simm.s32 @!p2 $0x0;
	_ =	swait.ge @!p2 [sflag:s20], $0x1000  }
0x83: {  	s22 =	simm.s32 @!p2 $0x80;
	[sflag:s20] =	ssyncset.done @!p2 $0x0;
	s15 =	rddreg [dreg:$0x7]  }
0x84: {  	s21 =	simm.s32 @!p2 $0x100;
	[sflag:s20] =	ssyncadd.s32 @!p2 $0xFFFFF000;
	p0 =	sge.u32 s13, s15  }
0x85: {  	[spmem:s3] =	stream.indirect.scatter.add.f32 @!p2 [tilespmem:s21], [sflag:$0x5], $0x20, s29, s22, $0xb8;
	[tilespmem:$0x1DEA8] =	vst v63  }
0x86: {  	s20 =	simm.s32 @!p2 $0x4100;
	s15 =	simm.s32 @!p0 $0x2  }
0x87: {  	[spmem:s4] =	stream.indirect.scatter.add.f32 @!p2 [tilespmem:s20], [sflag:$0x5], $0x1, s29, s22, $0xb8;
	[tilespmem:$0x1DEA8] =	vst v63  }
0x88: {  	_ =	swait.ge @!p0 [sflag:s15], $0x80  }
0x89: {  	[sflag:s15] =	ssyncset.done @!p0 $0x0  }
0x8a: {  	s20 =	simm.s32 @!p0 $0x4;
	[sflag:s15] =	ssyncadd.s32 @!p0 $0xFFFFFF80  }
0x8b: {  	_ =	swait.ge @!p0 [sflag:s20], $0x1000  }
0x8c: {  	[sflag:s20] =	ssyncset.done @!p0 $0x0  }
0x8d: {  	s21 =	simm.s32 @!p0 $0x1100;
	s15 =	simm.s32 @!p0 $0x80;
	[sflag:s20] =	ssyncadd.s32 @!p0 $0xFFFFF000  }
0x8e: {  	[spmem:s3] =	stream.indirect.scatter.add.f32 @!p0 [tilespmem:s21], [sflag:$0x6], $0x20, s15, s15, $0xb8;
	[tilespmem:$0x1DEA8] =	vst v63  }
0x8f: {  	s23 =	smov.u32 s18;
	s20 =	simm.s32 @!p0 $0x4100;
	s21 =	simm.s32 @!p2 $0x5  }
0x90: {  	[spmem:s4] =	stream.indirect.scatter.add.f32 @!p0 [tilespmem:s20], [sflag:$0x6], $0x1, s15, s15, $0xb8;
	[tilespmem:$0x1DEA8] =	vst v63  }
0x91: {  	s18 =	sadd.s32 $0x20, s18;
	s22 =	sadd.s32 s13, s6;
	_ =	swait.ge @!p2 [sflag:s21], $0x1000  }
0x92: {  	p1 =	sne.s32 s18, $0x1880;
	s29 =	sadd.s32 $0x20, s22;
	[sflag:s21] =	ssyncset.done @!p2 $0x0  }
0x93: {  	s13 =	smov.u32 s23;
	p4 =	sgt.u32 s29, $0x1869;
	[sflag:s21] =	ssyncadd.s32 @!p2 $0xFFFFF000  }
0x94: {  	s23 =	simm.s32 @!p4 $0x40;
	s15 =	sadd.s32 $0x30, s22;
	_ =	swait.ge @!p2 [sflag:s21], $0x80  }
0x95: {  	s20 =	simm.s32 @!p4 $0x0;
	s22 =	sshrl.u32 @!p4 s12, $0x3;
	[sflag:s21] =	ssyncset.done @!p2 $0x0  }
0x96: {  	p3 =	sgt.u32 s15, $0x1869;
	s15 =	sadd.s32 @!p4 $0xFFFFFF00, s11;
	[sflag:s21] =	ssyncadd.s32 @!p2 $0xFFFFFF80  }
0x97: {  	[tilespmem:s20], [sflag:$0x1] =	stream.linear.gather @!p4 [hbm4b:s15+s20], $0x80, $0x38;
	[tilespmem:$0x1DEA8] =	vst v63  }
0x98: {  	s21 =	sadd.s32 @!p4 s1, s22;
	s22 =	simm.s32 @!p4 $0x20;
	s15 =	simm.s32 @!p4 $0x100  }
0x99: {  	[tilespmem:s15], [sflag:$0x3] =	stream.strided.gather @!p4 [hbm4b:s21+s22], $0x1000, s23, s22, $0x38;
	[tilespmem:$0x1DEA8] =	vst v63  }
.Ltmp4:
0x9a: {  	s20 =	simm.s32 @!p0 $0x6;
	(pc) =	sbr.rel @p1 .LBB2_6-.Ltmp4, $4  }
0x9b: {  	_ =	swait.ge @!p0 [sflag:s20], $0x1000  }
0x9c: {  	s5 =	smov.u32 s11;
	[sflag:s20] =	ssyncset.done @!p0 $0x0  }
0x9d: {  	s19 =	smov.u32 s10;
	s10 =	sadd.s32 $0x8000, s10;
	[sflag:s20] =	ssyncadd.s32 @!p0 $0xFFFFF000  }
0x9e: {  	s12 =	sadd.s32 $0x40000, s12;
	s11 =	sadd.s32 $0x200, s11;
	_ =	swait.ge @!p0 [sflag:s20], $0x80  }
0x9f: {  	[sflag:s20] =	ssyncset.done @!p0 $0x0  }
0xa0: {  	s15 =	rddreg [dreg:$0x6];
	s18 =	simm.s32 @!p3 $0x0;
	[sflag:s20] =	ssyncadd.s32 @!p0 $0xFFFFFF80  }
0xa1: {  	s20 =	simm.s32 @!p3 $0x80;
	p0 =	sge.u32 s13, s15;
	s15 =	simm.s32 @!p3 $0x20  }
0xa2: {  	[tilespmem:s20], [sflag:$0x2] =	stream.linear.gather @!p3 [hbm4b:s5+s18], $0x80, $0x38;
	[tilespmem:$0x1DEA8] =	vst v63  }
0xa3: {  	s5 =	simm.s32 @!p3 $0x1100;
	s18 =	simm.s32 @!p3 $0x40;
	s20 =	simm.s32 @!p0 $0x1  }
0xa4: {  	[tilespmem:s5], [sflag:$0x4] =	stream.strided.gather @!p3 [hbm4b:s19+s15], $0x1000, s18, s15, $0x38;
	[tilespmem:$0x1DEA8] =	vst v63  }
0xa5: {  	_ =	swait.ge @!p0 [sflag:s20], $0x80  }
0xa6: {  	[sflag:s20] =	ssyncset.done @!p0 $0x0  }
0xa7: {  	s5 =	simm.s32 @!p0 $0x3;
	[sflag:s20] =	ssyncadd.s32 @!p0 $0xFFFFFF80  }
0xa8: {  	s15 =	simm.s32 @!p0 $0x100;
	_ =	swait.ge @!p0 [sflag:s5], $0x1000  }
0xa9: {  	s19 =	simm.s32 @!p0 $0x80;
	[sflag:s5] =	ssyncset.done @!p0 $0x0;
	s23 =	rddreg [dreg:$0x7]  }
0xaa: {  	s20 =	simm.s32 @!p0 $0x0;
	[sflag:s5] =	ssyncadd.s32 @!p0 $0xFFFFF000;
	p1 =	sge.u32 s13, s23  }
0xab: {  	[spmem:s3] =	stream.indirect.scatter.add.f32 @!p0 [tilespmem:s15], [sflag:$0x5], $0x20, s20, s19, $0xb8;
	[tilespmem:$0x1DEA8] =	vst v63  }
0xac: {  	s5 =	simm.s32 @!p0 $0x4100;
	s15 =	simm.s32 @!p1 $0x2  }
0xad: {  	[spmem:s4] =	stream.indirect.scatter.add.f32 @!p0 [tilespmem:s5], [sflag:$0x5], $0x1, s20, s19, $0xb8;
	[tilespmem:$0x1DEA8] =	vst v63  }
0xae: {  	_ =	swait.ge @!p1 [sflag:s15], $0x80  }
0xaf: {  	[sflag:s15] =	ssyncset.done @!p1 $0x0  }
0xb0: {  	s5 =	simm.s32 @!p1 $0x4;
	[sflag:s15] =	ssyncadd.s32 @!p1 $0xFFFFFF80  }
0xb1: {  	_ =	swait.ge @!p1 [sflag:s5], $0x1000  }
0xb2: {  	[sflag:s5] =	ssyncset.done @!p1 $0x0  }
0xb3: {  	s18 =	simm.s32 @!p1 $0x1100;
	s15 =	simm.s32 @!p1 $0x80;
	[sflag:s5] =	ssyncadd.s32 @!p1 $0xFFFFF000  }
0xb4: {  	[spmem:s3] =	stream.indirect.scatter.add.f32 @!p1 [tilespmem:s18], [sflag:$0x6], $0x20, s15, s15, $0xb8;
	[tilespmem:$0x1DEA8] =	vst v63  }
0xb5: {  	s5 =	simm.s32 @!p1 $0x4100;
	s18 =	simm.s32 @!p0 $0x5  }
0xb6: {  	[spmem:s4] =	stream.indirect.scatter.add.f32 @!p1 [tilespmem:s5], [sflag:$0x6], $0x1, s15, s15, $0xb8;
	[tilespmem:$0x1DEA8] =	vst v63  }
0xb7: {  	s29 =	sadd.s32 s13, s6;
	_ =	swait.ge @!p0 [sflag:s18], $0x1000  }
0xb8: {  	s13 =	sadd.s32 $0x20, s29;
	[sflag:s18] =	ssyncset.done @!p0 $0x0  }
0xb9: {  	p2 =	sgt.u32 s13, $0x1869;
	[sflag:s18] =	ssyncadd.s32 @!p0 $0xFFFFF000  }
0xba: {  	s13 =	sadd.s32 @!p2 $0xFFFFFF00, s11;
	_ =	swait.ge @!p0 [sflag:s18], $0x80  }
0xbb: {  	s12 =	sshrl.u32 @!p2 s12, $0x3;
	s19 =	simm.s32 @!p2 $0x40;
	[sflag:s18] =	ssyncset.done @!p0 $0x0  }
0xbc: {  	s12 =	sadd.s32 @!p2 s1, s12;
	s15 =	simm.s32 @!p2 $0x0;
	[sflag:s18] =	ssyncadd.s32 @!p0 $0xFFFFFF80  }
0xbd: {  	[tilespmem:s15], [sflag:$0x1] =	stream.linear.gather @!p2 [hbm4b:s13+s15], $0x80, $0x38;
	[tilespmem:$0x1DEA8] =	vst v63  }
0xbe: {  	s18 =	simm.s32 @!p1 $0x6;
	s13 =	simm.s32 @!p2 $0x20;
	s15 =	simm.s32 @!p2 $0x100  }
0xbf: {  	[tilespmem:s15], [sflag:$0x3] =	stream.strided.gather @!p2 [hbm4b:s12+s13], $0x1000, s19, s13, $0x38;
	[tilespmem:$0x1DEA8] =	vst v63  }
0xc0: {  	_ =	swait.ge @!p1 [sflag:s18], $0x1000  }
0xc1: {  	[sflag:s18] =	ssyncset.done @!p1 $0x0  }
0xc2: {  	[sflag:s18] =	ssyncadd.s32 @!p1 $0xFFFFF000  }
0xc3: {  	s5 =	sadd.s32 $0x30, s29;
	_ =	swait.ge @!p1 [sflag:s18], $0x80  }
0xc4: {  	p0 =	sgt.u32 s5, $0x1869;
	[sflag:s18] =	ssyncset.done @!p1 $0x0  }
0xc5: {  	s5 =	simm.s32 @!p0 $0x0;
	s12 =	simm.s32 @!p0 $0x80;
	[sflag:s18] =	ssyncadd.s32 @!p1 $0xFFFFFF80  }
0xc6: {  	[tilespmem:s12], [sflag:$0x2] =	stream.linear.gather @!p0 [hbm4b:s11+s5], $0x80, $0x38;
	[tilespmem:$0x1DEA8] =	vst v63  }
.Ltmp5:
0xc7: {  	_ = 	snop;
	(pc) =	sbr.rel .LBB2_8-.Ltmp5, $4  }
0xc8: {  	s5 =	simm.s32 @!p0 $0x1100;
	s11 =	simm.s32 @!p0 $0x20;
	s12 =	simm.s32 @!p0 $0x40  }
0xc9: {  	[tilespmem:s5], [sflag:$0x4] =	stream.strided.gather @!p0 [hbm4b:s10+s11], $0x1000, s12, s11, $0x38;
	[tilespmem:$0x1DEA8] =	vst v63  }
0xca: {  	[bflag:$0x0] =	sbarrier.arrive $0xFFFF  }
0xcb: {  	s10 =	simm.s32 $0x0  }
.LBB2_12:
0xcc: {  	s10 =	sadd.s32 $0x1, s10  }
0xcd: {  	p0 =	sne.s32 s10, $0x28  }
.Ltmp6:
0xce: {  	_ = 	snop;
	(pc) =	sbr.rel @!p0 .LBB2_13-.Ltmp6, $1  }
0xcf: {  	_ =	sdelay $0x3  }
.LBB2_8:
0xd0: {  	s5 =	sadd.s32 s9, s10  }
0xd1: {  	p0 =	sgt.u32 s5, $0x270  }
.Ltmp7:
0xd2: {  	_ = 	snop;
	(pc) =	sbr.rel @p0 .LBB2_12-.Ltmp7, $1  }
0xd3: {  	_ =	sdelay $0x3  }
0xd4: {  	s11 =	smul.u32 $0x2800, s5  }
0xd5: {  	s29 =	smul.u32 $0x140, s5  }
0xd6: {  	s11 =	sshra.s32 s11, $0x2  }
0xd7: {  	s5 =	sshra.s32 s29, $0x2;
	s11 =	sadd.s32 s11, s3  }
0xd8: {  	[tilespmem:s30], [sflag:$0x5] =	stream.linear.gather [spmem:s11], $0xA00, $0x38;
	[tilespmem:$0x1DEA8] =	vst v63  }
0xd9: {  	s12 =	simm.s32 $0x4B80;
	s5 =	sadd.s32 s5, s4  }
0xda: {  	[tilespmem:s12], [sflag:$0x6] =	stream.linear.gather [spmem:s5], $0x50, $0x38;
	[tilespmem:$0x1DEA8] =	vst v63  }
0xdb: {  	_ =	swait.ge [sflag:s31], $0xA00  }
0xdc: {  	[sflag:s31] =	ssyncset.done $0x0  }
0xdd: {  	[sflag:s31] =	ssyncadd.s32 $0xFFFFF600  }
0xde: {  	_ =	swait.ge [sflag:s0], $0x50  }
0xdf: {  	[sflag:s0] =	ssyncset.done $0x0  }
0xe0: {  	s13 =	simm.s32 $0x0;
	[sflag:s0] =	ssyncadd.s32 $0xFFFFFFB0  }
.LBB2_10:
0xe1: {  	v3 =	vld [tilespmem:s12+$0x0];
	_ =	sdelay $0x3  }
0xe2: {  	v4 =	vmov s13  }
0xe3: {  	v4 =	vshll.u32 v4, $0x5;
	v3 =	vmax.f32 v3, $1.000000000e+00  }
0xe4: {  	(erf) = vrcp.f32 v3;
	v3 =	vor.u32 v2, v4;
	_ =	sdelay $0x4  }
0xe5: {  	v4 =	vld.idx.msk [tilespmem:v3+s30+$0x0], $0xffff;
	_ =	sdelay $0x2  }
0xe6: {  	v5 =	vor.u32 $0x1, v3  }
0xe7: {  	v6 =	vpop (erf)  }
0xe8: {  	v4 =	vmul.f32 v6, v4;
	_ =	sdelay $0x1  }
0xe9: {  	[tilespmem:v3+s30+$0x0] =	vst.idx.msk $0xffff, v4  }
0xea: {  	v4 =	vld.idx.msk [tilespmem:v5+s30+$0x0], $0xffff;
	_ =	sdelay $0x2  }
0xeb: {  	v7 =	vor.u32 $0x2, v3;
	_ =	sdelay $0x1  }
0xec: {  	v4 =	vmul.f32 v4, v6;
	_ =	sdelay $0x1  }
0xed: {  	[tilespmem:v5+s30+$0x0] =	vst.idx.msk $0xffff, v4  }
0xee: {  	v4 =	vld.idx.msk [tilespmem:v7+s30+$0x0], $0xffff;
	_ =	sdelay $0x2  }
0xef: {  	v36 =	vor.u32 $0x3, v3;
	_ =	sdelay $0x1  }
0xf0: {  	v4 =	vmul.f32 v4, v6;
	_ =	sdelay $0x1  }
0xf1: {  	[tilespmem:v7+s30+$0x0] =	vst.idx.msk $0xffff, v4  }
0xf2: {  	v4 =	vld.idx.msk [tilespmem:v36+s30+$0x0], $0xffff;
	_ =	sdelay $0x2  }
0xf3: {  	v37 =	vor.u32 $0x4, v3;
	_ =	sdelay $0x1  }
0xf4: {  	v4 =	vmul.f32 v4, v6;
	_ =	sdelay $0x1  }
0xf5: {  	[tilespmem:v36+s30+$0x0] =	vst.idx.msk $0xffff, v4  }
0xf6: {  	v4 =	vld.idx.msk [tilespmem:v37+s30+$0x0], $0xffff;
	_ =	sdelay $0x2  }
0xf7: {  	v38 =	vor.u32 $0x5, v3;
	_ =	sdelay $0x1  }
0xf8: {  	v4 =	vmul.f32 v4, v6;
	_ =	sdelay $0x1  }
0xf9: {  	[tilespmem:v37+s30+$0x0] =	vst.idx.msk $0xffff, v4  }
0xfa: {  	v4 =	vld.idx.msk [tilespmem:v38+s30+$0x0], $0xffff;
	_ =	sdelay $0x2  }
0xfb: {  	v39 =	vor.u32 $0x6, v3;
	_ =	sdelay $0x1  }
0xfc: {  	v4 =	vmul.f32 v4, v6;
	_ =	sdelay $0x1  }
0xfd: {  	[tilespmem:v38+s30+$0x0] =	vst.idx.msk $0xffff, v4  }
0xfe: {  	v4 =	vld.idx.msk [tilespmem:v39+s30+$0x0], $0xffff;
	_ =	sdelay $0x2  }
0xff: {  	v40 =	vor.u32 $0x7, v3;
	_ =	sdelay $0x1  }
0x100: {  	v4 =	vmul.f32 v4, v6;
	_ =	sdelay $0x1  }
0x101: {  	[tilespmem:v39+s30+$0x0] =	vst.idx.msk $0xffff, v4  }
0x102: {  	v4 =	vld.idx.msk [tilespmem:v40+s30+$0x0], $0xffff;
	_ =	sdelay $0x2  }
0x103: {  	v41 =	vor.u32 $0x8, v3;
	_ =	sdelay $0x1  }
0x104: {  	v4 =	vmul.f32 v4, v6;
	_ =	sdelay $0x1  }
0x105: {  	[tilespmem:v40+s30+$0x0] =	vst.idx.msk $0xffff, v4  }
0x106: {  	v4 =	vld.idx.msk [tilespmem:v41+s30+$0x0], $0xffff;
	_ =	sdelay $0x2  }
0x107: {  	v42 =	vor.u32 $0x9, v3;
	_ =	sdelay $0x1  }
0x108: {  	v4 =	vmul.f32 v4, v6;
	_ =	sdelay $0x1  }
0x109: {  	[tilespmem:v41+s30+$0x0] =	vst.idx.msk $0xffff, v4  }
0x10a: {  	v4 =	vld.idx.msk [tilespmem:v42+s30+$0x0], $0xffff;
	_ =	sdelay $0x2  }
0x10b: {  	v43 =	vor.u32 $0xA, v3;
	_ =	sdelay $0x1  }
0x10c: {  	v4 =	vmul.f32 v4, v6;
	_ =	sdelay $0x1  }
0x10d: {  	[tilespmem:v42+s30+$0x0] =	vst.idx.msk $0xffff, v4  }
0x10e: {  	v4 =	vld.idx.msk [tilespmem:v43+s30+$0x0], $0xffff;
	_ =	sdelay $0x2  }
0x10f: {  	v44 =	vor.u32 $0xB, v3;
	_ =	sdelay $0x1  }
0x110: {  	v4 =	vmul.f32 v4, v6;
	_ =	sdelay $0x1  }
0x111: {  	[tilespmem:v43+s30+$0x0] =	vst.idx.msk $0xffff, v4  }
0x112: {  	v4 =	vld.idx.msk [tilespmem:v44+s30+$0x0], $0xffff;
	_ =	sdelay $0x2  }
0x113: {  	v45 =	vor.u32 $0xC, v3;
	_ =	sdelay $0x1  }
0x114: {  	v4 =	vmul.f32 v4, v6;
	_ =	sdelay $0x1  }
0x115: {  	[tilespmem:v44+s30+$0x0] =	vst.idx.msk $0xffff, v4  }
0x116: {  	v4 =	vld.idx.msk [tilespmem:v45+s30+$0x0], $0xffff;
	_ =	sdelay $0x2  }
0x117: {  	v46 =	vor.u32 $0xD, v3;
	_ =	sdelay $0x1  }
0x118: {  	v4 =	vmul.f32 v4, v6;
	_ =	sdelay $0x1  }
0x119: {  	[tilespmem:v45+s30+$0x0] =	vst.idx.msk $0xffff, v4  }
0x11a: {  	v4 =	vld.idx.msk [tilespmem:v46+s30+$0x0], $0xffff;
	_ =	sdelay $0x2  }
0x11b: {  	v47 =	vor.u32 $0xE, v3;
	_ =	sdelay $0x1  }
0x11c: {  	v4 =	vmul.f32 v4, v6;
	_ =	sdelay $0x1  }
0x11d: {  	[tilespmem:v46+s30+$0x0] =	vst.idx.msk $0xffff, v4  }
0x11e: {  	v4 =	vld.idx.msk [tilespmem:v47+s30+$0x0], $0xffff;
	_ =	sdelay $0x2  }
0x11f: {  	v48 =	vor.u32 $0xF, v3;
	_ =	sdelay $0x1  }
0x120: {  	v4 =	vmul.f32 v4, v6;
	_ =	sdelay $0x1  }
0x121: {  	[tilespmem:v47+s30+$0x0] =	vst.idx.msk $0xffff, v4  }
0x122: {  	v4 =	vld.idx.msk [tilespmem:v48+s30+$0x0], $0xffff;
	_ =	sdelay $0x2  }
0x123: {  	v49 =	vor.u32 $0x10, v3;
	_ =	sdelay $0x1  }
0x124: {  	v4 =	vmul.f32 v4, v6;
	_ =	sdelay $0x1  }
0x125: {  	[tilespmem:v48+s30+$0x0] =	vst.idx.msk $0xffff, v4  }
0x126: {  	v4 =	vld.idx.msk [tilespmem:v49+s30+$0x0], $0xffff;
	_ =	sdelay $0x2  }
0x127: {  	v50 =	vor.u32 $0x11, v3;
	_ =	sdelay $0x1  }
0x128: {  	v4 =	vmul.f32 v4, v6;
	_ =	sdelay $0x1  }
0x129: {  	[tilespmem:v49+s30+$0x0] =	vst.idx.msk $0xffff, v4  }
0x12a: {  	v4 =	vld.idx.msk [tilespmem:v50+s30+$0x0], $0xffff;
	_ =	sdelay $0x2  }
0x12b: {  	v51 =	vor.u32 $0x12, v3;
	_ =	sdelay $0x1  }
0x12c: {  	v4 =	vmul.f32 v4, v6;
	_ =	sdelay $0x1  }
0x12d: {  	[tilespmem:v50+s30+$0x0] =	vst.idx.msk $0xffff, v4  }
0x12e: {  	v4 =	vld.idx.msk [tilespmem:v51+s30+$0x0], $0xffff;
	_ =	sdelay $0x2  }
0x12f: {  	v52 =	vor.u32 $0x13, v3;
	_ =	sdelay $0x1  }
0x130: {  	v4 =	vmul.f32 v4, v6;
	_ =	sdelay $0x1  }
0x131: {  	[tilespmem:v51+s30+$0x0] =	vst.idx.msk $0xffff, v4  }
0x132: {  	v4 =	vld.idx.msk [tilespmem:v52+s30+$0x0], $0xffff;
	_ =	sdelay $0x2  }
0x133: {  	v53 =	vor.u32 $0x14, v3;
	_ =	sdelay $0x1  }
0x134: {  	v4 =	vmul.f32 v4, v6;
	_ =	sdelay $0x1  }
0x135: {  	[tilespmem:v52+s30+$0x0] =	vst.idx.msk $0xffff, v4  }
0x136: {  	v4 =	vld.idx.msk [tilespmem:v53+s30+$0x0], $0xffff;
	_ =	sdelay $0x2  }
0x137: {  	v54 =	vor.u32 $0x15, v3;
	_ =	sdelay $0x1  }
0x138: {  	v4 =	vmul.f32 v4, v6;
	_ =	sdelay $0x1  }
0x139: {  	[tilespmem:v53+s30+$0x0] =	vst.idx.msk $0xffff, v4  }
0x13a: {  	v4 =	vld.idx.msk [tilespmem:v54+s30+$0x0], $0xffff;
	_ =	sdelay $0x2  }
0x13b: {  	v55 =	vor.u32 $0x16, v3;
	_ =	sdelay $0x1  }
0x13c: {  	v4 =	vmul.f32 v4, v6;
	_ =	sdelay $0x1  }
0x13d: {  	[tilespmem:v54+s30+$0x0] =	vst.idx.msk $0xffff, v4  }
0x13e: {  	v4 =	vld.idx.msk [tilespmem:v55+s30+$0x0], $0xffff;
	_ =	sdelay $0x2  }
0x13f: {  	v56 =	vor.u32 $0x17, v3;
	_ =	sdelay $0x1  }
0x140: {  	v4 =	vmul.f32 v4, v6;
	_ =	sdelay $0x1  }
0x141: {  	[tilespmem:v55+s30+$0x0] =	vst.idx.msk $0xffff, v4  }
0x142: {  	v4 =	vld.idx.msk [tilespmem:v56+s30+$0x0], $0xffff;
	_ =	sdelay $0x2  }
0x143: {  	v57 =	vor.u32 $0x18, v3;
	_ =	sdelay $0x1  }
0x144: {  	v4 =	vmul.f32 v4, v6;
	_ =	sdelay $0x1  }
0x145: {  	[tilespmem:v56+s30+$0x0] =	vst.idx.msk $0xffff, v4  }
0x146: {  	v4 =	vld.idx.msk [tilespmem:v57+s30+$0x0], $0xffff;
	_ =	sdelay $0x2  }
0x147: {  	v58 =	vor.u32 $0x19, v3;
	_ =	sdelay $0x1  }
0x148: {  	v4 =	vmul.f32 v4, v6;
	_ =	sdelay $0x1  }
0x149: {  	[tilespmem:v57+s30+$0x0] =	vst.idx.msk $0xffff, v4  }
0x14a: {  	v4 =	vld.idx.msk [tilespmem:v58+s30+$0x0], $0xffff;
	_ =	sdelay $0x2  }
0x14b: {  	v59 =	vor.u32 $0x1A, v3;
	_ =	sdelay $0x1  }
0x14c: {  	v4 =	vmul.f32 v4, v6;
	_ =	sdelay $0x1  }
0x14d: {  	[tilespmem:v58+s30+$0x0] =	vst.idx.msk $0xffff, v4  }
0x14e: {  	v4 =	vld.idx.msk [tilespmem:v59+s30+$0x0], $0xffff;
	_ =	sdelay $0x2  }
0x14f: {  	v60 =	vor.u32 $0x1B, v3;
	_ =	sdelay $0x1  }
0x150: {  	v4 =	vmul.f32 v4, v6;
	_ =	sdelay $0x1  }
0x151: {  	[tilespmem:v59+s30+$0x0] =	vst.idx.msk $0xffff, v4  }
0x152: {  	v4 =	vld.idx.msk [tilespmem:v60+s30+$0x0], $0xffff;
	_ =	sdelay $0x2  }
0x153: {  	v61 =	vor.u32 $0x1C, v3;
	_ =	sdelay $0x1  }
0x154: {  	v4 =	vmul.f32 v4, v6;
	_ =	sdelay $0x1  }
0x155: {  	[tilespmem:v60+s30+$0x0] =	vst.idx.msk $0xffff, v4  }
0x156: {  	v4 =	vld.idx.msk [tilespmem:v61+s30+$0x0], $0xffff;
	_ =	sdelay $0x2  }
0x157: {  	v62 =	vor.u32 $0x1D, v3;
	_ =	sdelay $0x1  }
0x158: {  	v4 =	vmul.f32 v4, v6;
	_ =	sdelay $0x1  }
0x159: {  	[tilespmem:v61+s30+$0x0] =	vst.idx.msk $0xffff, v4  }
0x15a: {  	v4 =	vld.idx.msk [tilespmem:v62+s30+$0x0], $0xffff;
	_ =	sdelay $0x2  }
0x15b: {  	v63 =	vor.u32 $0x1E, v3;
	_ =	sdelay $0x1  }
0x15c: {  	v4 =	vmul.f32 v4, v6;
	_ =	sdelay $0x1  }
0x15d: {  	[tilespmem:v62+s30+$0x0] =	vst.idx.msk $0xffff, v4  }
0x15e: {  	v4 =	vld.idx.msk [tilespmem:v63+s30+$0x0], $0xffff;
	_ =	sdelay $0x2  }
0x15f: {  	v3 =	vor.u32 $0x1F, v3;
	_ =	sdelay $0x1  }
0x160: {  	v4 =	vmul.f32 v4, v6;
	_ =	sdelay $0x1  }
0x161: {  	[tilespmem:v63+s30+$0x0] =	vst.idx.msk $0xffff, v4  }
0x162: {  	v4 =	vld.idx.msk [tilespmem:v3+s30+$0x0], $0xffff;
	_ =	sdelay $0x1  }
0x163: {  	p0 =	sne.s32 s13, $0x40  }
.Ltmp8:
0x164: {  	_ = 	snop;
	(pc) =	sbr.rel @p0 .LBB2_10-.Ltmp8, $3  }
0x165: {  	_ = 	snop  }
0x166: {  	v4 =	vmul.f32 v4, v6;
	_ =	sdelay $0x1  }
0x167: {  	s12 =	sadd.s32 $0x10, s12;
	s13 =	sadd.s32 $0x10, s13;
	[tilespmem:v3+s30+$0x0] =	vst.idx.msk $0xffff, v4  }
.Ltmp9:
0x168: {  	(pc) =	sbr.rel .LBB2_12-.Ltmp9, $4  }
0x169: {  	[spmem:s11] =	stream.linear.scatter [tilespmem:s30], [sflag:$0x9], $0xA00, $0x38;
	[tilespmem:$0x1DEA8] =	vst v63  }
0x16a: {  	_ =	swait.ge [sflag:s26], $0xA00  }
0x16b: {  	[sflag:s26] =	ssyncset.done $0x0  }
0x16c: {  	[sflag:s26] =	ssyncadd.s32 $0xFFFFF600  }
.LBB2_13:
0x16d: {  	[bflag:$0x0] =	sbarrier.arrive $0xFFFF  }
0x16e: {  	s18 =	simm.s32 $0x0;
	s5 =	rddreg [dreg:$0x9]  }
0x16f: {  	[tilespmem:s18], [sflag:$0x1] =	stream.linear.gather [hbm4b:s5+s18], $0x80, $0x38;
	[tilespmem:$0x1DEA8] =	vst v63  }
0x170: {  	s10 =	simm.s32 $0x100;
	s20 =	rddreg [dreg:$0xa]  }
0x171: {  	[tilespmem:s10], [sflag:$0x3] =	stream.strided.gather [hbm4b:s20+s24], $0x1000, s25, s24, $0x38;
	[tilespmem:$0x1DEA8] =	vst v63  }
.Ltmp10:
0x172: {  	_ = 	snop;
	(pc) =	sbr.rel .LBB2_14-.Ltmp10, $4  }
0x173: {  	s22 =	simm.s32 $0x80;
	s21 =	rddreg [dreg:$0xb]  }
0x174: {  	[tilespmem:s22], [sflag:$0x2] =	stream.linear.gather [hbm4b:s21+s18], $0x80, $0x38;
	[tilespmem:$0x1DEA8] =	vst v63  }
0x175: {  	s29 =	simm.s32 $0x1100;
	s23 =	rddreg [dreg:$0xc]  }
0x176: {  	[tilespmem:s29], [sflag:$0x4] =	stream.strided.gather [hbm4b:s23+s24], $0x1000, s25, s24, $0x38;
	[tilespmem:$0x1DEA8] =	vst v63  }
.LBB2_21:
0x177: {  	s18 =	sadd.s32 $0x1, s18  }
0x178: {  	p0 =	sne.s32 s18, $0xC5  }
.Ltmp11:
0x179: {  	_ = 	snop;
	(pc) =	sbr.rel @!p0 .LBB2_22-.Ltmp11, $1  }
0x17a: {  	_ =	sdelay $0x3  }
.LBB2_14:
0x17b: {  	s11 =	sshll.u32 s18, $0x5  }
0x17c: {  	s5 =	sadd.s32 s16, s11  }
0x17d: {  	p0 =	sgt.u32 s5, $0x1869  }
0x17e: {  	s5 =	simm.s32 @!p0 $0x7  }
0x17f: {  	s13 =	sor.u32 s6, s11;
	_ =	swait.ge @!p0 [sflag:s5], $0x1000  }
0x180: {  	p1 =	sgt.u32 s13, $0x1869;
	[sflag:s5] =	ssyncset.done @!p0 $0x0  }
0x181: {  	[sflag:s5] =	ssyncadd.s32 @!p0 $0xFFFFF000;
	s5 =	simm.s32 @!p1 $0x1  }
0x182: {  	_ =	swait.ge @!p1 [sflag:s5], $0x80  }
0x183: {  	[sflag:s5] =	ssyncset.done @!p1 $0x0  }
0x184: {  	[sflag:s5] =	ssyncadd.s32 @!p1 $0xFFFFFF80;
	s5 =	simm.s32 @!p1 $0x3  }
0x185: {  	s29 =	sadd.s32 s17, s11;
	_ =	swait.ge @!p1 [sflag:s5], $0x1000  }
0x186: {  	p2 =	sgt.u32 s29, $0x1869;
	s10 =	simm.s32 @!p1 $0x0;
	[sflag:s5] =	ssyncset.done @!p1 $0x0  }
0x187: {  	s12 =	simm.s32 @!p1 $0x2100;
	[sflag:s5] =	ssyncadd.s32 @!p1 $0xFFFFF000;
	s5 =	simm.s32 @!p1 $0x80  }
0x188: {  	[tilespmem:s12], [sflag:$0x5] =	stream.indirect.gather @!p1 [spmem:s3], $0x20, s10, s5, $0xb8;
	[tilespmem:$0x1DEA8] =	vst v63  }
0x189: {  	s5 =	simm.s32 @!p2 $0x8  }
0x18a: {  	s12 =	sor.u32 $0x10, s13;
	_ =	swait.ge @!p2 [sflag:s5], $0x1000  }
0x18b: {  	p0 =	sgt.u32 s12, $0x1869;
	[sflag:s5] =	ssyncset.done @!p2 $0x0  }
0x18c: {  	[sflag:s5] =	ssyncadd.s32 @!p2 $0xFFFFF000;
	s5 =	simm.s32 @!p0 $0x2  }
0x18d: {  	_ =	swait.ge @!p0 [sflag:s5], $0x80  }
0x18e: {  	[sflag:s5] =	ssyncset.done @!p0 $0x0  }
.Ltmp12:
0x18f: {  	[sflag:s5] =	ssyncadd.s32 @!p0 $0xFFFFFF80;
	s5 =	simm.s32 @!p0 $0x4;
	(pc) =	sbr.rel @p1 .LBB2_21-.Ltmp12, $4  }
0x190: {  	_ =	swait.ge @!p0 [sflag:s5], $0x1000  }
0x191: {  	[sflag:s5] =	ssyncset.done @!p0 $0x0  }
0x192: {  	s10 =	simm.s32 @!p0 $0x3100;
	[sflag:s5] =	ssyncadd.s32 @!p0 $0xFFFFF000;
	s5 =	simm.s32 @!p0 $0x80  }
0x193: {  	[tilespmem:s10], [sflag:$0x6] =	stream.indirect.gather @!p0 [spmem:s3], $0x20, s5, s5, $0xb8;
	[tilespmem:$0x1DEA8] =	vst v63  }
0x194: {  	_ =	swait.ge [sflag:s31], $0x1000  }
0x195: {  	[sflag:s31] =	ssyncset.done $0x0  }
0x196: {  	s21 =	simm.s32 $0x180;
	[sflag:s31] =	ssyncadd.s32 $0xFFFFF000  }
0x197: {  	s10 =	simm.s32 $0x2180;
	v3 =	vld [tilespmem:s21+$0x0]  }
0x198: {  	v4 =	vld [tilespmem:s10+$0x0];
	_ =	sdelay $0x3  }
0x199: {  	v5 =	vld [tilespmem:s21+$0xFFFFFF80]  }
0x19a: {  	v3 =	vsub.f32 v3, v4;
	v4 =	vld [tilespmem:s10+$0xFFFFFF80];
	_ =	sdelay $0x1  }
0x19b: {  	[tilespmem:s10+$0x0] =	vst v3;
	v3 =	vld [tilespmem:s10+$0x10]  }
0x19c: {  	v6 =	vld [tilespmem:s21+$0x10];
	_ =	sdelay $0x1  }
0x19d: {  	v4 =	vsub.f32 v5, v4;
	_ =	sdelay $0x1  }
0x19e: {  	v7 =	vld [tilespmem:s10+$0xFFFFFF90];
	[tilespmem:s10+$0xFFFFFF80] =	vst v4  }
0x19f: {  	v3 =	vsub.f32 v6, v3;
	v4 =	vld [tilespmem:s21+$0xFFFFFF90];
	_ =	sdelay $0x1  }
0x1a0: {  	[tilespmem:s10+$0x10] =	vst v3;
	v3 =	vld [tilespmem:s10+$0x20]  }
0x1a1: {  	v6 =	vld [tilespmem:s21+$0x20]  }
0x1a2: {  	v8 =	vld [tilespmem:s10+$0xFFFFFFB0]  }
0x1a3: {  	s20 =	simm.s32 $0x280;
	v9 =	vld [tilespmem:s10+$0xFFFFFFD0];
	v4 =	vsub.f32 v4, v7  }
0x1a4: {  	v10 =	vld [tilespmem:s20+$0x0]  }
0x1a5: {  	v5 =	vld [tilespmem:s10+$0xFFFFFFA0];
	[tilespmem:s10+$0xFFFFFF90] =	vst v4  }
0x1a6: {  	v3 =	vsub.f32 v6, v3;
	v4 =	vld [tilespmem:s21+$0xFFFFFFA0]  }
0x1a7: {  	v11 =	vld [tilespmem:s10+$0xFFFFFFE0]  }
0x1a8: {  	[tilespmem:s10+$0x20] =	vst v3;
	v3 =	vld [tilespmem:s10+$0x30]  }
0x1a9: {  	s19 =	simm.s32 $0x2280;
	v6 =	vld [tilespmem:s21+$0x30]  }
0x1aa: {  	v13 =	vld [tilespmem:s19+$0xFFFFFF80]  }
0x1ab: {  	v4 =	vsub.f32 v4, v5;
	v5 =	vld [tilespmem:s19+$0x0]  }
0x1ac: {  	v15 =	vld [tilespmem:s19+$0xFFFFFF90]  }
0x1ad: {  	s23 =	simm.s32 $0x2380;
	v16 =	vld [tilespmem:s19+$0xFFFFFFD0]  }
0x1ae: {  	v18 =	vld [tilespmem:s23+$0xFFFFFF80];
	v3 =	vsub.f32 v6, v3  }
0x1af: {  	[tilespmem:s10+$0xFFFFFFA0] =	vst v4;
	v4 =	vld [tilespmem:s10+$0x40]  }
0x1b0: {  	[tilespmem:s10+$0x30] =	vst v3;
	v5 =	vsub.f32 v10, v5;
	v10 =	vld [tilespmem:s20+$0xFFFFFF80]  }
0x1b1: {  	s22 =	simm.s32 $0x380;
	v12 =	vld [tilespmem:s21+$0x40]  }
0x1b2: {  	v19 =	vld [tilespmem:s22+$0xFFFFFF80]  }
0x1b3: {  	v6 =	vld [tilespmem:s21+$0xFFFFFFB0]  }
0x1b4: {  	v20 =	vld [tilespmem:s19+$0x50]  }
0x1b5: {  	[tilespmem:s19+$0x0] =	vst v5;
	v5 =	vld [tilespmem:s19+$0x10];
	v10 =	vsub.f32 v10, v13  }
0x1b6: {  	v14 =	vld [tilespmem:s20+$0x10];
	v4 =	vsub.f32 v12, v4  }
0x1b7: {  	v12 =	vld [tilespmem:s10+$0x50];
	[tilespmem:s19+$0xFFFFFF80] =	vst v10  }
0x1b8: {  	[tilespmem:s10+$0x40] =	vst v4;
	v4 =	vsub.f32 v6, v8;
	v8 =	vld [tilespmem:s20+$0xFFFFFF90]  }
0x1b9: {  	v6 =	vld [tilespmem:s21+$0x50]  }
0x1ba: {  	v21 =	vld [tilespmem:s19+$0x60]  }
0x1bb: {  	v7 =	vld [tilespmem:s10+$0xFFFFFFC0];
	v5 =	vsub.f32 v14, v5;
	[tilespmem:s10+$0xFFFFFFB0] =	vst v4  }
0x1bc: {  	v4 =	vld [tilespmem:s21+$0xFFFFFFC0]  }
0x1bd: {  	[tilespmem:s19+$0x10] =	vst v5;
	v5 =	vld [tilespmem:s19+$0x20]  }
0x1be: {  	v8 =	vsub.f32 v8, v15;
	v6 =	vsub.f32 v6, v12;
	v12 =	vld [tilespmem:s20+$0x20]  }
0x1bf: {  	v18 =	vsub.f32 v19, v18;
	v19 =	vld [tilespmem:s23+$0xFFFFFFA0]  }
0x1c0: {  	v13 =	vld [tilespmem:s19+$0xFFFFFFA0];
	[tilespmem:s19+$0xFFFFFF90] =	vst v8  }
0x1c1: {  	[tilespmem:s23+$0xFFFFFF80] =	vst v18;
	v4 =	vsub.f32 v4, v7;
	v7 =	vld [tilespmem:s20+$0xFFFFFFA0]  }
0x1c2: {  	v18 =	vld [tilespmem:s22+$0xFFFFFF90]  }
0x1c3: {  	v3 =	vld [tilespmem:s10+$0xFFFFFFF0];
	[tilespmem:s10+$0xFFFFFFC0] =	vst v4;
	v4 =	vsub.f32 v12, v5  }
0x1c4: {  	v10 =	vld [tilespmem:s19+$0xFFFFFFB0]  }
0x1c5: {  	v8 =	vld [tilespmem:s19+$0x30];
	[tilespmem:s19+$0x20] =	vst v4  }
0x1c6: {  	v7 =	vsub.f32 v7, v13;
	v13 =	vld [tilespmem:s20+$0x30]  }
0x1c7: {  	v5 =	vld [tilespmem:s21+$0xFFFFFFD0]  }
0x1c8: {  	v14 =	vld [tilespmem:s10+$0x60]  }
0x1c9: {  	v15 =	vld [tilespmem:s19+$0xFFFFFFC0];
	[tilespmem:s10+$0x50] =	vst v6  }
0x1ca: {  	v6 =	vld [tilespmem:s21+$0x60]  }
0x1cb: {  	[tilespmem:s19+$0xFFFFFFA0] =	vst v7;
	v7 =	vld [tilespmem:s22+$0x0];
	v8 =	vsub.f32 v13, v8  }
0x1cc: {  	v5 =	vsub.f32 v5, v9;
	v9 =	vld [tilespmem:s23+$0x0]  }
0x1cd: {  	v13 =	vld [tilespmem:s19+$0x40];
	[tilespmem:s19+$0x30] =	vst v8  }
0x1ce: {  	v8 =	vld [tilespmem:s20+$0x40]  }
0x1cf: {  	v12 =	vld [tilespmem:s10+$0x70];
	v6 =	vsub.f32 v6, v14  }
0x1d0: {  	v4 =	vld [tilespmem:s19+$0xFFFFFFE0]  }
0x1d1: {  	[tilespmem:s10+$0x60] =	vst v6;
	v6 =	vld [tilespmem:s20+$0xFFFFFFB0];
	v7 =	vsub.f32 v7, v9  }
0x1d2: {  	v9 =	vld [tilespmem:s23+$0xFFFFFF90]  }
0x1d3: {  	[tilespmem:s23+$0x0] =	vst v7;
	v7 =	vld [tilespmem:s23+$0x10];
	v8 =	vsub.f32 v8, v13  }
0x1d4: {  	v13 =	vld [tilespmem:s22+$0x10]  }
0x1d5: {  	v14 =	vld [tilespmem:s21+$0x70];
	[tilespmem:s19+$0x40] =	vst v8  }
0x1d6: {  	v6 =	vsub.f32 v6, v10;
	v10 =	vld [tilespmem:s20+$0x50]  }
0x1d7: {  	[tilespmem:s10+$0xFFFFFFD0] =	vst v5;
	v5 =	vld [tilespmem:s19+$0xFFFFFFF0]  }
0x1d8: {  	v17 =	vld [tilespmem:s21+$0xFFFFFFE0];
	[tilespmem:s19+$0xFFFFFFB0] =	vst v6;
	v9 =	vsub.f32 v18, v9  }
0x1d9: {  	v6 =	vsub.f32 v13, v7;
	v13 =	vld [tilespmem:s20+$0xFFFFFFC0]  }
0x1da: {  	[tilespmem:s23+$0xFFFFFF90] =	vst v9;
	v9 =	vld [tilespmem:s23+$0xFFFFFFE0]  }
0x1db: {  	v8 =	vld [tilespmem:s23+$0xFFFFFFB0];
	[tilespmem:s23+$0x10] =	vst v6;
	v6 =	vsub.f32 v10, v20  }
0x1dc: {  	v10 =	vld [tilespmem:s23+$0x20]  }
0x1dd: {  	v18 =	vld [tilespmem:s22+$0x20];
	[tilespmem:s19+$0x50] =	vst v6  }
0x1de: {  	v13 =	vsub.f32 v13, v15;
	v15 =	vld [tilespmem:s20+$0x60]  }
0x1df: {  	v62 =	vld [tilespmem:s22+$0xFFFFFFA0]  }
0x1e0: {  	v7 =	vld [tilespmem:s23+$0xFFFFFFC0];
	[tilespmem:s19+$0xFFFFFFC0] =	vst v13  }
0x1e1: {  	v13 =	vld [tilespmem:s20+$0xFFFFFFD0]  }
0x1e2: {  	v6 =	vld [tilespmem:s23+$0xFFFFFFD0];
	v10 =	vsub.f32 v18, v10  }
0x1e3: {  	v18 =	vld [tilespmem:s19+$0x70];
	v15 =	vsub.f32 v15, v21  }
0x1e4: {  	[tilespmem:s23+$0x20] =	vst v10;
	v10 =	vsub.f32 v17, v11;
	v17 =	vld [tilespmem:s23+$0x30]  }
0x1e5: {  	v11 =	vsub.f32 v62, v19;
	v19 =	vld [tilespmem:s22+$0x30];
	[tilespmem:s19+$0x60] =	vst v15  }
0x1e6: {  	[tilespmem:s10+$0xFFFFFFE0] =	vst v10;
	v10 =	vsub.f32 v13, v16;
	v63 =	vld [tilespmem:s20+$0x70]  }
0x1e7: {  	[tilespmem:s23+$0xFFFFFFA0] =	vst v11;
	v11 =	vld [tilespmem:s21+$0xFFFFFFF0]  }
0x1e8: {  	v15 =	vld [tilespmem:s22+$0xFFFFFFB0];
	[tilespmem:s19+$0xFFFFFFD0] =	vst v10  }
0x1e9: {  	v13 =	vsub.f32 v14, v12;
	v12 =	vld [tilespmem:s20+$0xFFFFFFE0]  }
0x1ea: {  	v10 =	vld [tilespmem:s23+$0xFFFFFFF0];
	v16 =	vsub.f32 v19, v17  }
0x1eb: {  	s29 =	simm.s32 $0x480;
	s5 =	simm.s32 $0x2380;
	s21 =	simm.s32 $0x10;
	[tilespmem:s10+$0x70] =	vst v13;
	v13 =	vld [tilespmem:s23+$0x40];
	v14 =	vsub.f32 v63, v18  }
.LBB2_16:
0x1ec: {  	v17 =	vld [tilespmem:s29+$0x0];
	[tilespmem:s23+$0x30] =	vst v16;
	s5 =	sadd.s32 $0x100, s5;
	v11 =	vsub.f32 v11, v3;
	v3 =	vmov v5  }
0x1ed: {  	v16 =	vld [tilespmem:s5+$0x0];
	v15 =	vsub.f32 v15, v8;
	[tilespmem:s19+$0x70] =	vst v14  }
0x1ee: {  	s21 =	sadd.s32 $0x8, s21;
	v8 =	vld [tilespmem:s22+$0x40];
	v12 =	vsub.f32 v12, v4;
	[tilespmem:s10+$0xFFFFFFF0] =	vst v11;
	v4 =	vmov v9;
	s10 =	smov.u32 s19;
	s19 =	smov.u32 s23  }
0x1ef: {  	p1 =	slt.u32 s21, $0x78;
	s23 =	smov.u32 s5;
	v9 =	vld [tilespmem:s5+$0xFFFFFF80];
	[tilespmem:s19+$0xFFFFFFB0] =	vst v15;
	v5 =	vmov v10  }
0x1f0: {  	v10 =	vld [tilespmem:s29+$0xFFFFFF80];
	[tilespmem:s10+$0xFFFFFFE0] =	vst v12  }
0x1f1: {  	v11 =	vld [tilespmem:s5+$0xFFFFFF90]  }
0x1f2: {  	v12 =	vld [tilespmem:s5+$0xFFFFFFA0];
	v14 =	vsub.f32 v17, v16  }
0x1f3: {  	v8 =	vsub.f32 v8, v13;
	v13 =	vld [tilespmem:s19+$0x50]  }
0x1f4: {  	[tilespmem:s5+$0x0] =	vst v14;
	v14 =	vld [tilespmem:s5+$0x10]  }
0x1f5: {  	v9 =	vsub.f32 v10, v9;
	v10 =	vld [tilespmem:s29+$0x10];
	[tilespmem:s19+$0x40] =	vst v8  }
0x1f6: {  	v15 =	vld [tilespmem:s22+$0x50]  }
0x1f7: {  	[tilespmem:s5+$0xFFFFFF80] =	vst v9;
	v8 =	vld [tilespmem:s5+$0xFFFFFFB0]  }
0x1f8: {  	v9 =	vld [tilespmem:s29+$0xFFFFFF90]  }
0x1f9: {  	v16 =	vld [tilespmem:s22+$0xFFFFFFC0]  }
0x1fa: {  	v17 =	vld [tilespmem:s5+$0xFFFFFFC0];
	v10 =	vsub.f32 v10, v14  }
0x1fb: {  	v13 =	vsub.f32 v15, v13;
	v14 =	vld [tilespmem:s19+$0x60]  }
0x1fc: {  	[tilespmem:s5+$0x10] =	vst v10;
	v10 =	vld [tilespmem:s5+$0x20]  }
0x1fd: {  	v9 =	vsub.f32 v9, v11;
	v11 =	vld [tilespmem:s29+$0x20];
	[tilespmem:s19+$0x50] =	vst v13  }
0x1fe: {  	v13 =	vsub.f32 v16, v7;
	v15 =	vld [tilespmem:s22+$0x60]  }
0x1ff: {  	[tilespmem:s5+$0xFFFFFF90] =	vst v9;
	v16 =	vld [tilespmem:s5+$0xFFFFFFD0];
	v7 =	vmov v17  }
0x200: {  	v17 =	vld [tilespmem:s29+$0xFFFFFFA0];
	[tilespmem:s19+$0xFFFFFFC0] =	vst v13  }
0x201: {  	v13 =	vld [tilespmem:s22+$0xFFFFFFD0]  }
0x202: {  	v9 =	vld [tilespmem:s5+$0xFFFFFFE0];
	v10 =	vsub.f32 v11, v10  }
0x203: {  	v11 =	vsub.f32 v15, v14;
	v14 =	vld [tilespmem:s19+$0x70]  }
0x204: {  	[tilespmem:s5+$0x20] =	vst v10;
	v18 =	vld [tilespmem:s5+$0x30]  }
0x205: {  	v10 =	vsub.f32 v17, v12;
	v17 =	vld [tilespmem:s29+$0x30];
	[tilespmem:s19+$0x60] =	vst v11  }
0x206: {  	v12 =	vsub.f32 v13, v6;
	v19 =	vld [tilespmem:s22+$0x70];
	v6 =	vmov v16  }
.Ltmp13:
0x207: {  	[tilespmem:s5+$0xFFFFFFA0] =	vst v10;
	v11 =	vld [tilespmem:s20+$0xFFFFFFF0];
	s20 =	smov.u32 s22;
	s22 =	smov.u32 s29;
	(pc) =	sbr.rel @p1 .LBB2_16-.Ltmp13, $4  }
0x208: {  	v15 =	vld [tilespmem:s29+$0xFFFFFFB0];
	[tilespmem:s19+$0xFFFFFFD0] =	vst v12  }
0x209: {  	v12 =	vld [tilespmem:s20+$0xFFFFFFE0]  }
0x20a: {  	v10 =	vld [tilespmem:s5+$0xFFFFFFF0];
	v16 =	vsub.f32 v17, v18  }
0x20b: {  	s29 =	sadd.s32 $0x100, s29;
	v13 =	vld [tilespmem:s5+$0x40];
	v14 =	vsub.f32 v19, v14  }
0x20c: {  	_ = 	snop  }
0x20d: {  	v8 =	vsub.f32 v15, v8  }
0x20e: {  	[tilespmem:s23+$0x30] =	vst v16  }
0x20f: {  	v55 =	vld [tilespmem:s22+$0x40];
	[tilespmem:s23+$0xFFFFFFB0] =	vst v8  }
0x210: {  	v8 =	vld [tilespmem:s22+$0xFFFFFFC0];
	_ =	sdelay $0x3  }
0x211: {  	v13 =	vsub.f32 v55, v13  }
0x212: {  	v7 =	vsub.f32 v8, v7  }
0x213: {  	v56 =	vld [tilespmem:s23+$0x50];
	[tilespmem:s23+$0x40] =	vst v13  }
0x214: {  	v57 =	vld [tilespmem:s22+$0x50];
	[tilespmem:s23+$0xFFFFFFC0] =	vst v7  }
0x215: {  	v7 =	vld [tilespmem:s22+$0xFFFFFFD0];
	_ =	sdelay $0x3  }
0x216: {  	v8 =	vsub.f32 v57, v56  }
0x217: {  	v6 =	vsub.f32 v7, v6  }
0x218: {  	v58 =	vld [tilespmem:s23+$0x60];
	[tilespmem:s23+$0x50] =	vst v8  }
0x219: {  	v59 =	vld [tilespmem:s22+$0x60];
	[tilespmem:s23+$0xFFFFFFD0] =	vst v6  }
0x21a: {  	v6 =	vld [tilespmem:s22+$0xFFFFFFE0];
	_ =	sdelay $0x2  }
0x21b: {  	v4 =	vsub.f32 v12, v4  }
0x21c: {  	v7 =	vsub.f32 v59, v58  }
0x21d: {  	v60 =	vld [tilespmem:s23+$0x70];
	[tilespmem:s19+$0xFFFFFFE0] =	vst v4;
	v6 =	vsub.f32 v6, v9  }
0x21e: {  	v62 =	vld [tilespmem:s20+$0xFFFFFFF0];
	[tilespmem:s23+$0x60] =	vst v7  }
0x21f: {  	v61 =	vld [tilespmem:s22+$0x70];
	[tilespmem:s23+$0xFFFFFFE0] =	vst v6  }
0x220: {  	v6 =	vld [tilespmem:s22+$0xFFFFFFF0]  }
0x221: {  	v3 =	vsub.f32 v11, v3;
	_ =	sdelay $0x1  }
0x222: {  	[tilespmem:s10+$0xFFFFFFF0] =	vst v3;
	v3 =	vsub.f32 v62, v5  }
0x223: {  	s5 =	sshll.u32 s13, $0xD;
	[tilespmem:s19+$0x70] =	vst v14;
	v4 =	vsub.f32 v61, v60  }
0x224: {  	s5 =	sor.u32 s8, s5;
	[tilespmem:s19+$0xFFFFFFF0] =	vst v3;
	v63 =	vsub.f32 v6, v10  }
0x225: {  	s5 =	sshrl.u32 s5, $0x3;
	[tilespmem:s23+$0x70] =	vst v4  }
0x226: {  	s5 =	sadd.s32 s7, s5;
	[tilespmem:s23+$0xFFFFFFF0] =	vst v63  }
0x227: {  	[hbm4b:s5+s24] =	stream.strided.scatter [tilespmem:s28], [sflag:$0x7], $0x1000, s25, s24, $0x38;
	[tilespmem:$0x1DEA8] =	vst v63  }
0x228: {  	s5 =	sadd.s32 s14, s11  }
0x229: {  	p1 =	sgt.u32 s5, $0x1869  }
0x22a: {  	s10 =	sshll.u32 @!p1 s5, $0x4;
	s13 =	simm.s32 @!p1 $0x0;
	s5 =	sshll.u32 @!p1 s5, $0xD  }
.Ltmp14:
0x22b: {  	s10 =	sadd.s32 @!p1 s2, s10;
	s5 =	sor.u32 @!p1 s8, s5;
	(pc) =	sbr.rel @p0 .LBB2_21-.Ltmp14, $4  }
0x22c: {  	[tilespmem:s13], [sflag:$0x1] =	stream.linear.gather @!p1 [hbm4b:s10+s13], $0x80, $0x38;
	[tilespmem:$0x1DEA8] =	vst v63  }
0x22d: {  	s15 =	simm.s32 @!p1 $0x100;
	s5 =	sshrl.u32 @!p1 s5, $0x3  }
0x22e: {  	s10 =	simm.s32 @!p1 $0x20;
	s13 =	simm.s32 @!p1 $0x40;
	s5 =	sadd.s32 @!p1 s1, s5  }
0x22f: {  	[tilespmem:s15], [sflag:$0x3] =	stream.strided.gather @!p1 [hbm4b:s5+s10], $0x1000, s13, s10, $0x38;
	[tilespmem:$0x1DEA8] =	vst v63  }
0x230: {  	_ =	swait.ge [sflag:s0], $0x1000  }
0x231: {  	[sflag:s0] =	ssyncset.done $0x0  }
0x232: {  	s21 =	simm.s32 $0x11F0;
	[sflag:s0] =	ssyncadd.s32 $0xFFFFF000  }
0x233: {  	s10 =	simm.s32 $0x31F0;
	v3 =	vld [tilespmem:s21+$0xFFFFFF90]  }
0x234: {  	v4 =	vld [tilespmem:s10+$0xFFFFFF90];
	_ =	sdelay $0x3  }
0x235: {  	v5 =	vld [tilespmem:s21+$0xFFFFFF10]  }
0x236: {  	v3 =	vsub.f32 v3, v4;
	v4 =	vld [tilespmem:s10+$0xFFFFFF10];
	_ =	sdelay $0x1  }
0x237: {  	[tilespmem:s10+$0xFFFFFF90] =	vst v3;
	v3 =	vld [tilespmem:s10+$0xFFFFFFA0]  }
0x238: {  	v6 =	vld [tilespmem:s21+$0xFFFFFFA0];
	_ =	sdelay $0x1  }
0x239: {  	v4 =	vsub.f32 v5, v4;
	_ =	sdelay $0x1  }
0x23a: {  	v7 =	vld [tilespmem:s10+$0xFFFFFF20];
	[tilespmem:s10+$0xFFFFFF10] =	vst v4  }
0x23b: {  	v3 =	vsub.f32 v6, v3;
	v4 =	vld [tilespmem:s21+$0xFFFFFF20];
	_ =	sdelay $0x1  }
0x23c: {  	[tilespmem:s10+$0xFFFFFFA0] =	vst v3;
	v3 =	vld [tilespmem:s10+$0xFFFFFFB0]  }
0x23d: {  	v6 =	vld [tilespmem:s21+$0xFFFFFFB0]  }
0x23e: {  	v8 =	vld [tilespmem:s10+$0xFFFFFF40]  }
0x23f: {  	s19 =	simm.s32 $0x12F0;
	v9 =	vld [tilespmem:s10+$0xFFFFFF60];
	v4 =	vsub.f32 v4, v7  }
0x240: {  	v10 =	vld [tilespmem:s19+$0xFFFFFF90]  }
0x241: {  	v5 =	vld [tilespmem:s10+$0xFFFFFF30];
	[tilespmem:s10+$0xFFFFFF20] =	vst v4  }
0x242: {  	v3 =	vsub.f32 v6, v3;
	v4 =	vld [tilespmem:s21+$0xFFFFFF30]  }
0x243: {  	v11 =	vld [tilespmem:s10+$0xFFFFFF70]  }
0x244: {  	[tilespmem:s10+$0xFFFFFFB0] =	vst v3;
	v3 =	vld [tilespmem:s10+$0xFFFFFFC0]  }
0x245: {  	s13 =	simm.s32 $0x32F0;
	v6 =	vld [tilespmem:s21+$0xFFFFFFC0]  }
0x246: {  	v13 =	vld [tilespmem:s13+$0xFFFFFF10]  }
0x247: {  	v4 =	vsub.f32 v4, v5;
	v5 =	vld [tilespmem:s13+$0xFFFFFF90]  }
0x248: {  	v15 =	vld [tilespmem:s13+$0xFFFFFF20]  }
0x249: {  	s20 =	simm.s32 $0x33F0;
	v16 =	vld [tilespmem:s13+$0xFFFFFF60]  }
0x24a: {  	v18 =	vld [tilespmem:s20+$0xFFFFFF10];
	v3 =	vsub.f32 v6, v3  }
0x24b: {  	[tilespmem:s10+$0xFFFFFF30] =	vst v4;
	v4 =	vld [tilespmem:s10+$0xFFFFFFD0]  }
0x24c: {  	[tilespmem:s10+$0xFFFFFFC0] =	vst v3;
	v5 =	vsub.f32 v10, v5;
	v10 =	vld [tilespmem:s19+$0xFFFFFF10]  }
0x24d: {  	s22 =	simm.s32 $0x13F0;
	v12 =	vld [tilespmem:s21+$0xFFFFFFD0]  }
0x24e: {  	v19 =	vld [tilespmem:s22+$0xFFFFFF10]  }
0x24f: {  	v6 =	vld [tilespmem:s21+$0xFFFFFF40]  }
0x250: {  	v20 =	vld [tilespmem:s13+$0xFFFFFFE0]  }
0x251: {  	[tilespmem:s13+$0xFFFFFF90] =	vst v5;
	v5 =	vld [tilespmem:s13+$0xFFFFFFA0];
	v10 =	vsub.f32 v10, v13  }
0x252: {  	v14 =	vld [tilespmem:s19+$0xFFFFFFA0];
	v4 =	vsub.f32 v12, v4  }
0x253: {  	v12 =	vld [tilespmem:s10+$0xFFFFFFE0];
	[tilespmem:s13+$0xFFFFFF10] =	vst v10  }
0x254: {  	[tilespmem:s10+$0xFFFFFFD0] =	vst v4;
	v4 =	vsub.f32 v6, v8;
	v8 =	vld [tilespmem:s19+$0xFFFFFF20]  }
0x255: {  	v6 =	vld [tilespmem:s21+$0xFFFFFFE0]  }
0x256: {  	v21 =	vld [tilespmem:s13+$0xFFFFFFF0]  }
0x257: {  	v7 =	vld [tilespmem:s10+$0xFFFFFF50];
	v5 =	vsub.f32 v14, v5;
	[tilespmem:s10+$0xFFFFFF40] =	vst v4  }
0x258: {  	v4 =	vld [tilespmem:s21+$0xFFFFFF50]  }
0x259: {  	[tilespmem:s13+$0xFFFFFFA0] =	vst v5;
	v5 =	vld [tilespmem:s13+$0xFFFFFFB0]  }
0x25a: {  	v8 =	vsub.f32 v8, v15;
	v6 =	vsub.f32 v6, v12;
	v12 =	vld [tilespmem:s19+$0xFFFFFFB0]  }
0x25b: {  	v18 =	vsub.f32 v19, v18;
	v19 =	vld [tilespmem:s20+$0xFFFFFF30]  }
0x25c: {  	v13 =	vld [tilespmem:s13+$0xFFFFFF30];
	[tilespmem:s13+$0xFFFFFF20] =	vst v8  }
0x25d: {  	[tilespmem:s20+$0xFFFFFF10] =	vst v18;
	v4 =	vsub.f32 v4, v7;
	v7 =	vld [tilespmem:s19+$0xFFFFFF30]  }
0x25e: {  	v18 =	vld [tilespmem:s22+$0xFFFFFF20]  }
0x25f: {  	v3 =	vld [tilespmem:s10+$0xFFFFFF80];
	[tilespmem:s10+$0xFFFFFF50] =	vst v4;
	v4 =	vsub.f32 v12, v5  }
0x260: {  	v10 =	vld [tilespmem:s13+$0xFFFFFF40]  }
0x261: {  	v8 =	vld [tilespmem:s13+$0xFFFFFFC0];
	[tilespmem:s13+$0xFFFFFFB0] =	vst v4  }
0x262: {  	v7 =	vsub.f32 v7, v13;
	v13 =	vld [tilespmem:s19+$0xFFFFFFC0]  }
0x263: {  	v5 =	vld [tilespmem:s21+$0xFFFFFF60]  }
0x264: {  	v14 =	vld [tilespmem:s10+$0xFFFFFFF0]  }
0x265: {  	v15 =	vld [tilespmem:s13+$0xFFFFFF50];
	[tilespmem:s10+$0xFFFFFFE0] =	vst v6  }
0x266: {  	v6 =	vld [tilespmem:s21+$0xFFFFFFF0]  }
0x267: {  	[tilespmem:s13+$0xFFFFFF30] =	vst v7;
	v7 =	vld [tilespmem:s22+$0xFFFFFF90];
	v8 =	vsub.f32 v13, v8  }
0x268: {  	v5 =	vsub.f32 v5, v9;
	v9 =	vld [tilespmem:s20+$0xFFFFFF90]  }
0x269: {  	v13 =	vld [tilespmem:s13+$0xFFFFFFD0];
	[tilespmem:s13+$0xFFFFFFC0] =	vst v8  }
0x26a: {  	v8 =	vld [tilespmem:s19+$0xFFFFFFD0]  }
0x26b: {  	v12 =	vld [tilespmem:s10+$0x0];
	v6 =	vsub.f32 v6, v14  }
0x26c: {  	v4 =	vld [tilespmem:s13+$0xFFFFFF70]  }
0x26d: {  	[tilespmem:s10+$0xFFFFFFF0] =	vst v6;
	v6 =	vld [tilespmem:s19+$0xFFFFFF40];
	v7 =	vsub.f32 v7, v9  }
0x26e: {  	v9 =	vld [tilespmem:s20+$0xFFFFFF20]  }
0x26f: {  	[tilespmem:s20+$0xFFFFFF90] =	vst v7;
	v7 =	vld [tilespmem:s20+$0xFFFFFFA0];
	v8 =	vsub.f32 v8, v13  }
0x270: {  	v13 =	vld [tilespmem:s22+$0xFFFFFFA0]  }
0x271: {  	v14 =	vld [tilespmem:s21+$0x0];
	[tilespmem:s13+$0xFFFFFFD0] =	vst v8  }
0x272: {  	v6 =	vsub.f32 v6, v10;
	v10 =	vld [tilespmem:s19+$0xFFFFFFE0]  }
0x273: {  	[tilespmem:s10+$0xFFFFFF60] =	vst v5;
	v5 =	vld [tilespmem:s13+$0xFFFFFF80]  }
0x274: {  	v17 =	vld [tilespmem:s21+$0xFFFFFF70];
	[tilespmem:s13+$0xFFFFFF40] =	vst v6;
	v9 =	vsub.f32 v18, v9  }
0x275: {  	v6 =	vsub.f32 v13, v7;
	v13 =	vld [tilespmem:s19+$0xFFFFFF50]  }
0x276: {  	[tilespmem:s20+$0xFFFFFF20] =	vst v9;
	v9 =	vld [tilespmem:s20+$0xFFFFFF70]  }
0x277: {  	v8 =	vld [tilespmem:s20+$0xFFFFFF40];
	[tilespmem:s20+$0xFFFFFFA0] =	vst v6;
	v6 =	vsub.f32 v10, v20  }
0x278: {  	v10 =	vld [tilespmem:s20+$0xFFFFFFB0]  }
0x279: {  	v18 =	vld [tilespmem:s22+$0xFFFFFFB0];
	[tilespmem:s13+$0xFFFFFFE0] =	vst v6  }
0x27a: {  	v13 =	vsub.f32 v13, v15;
	v15 =	vld [tilespmem:s19+$0xFFFFFFF0]  }
0x27b: {  	v62 =	vld [tilespmem:s22+$0xFFFFFF30]  }
0x27c: {  	v7 =	vld [tilespmem:s20+$0xFFFFFF50];
	[tilespmem:s13+$0xFFFFFF50] =	vst v13  }
0x27d: {  	v13 =	vld [tilespmem:s19+$0xFFFFFF60]  }
0x27e: {  	v6 =	vld [tilespmem:s20+$0xFFFFFF60];
	v10 =	vsub.f32 v18, v10  }
0x27f: {  	v18 =	vld [tilespmem:s13+$0x0];
	v15 =	vsub.f32 v15, v21  }
0x280: {  	[tilespmem:s20+$0xFFFFFFB0] =	vst v10;
	v10 =	vsub.f32 v17, v11;
	v17 =	vld [tilespmem:s20+$0xFFFFFFC0]  }
0x281: {  	v11 =	vsub.f32 v62, v19;
	v19 =	vld [tilespmem:s22+$0xFFFFFFC0];
	[tilespmem:s13+$0xFFFFFFF0] =	vst v15  }
0x282: {  	[tilespmem:s10+$0xFFFFFF70] =	vst v10;
	v10 =	vsub.f32 v13, v16;
	v63 =	vld [tilespmem:s19+$0x0]  }
0x283: {  	[tilespmem:s20+$0xFFFFFF30] =	vst v11;
	v11 =	vld [tilespmem:s21+$0xFFFFFF80]  }
0x284: {  	v15 =	vld [tilespmem:s22+$0xFFFFFF40];
	[tilespmem:s13+$0xFFFFFF60] =	vst v10  }
0x285: {  	v13 =	vsub.f32 v14, v12;
	v12 =	vld [tilespmem:s19+$0xFFFFFF70]  }
0x286: {  	v10 =	vld [tilespmem:s20+$0xFFFFFF80];
	v16 =	vsub.f32 v19, v17  }
0x287: {  	s23 =	simm.s32 $0x14F0;
	s5 =	simm.s32 $0x33F0;
	s21 =	simm.s32 $0x10;
	[tilespmem:s10+$0x0] =	vst v13;
	v13 =	vld [tilespmem:s20+$0xFFFFFFD0];
	v14 =	vsub.f32 v63, v18  }
.LBB2_19:
0x288: {  	v17 =	vld [tilespmem:s23+$0xFFFFFF90];
	[tilespmem:s20+$0xFFFFFFC0] =	vst v16;
	s5 =	sadd.s32 $0x100, s5;
	v11 =	vsub.f32 v11, v3;
	v3 =	vmov v5  }
0x289: {  	v16 =	vld [tilespmem:s5+$0xFFFFFF90];
	v15 =	vsub.f32 v15, v8;
	[tilespmem:s13+$0x0] =	vst v14  }
0x28a: {  	s21 =	sadd.s32 $0x8, s21;
	v8 =	vld [tilespmem:s22+$0xFFFFFFD0];
	v12 =	vsub.f32 v12, v4;
	[tilespmem:s10+$0xFFFFFF80] =	vst v11;
	v4 =	vmov v9;
	s10 =	smov.u32 s13;
	s13 =	smov.u32 s20  }
0x28b: {  	p0 =	slt.u32 s21, $0x78;
	s20 =	smov.u32 s5;
	v9 =	vld [tilespmem:s5+$0xFFFFFF10];
	[tilespmem:s13+$0xFFFFFF40] =	vst v15;
	v5 =	vmov v10  }
0x28c: {  	v10 =	vld [tilespmem:s23+$0xFFFFFF10];
	[tilespmem:s10+$0xFFFFFF70] =	vst v12  }
0x28d: {  	v11 =	vld [tilespmem:s5+$0xFFFFFF20]  }
0x28e: {  	v12 =	vld [tilespmem:s5+$0xFFFFFF30];
	v14 =	vsub.f32 v17, v16  }
0x28f: {  	v8 =	vsub.f32 v8, v13;
	v13 =	vld [tilespmem:s13+$0xFFFFFFE0]  }
0x290: {  	[tilespmem:s5+$0xFFFFFF90] =	vst v14;
	v14 =	vld [tilespmem:s5+$0xFFFFFFA0]  }
0x291: {  	v9 =	vsub.f32 v10, v9;
	v10 =	vld [tilespmem:s23+$0xFFFFFFA0];
	[tilespmem:s13+$0xFFFFFFD0] =	vst v8  }
0x292: {  	v15 =	vld [tilespmem:s22+$0xFFFFFFE0]  }
0x293: {  	[tilespmem:s5+$0xFFFFFF10] =	vst v9;
	v8 =	vld [tilespmem:s5+$0xFFFFFF40]  }
0x294: {  	v9 =	vld [tilespmem:s23+$0xFFFFFF20]  }
0x295: {  	v16 =	vld [tilespmem:s22+$0xFFFFFF50]  }
0x296: {  	v17 =	vld [tilespmem:s5+$0xFFFFFF50];
	v10 =	vsub.f32 v10, v14  }
0x297: {  	v13 =	vsub.f32 v15, v13;
	v14 =	vld [tilespmem:s13+$0xFFFFFFF0]  }
0x298: {  	[tilespmem:s5+$0xFFFFFFA0] =	vst v10;
	v10 =	vld [tilespmem:s5+$0xFFFFFFB0]  }
0x299: {  	v9 =	vsub.f32 v9, v11;
	v11 =	vld [tilespmem:s23+$0xFFFFFFB0];
	[tilespmem:s13+$0xFFFFFFE0] =	vst v13  }
0x29a: {  	v13 =	vsub.f32 v16, v7;
	v15 =	vld [tilespmem:s22+$0xFFFFFFF0]  }
0x29b: {  	[tilespmem:s5+$0xFFFFFF20] =	vst v9;
	v16 =	vld [tilespmem:s5+$0xFFFFFF60];
	v7 =	vmov v17  }
0x29c: {  	v17 =	vld [tilespmem:s23+$0xFFFFFF30];
	[tilespmem:s13+$0xFFFFFF50] =	vst v13  }
0x29d: {  	v13 =	vld [tilespmem:s22+$0xFFFFFF60]  }
0x29e: {  	v9 =	vld [tilespmem:s5+$0xFFFFFF70];
	v10 =	vsub.f32 v11, v10  }
0x29f: {  	v11 =	vsub.f32 v15, v14;
	v14 =	vld [tilespmem:s13+$0x0]  }
0x2a0: {  	[tilespmem:s5+$0xFFFFFFB0] =	vst v10;
	v18 =	vld [tilespmem:s5+$0xFFFFFFC0]  }
0x2a1: {  	v10 =	vsub.f32 v17, v12;
	v17 =	vld [tilespmem:s23+$0xFFFFFFC0];
	[tilespmem:s13+$0xFFFFFFF0] =	vst v11  }
0x2a2: {  	v12 =	vsub.f32 v13, v6;
	v19 =	vld [tilespmem:s22+$0x0];
	v6 =	vmov v16  }
.Ltmp15:
0x2a3: {  	[tilespmem:s5+$0xFFFFFF30] =	vst v10;
	v11 =	vld [tilespmem:s19+$0xFFFFFF80];
	s19 =	smov.u32 s22;
	s22 =	smov.u32 s23;
	(pc) =	sbr.rel @p0 .LBB2_19-.Ltmp15, $4  }
0x2a4: {  	v15 =	vld [tilespmem:s23+$0xFFFFFF40];
	[tilespmem:s13+$0xFFFFFF60] =	vst v12  }
0x2a5: {  	v12 =	vld [tilespmem:s19+$0xFFFFFF70]  }
0x2a6: {  	v10 =	vld [tilespmem:s5+$0xFFFFFF80];
	v16 =	vsub.f32 v17, v18  }
0x2a7: {  	s23 =	sadd.s32 $0x100, s23;
	v13 =	vld [tilespmem:s5+$0xFFFFFFD0];
	v14 =	vsub.f32 v19, v14  }
0x2a8: {  	_ = 	snop  }
0x2a9: {  	v8 =	vsub.f32 v15, v8  }
0x2aa: {  	[tilespmem:s20+$0xFFFFFFC0] =	vst v16  }
0x2ab: {  	v55 =	vld [tilespmem:s22+$0xFFFFFFD0];
	[tilespmem:s20+$0xFFFFFF40] =	vst v8  }
0x2ac: {  	v8 =	vld [tilespmem:s22+$0xFFFFFF50];
	_ =	sdelay $0x3  }
0x2ad: {  	v13 =	vsub.f32 v55, v13  }
0x2ae: {  	v7 =	vsub.f32 v8, v7  }
0x2af: {  	v56 =	vld [tilespmem:s20+$0xFFFFFFE0];
	[tilespmem:s20+$0xFFFFFFD0] =	vst v13  }
0x2b0: {  	v57 =	vld [tilespmem:s22+$0xFFFFFFE0];
	[tilespmem:s20+$0xFFFFFF50] =	vst v7  }
0x2b1: {  	v7 =	vld [tilespmem:s22+$0xFFFFFF60];
	_ =	sdelay $0x3  }
0x2b2: {  	v8 =	vsub.f32 v57, v56  }
0x2b3: {  	v6 =	vsub.f32 v7, v6  }
0x2b4: {  	v58 =	vld [tilespmem:s20+$0xFFFFFFF0];
	[tilespmem:s20+$0xFFFFFFE0] =	vst v8  }
0x2b5: {  	v59 =	vld [tilespmem:s22+$0xFFFFFFF0];
	[tilespmem:s20+$0xFFFFFF60] =	vst v6  }
0x2b6: {  	v6 =	vld [tilespmem:s22+$0xFFFFFF70];
	_ =	sdelay $0x2  }
0x2b7: {  	v4 =	vsub.f32 v12, v4  }
0x2b8: {  	v7 =	vsub.f32 v59, v58  }
0x2b9: {  	v60 =	vld [tilespmem:s20+$0x0];
	[tilespmem:s13+$0xFFFFFF70] =	vst v4;
	v6 =	vsub.f32 v6, v9  }
0x2ba: {  	v62 =	vld [tilespmem:s19+$0xFFFFFF80];
	[tilespmem:s20+$0xFFFFFFF0] =	vst v7  }
0x2bb: {  	v61 =	vld [tilespmem:s22+$0x0];
	[tilespmem:s20+$0xFFFFFF70] =	vst v6  }
0x2bc: {  	v6 =	vld [tilespmem:s22+$0xFFFFFF80]  }
0x2bd: {  	v3 =	vsub.f32 v11, v3;
	_ =	sdelay $0x1  }
0x2be: {  	[tilespmem:s10+$0xFFFFFF80] =	vst v3;
	v3 =	vsub.f32 v62, v5  }
0x2bf: {  	s5 =	sshll.u32 s12, $0xD;
	[tilespmem:s13+$0x0] =	vst v14;
	v4 =	vsub.f32 v61, v60  }
0x2c0: {  	s5 =	sor.u32 s8, s5;
	[tilespmem:s13+$0xFFFFFF80] =	vst v3;
	v63 =	vsub.f32 v6, v10  }
0x2c1: {  	s5 =	sshrl.u32 s5, $0x3;
	[tilespmem:s20+$0x0] =	vst v4  }
0x2c2: {  	s23 =	simm.s32 $0x3100;
	s5 =	sadd.s32 s7, s5;
	[tilespmem:s20+$0xFFFFFF80] =	vst v63  }
0x2c3: {  	[hbm4b:s5+s24] =	stream.strided.scatter [tilespmem:s23], [sflag:$0x8], $0x1000, s25, s24, $0x38;
	[tilespmem:$0x1DEA8] =	vst v63  }
0x2c4: {  	s29 =	rddreg [dreg:$0xd]  }
0x2c5: {  	s5 =	sadd.s32 s29, s11  }
0x2c6: {  	p0 =	sgt.u32 s5, $0x1869  }
0x2c7: {  	s10 =	sshll.u32 @!p0 s5, $0x4  }
0x2c8: {  	s11 =	simm.s32 @!p0 $0x0;
	s12 =	simm.s32 @!p0 $0x80;
	s5 =	sshll.u32 @!p0 s5, $0xD  }
.Ltmp16:
0x2c9: {  	s10 =	sadd.s32 @!p0 s2, s10;
	s5 =	sor.u32 @!p0 s8, s5;
	(pc) =	sbr.rel .LBB2_21-.Ltmp16, $4  }
0x2ca: {  	[tilespmem:s12], [sflag:$0x2] =	stream.linear.gather @!p0 [hbm4b:s10+s11], $0x80, $0x38;
	[tilespmem:$0x1DEA8] =	vst v63  }
0x2cb: {  	s5 =	sshrl.u32 @!p0 s5, $0x3;
	s10 =	simm.s32 @!p0 $0x20  }
0x2cc: {  	s11 =	simm.s32 @!p0 $0x40;
	s12 =	simm.s32 @!p0 $0x1100;
	s5 =	sadd.s32 @!p0 s1, s5  }
0x2cd: {  	[tilespmem:s12], [sflag:$0x4] =	stream.strided.gather @!p0 [hbm4b:s5+s10], $0x1000, s11, s10, $0x38;
	[tilespmem:$0x1DEA8] =	vst v63  }
.LBB2_23:
0x2ce: {  	_ =	sfence.sel $0x180000  }
0x2cf: {  	[bflag:$0x0] =	sbarrier.arrive $0xFFFF  }
0x2d0: {  	_ =	strace $0x90000047  }
0x2d1: {  	[bflag:$0x2] =	sbarrier.arrive $0xFFFF  }
0x2d2: {  	p0 =	sne.s32 s6, $0x0;
	s0 =	rddreg [dreg:$0x5]  }
0x2d3: {  	s0 =	sadd.s32 @!p0 $0x100000, s0  }
0x2d4: {  	[sflag:s0] =	ssyncadd.tile.s32 @!p0 $0x1;
	_ =	shalt  }
.Lfunc_end2:
_tile_overlayer_lowered:
.L_overlay_start_2:
0x2d5: {  	(tag) =	ssettag $0x2  }
0x2d6: {  	s0 =	rddreg [dreg:$0x0];
	s2 =	stileid.u32  }
0x2d7: {  	s1 =	rddreg [dreg:$0x1];
	p0 =	sne.s32 s2, $0x0  }
0x2d8: {  	s3 =	rddreg [dreg:$0x2];
	[bflag:$0x3] =	sbarrier.arrive $0xFFFF;
	s2 =	simm.s32 @!p0 $0x1C09  }
0x2d9: {  	[timem:s3], [sflag:s2] =	dma.local @!p0 [hbm:s0], s1  }
0x2da: {  	s0 =	simm.s32 @!p0 $0x9  }
0x2db: {  	_ =	swait.ge @!p0 [sflag:s0], s1  }
0x2dc: {  	s1 =	ssub.s32 @!p0 $0x0, s1;
	[sflag:s0] =	ssyncset.done @!p0 $0x0  }
0x2dd: {  	[sflag:s0] =	ssyncadd.s32 @!p0 s1  }
0x2de: {  	[bflag:$0x3] =	sbarrier.arrive $0xFFFF  }
0x2df: {  	_ =	shalt  }

// kernel: sparse-core-data-format-call.cloned.1.call-start
scs
called_computation_lowered:
.L_overlay_start_0:
0x0: {  	s2 =	sld [smem:$0x3FD9]  }
0x1: {  	s3 =	sld [smem:$0x3FFE];
	_ =	sdelay $0x1  }
0x2: {  	s1 =	srdreg.scid  }
0x3: {  	s0 =	sand.u32 $0x1, s1  }
0x4: {  	s18 =	sshll.u32 s0, $0xA;
	s2 =	sadd.s32 s3, s2  }
0x5: {  	s2 =	sadd.s32 s2, s18  }
0x6: {  	[smem:$0x3FC6] =	sst s2  }
0x7: {  	_ = 	snop  }
0x8: {  	s2 =	sld [smem:$0x3FD0];
	(tm) =	ssettm $0x1  }
0x9: {  	s19 =	sld [smem:$0x3FFB];
	_ =	sdelay $0x3  }
0xa: {  	_ =	strace s19  }
0xb: {  	s3 =	sld [smem:$0x3FFC];
	_ =	sdelay $0x3  }
0xc: {  	_ =	strace s3  }
0xd: {  	s3 =	sld [smem:$0x3FFD];
	_ =	sdelay $0x3  }
0xe: {  	_ =	strace s3  }
0xf: {  	_ =	strace $0x8FFFFFFF  }
0x10: {  	s20 =	sld [smem:$0x3FDB];
	_ =	sdelay $0x1  }
0x11: {  	s4 =	simm.s32 $_scs_section_size  }
0x12: {  	s5 =	simm.s32 $_size__tile_overlayer_lowered;
	s6 =	simm.s32 $_tile_overlayer_lowered  }
0x13: {  	s23 =	simm.s32 $0x1BFF;
	s22 =	sshll.u32 s6, $0x1;
	s3 =	sadd.s32 s4, s20  }
0x14: {  	s7 =	simm.s32 $0x0;
	s21 =	sshll.u32 s5, $0x1;
	s5 =	sadd.s32 s22, s3  }
0x15: {  	[timem:s7], [sflag:s23] =	dma.local [hbm:s5], s21  }
0x16: {  	_ =	swait.ge [sflag:s23], s21  }
0x17: {  	s4 =	ssub.s32 $0x0, s21;
	[sflag:s23] =	ssyncset.done $0x0  }
0x18: {  	[sflag:s23] =	ssyncadd.s32 s4;
	_ =	sdelay $0x1  }
0x19: {  	s24 =	simm.s32 $0x1B8B  }
0x1a: {  	_ =	swait.ge [sflag:s24], $0x1  }
0x1b: {  	[sflag:s24] =	ssyncset.done $0x0  }
0x1c: {  	s26 =	simm.s32 $0x1B8E;
	s25 =	sld [smem:$0x3FFE];
	[sflag:s24] =	ssyncadd.s32 $0xFFFFFFFF  }
0x1d: {  	s27 =	simm.s32 $execute0_lowered;
	[smem:$0x3FD2] =	sst s26  }
0x1e: {  	s5 =	sshll.u32 s27, $0x1;
	_ =	strace $0x80000049;
	[dreg:$0x1] =	wrdreg $0xFFFFFFFF  }
0x1f: {  	s28 =	simm.s32 $_size_execute0_lowered;
	s3 =	sadd.s32 s3, s5;
	[dreg:$0x0] =	wrdreg $0x0  }
0x20: {  	s5 =	sshll.u32 s28, $0x1;
	[dreg:$0x2] =	wrdreg s3  }
0x21: {  	[dreg:$0x3] =	wrdreg s5  }
0x22: {  	[dreg:$0x4] =	wrdreg $0xC0  }
0x23: {  	_ =	task [dreg:s7], $0x5FFFF  }
0x24: {  	[dreg:$0x1] =	wrdreg $0xFFFFFFFF  }
0x25: {  	[dreg:$0x0] =	wrdreg $0x60  }
0x26: {  	[dreg:$0x2] =	wrdreg s25  }
0x27: {  	[dreg:$0x3] =	wrdreg s2  }
0x28: {  	[dreg:$0x4] =	wrdreg $0x9  }
0x29: {  	_ =	task.clear_ibuf [dreg:s7], $0x5FFFF;
	_ =	strace $0x90000049  }
0x2a: {  	s29 =	simm.s32 $0x9;
	_ =	strace $0x8000004B  }
0x2b: {  	_ =	swait.ge [sflag:s29], $0x1  }
0x2c: {  	[sflag:s29] =	ssyncadd.s32 $0xFFFFFFFF  }
0x2d: {  	_ =	strace $0x9000004B  }
0x2e: {  	_ =	sfence  }
0x2f: {  	s30 =	sld [smem:$0x0];
	_ =	sdelay $0x2  }
0x30: {  	s31 =	sshll.u32 s1, $0xD;
	s1 =	sshrl.u32 s1, $0x2  }
0x31: {  	s3 =	sand.u32 $0x4000, s31;
	s1 =	sadd.s32 s1, s30  }
0x32: {  	s0 =	sor.u32 s3, s0;
	s1 =	sshll.u32 s1, $0x11  }
0x33: {  	s0 =	sor.u32 s1, s0  }
0x34: {  	s0 =	sadd.s32 $0x8F2B, s0  }
0x35: {  	[sflag:s0] =	ssyncadd.remote.s32 $0x1  }
0x36: {  	_ =	sfence.sel $0xFFFF  }
0x37: {  	[dreg:$0x0] =	wrdreg $0xFFFFFFFF;
	(pc) =	sbr.abs _section_cstart, $3  }
0x38: {  	[dreg:$0x1] =	wrdreg $0xFFFFFFFF  }
0x39: {  	_ =	task.clear_ibuf [dreg:s7], $0x2FFFF;
	_ =	strace $0x9FFFFFFF  }
0x3a: {  	(tm) =	ssettm $0x7FFFFFFF  }
0x3b: {  	_ =	shalt  }
tec
execute0_lowered:
.L_overlay_start_1:
0x0: {  	(tag) =	ssettag $0x1  }
0x1: {  	s0 =	srdreg.scid  }
0x2: {  	s1 =	sshll.u32 s0, $0x4  }
0x3: {  	s4 =	rddreg [dreg:$0x0];
	s0 =	stileid.u32;
	s1 =	sand.u32 $0x10, s1  }
0x4: {  	s2 =	rddreg [dreg:$0x1];
	s7 =	simm.s32 $0x1;
	s1 =	sor.u32 s0, s1  }
0x5: {  	s8 =	simm.s32 $0x2;
	s11 =	simm.s32 $0x0;
	s3 =	sshll.u32 s1, $0x7  }
0x6: {  	s10 =	simm.s32 $0x0;
	s4 =	sadd.s32 $0x61B000, s4;
	s6 =	ssub.s32 $0xC3500, s3  }
.Ltmp0:
0x7: {  	s1 =	rddreg [dreg:$0x2];
	s5 =	sand.u32 $0xF80, s6;
	(pc) =	sbr.rel .LBB1_1-.Ltmp0, $4  }
0x8: {  	_ =	strace $0x8000004A;
	s9 =	smov.u32 s3;
	p0 =	sne.s32 s5, $0x0  }
0x9: {  	s6 =	sshrl.u32 s6, $0xC;
	s5 =	simm.s32 $0x1;
	s7 =	simm.s32 @!p0 $0x0  }
0xa: {  	[sflag:s5] =	ssyncpa.u1 $0x0;
	p0 =	por $0x0, $0x0;
	s6 =	sadd.s32 s7, s6  }
0xb: {  	[sflag:s8] =	ssyncpa.u1 $0x0;
	s8 =	simm.s32 $0x61A800;
	s7 =	sadd.s32 $0x1, s6  }
.LBB1_4:
0xc: {  	s14 =	sshll.u32 s11, $0x3  }
0xd: {  	s14 =	sand.u32 $0xFFFFFC00, s14  }
0xe: {  	s15 =	sshrl.u32 s14, $0x8  }
0xf: {  	s15 =	smulhi.u32 $0x14F8B59, s15;
	_ =	sdelay $0x1  }
0x10: {  	s15 =	sshrl.u32 s15, $0x4  }
0x11: {  	s28 =	sand.u32 $0x7F, s11;
	s16 =	smul.u32 $0xC3500, s15  }
0x12: {  	s11 =	sor.u32 s28, s14  }
0x13: {  	s29 =	sand.u32 $0x3F, s15;
	s11 =	ssub.s32 s11, s16  }
0x14: {  	[tilespmem:s13+$0x810 ss:$0x81] =	vst.msk $0xffff, v2;
	s14 =	smul.u32 $0x186A0, s29;
	s30 =	sshrl.u32 s11, $0x3;
	s11 =	sand.u32 $0x7, s11  }
0x15: {  	[tilespmem:s13+$0x1020 ss:$0x81] =	vst.msk $0xffff, v0;
	s15 =	sadd.s32 s2, s30;
	s11 =	sshll.u32 s11, $0x12  }
0x16: {  	[tilespmem:s13+$0x0 ss:$0x81] =	vst.msk $0xffff, v1;
	s31 =	sadd.s32 s14, s15;
	s11 =	sor.u32 $0x400, s11  }
0x17: {  	[hbm4b:s31+s11] =	stream.strided.scatter [tilespmem:s12], [sflag:$0x2], $0x2000, s8, s11, $0x20;
	[tilespmem:$0x8080] =	vst v63  }
.LBB1_5:
0x18: {  	s13 =	sadd.s32 $0x1000, s9  }
0x19: {  	p2 =	sgt.s32 s13, $0xC34FF  }
0x1a: {  	s13 =	smov.u32 @p2 s3;
	p2 =	sne.s32 s10, s7  }
.Ltmp1:
0x1b: {  	p1 =	slt.u32 s10, $0x2;
	(pc) =	sbr.rel @!p2 .LBB1_6-.Ltmp1, $4  }
0x1c: {  	s12 =	simm.s32 @!p1 $0x2  }
0x1d: {  	s14 =	sadd.s32 $0x1, s10;
	_ =	swait.ge @!p1 [sflag:s12], $0x2000  }
0x1e: {  	s11 =	smov.u32 s9;
	p0 =	por !p0, !p0;
	[sflag:s12] =	ssyncset.done @!p1 $0x0  }
0x1f: {  	s10 =	smov.u32 s14;
	s9 =	smov.u32 s13;
	[sflag:s12] =	ssyncadd.s32 @!p1 $0xFFFFE000  }
.LBB1_1:
0x20: {  	p1 =	sge.u32 s10, s6  }
0x21: {  	s12 =	sand.u32 @!p1 $0x1FFFFFF, s9  }
0x22: {  	s13 =	smulhi.u32 @!p1 $0x14F8B59, s12;
	_ =	sdelay $0x1  }
0x23: {  	s13 =	sshrl.u32 @!p1 s13, $0xC  }
0x24: {  	s13 =	smul.u32 @!p1 $0xC3500, s13;
	_ =	sdelay $0x1  }
0x25: {  	s31 =	sadd.s32 $0xFFFFFFFF, s10;
	s14 =	sxor.u32 @!p1 $0xFFFFFFFF, s10;
	s12 =	ssub.s32 @!p1 s12, s13  }
0x26: {  	s15 =	simm.s32 @!p1 $0x80;
	s14 =	sshll.u32 @!p1 s14, $0xD;
	s12 =	sshll.u32 @!p1 s12, $0x4  }
0x27: {  	s13 =	sand.u32 @!p1 $0x2000, s14;
	s14 =	simm.s32 @!p1 $0x40;
	s12 =	sadd.s32 @!p1 s4, s12  }
0x28: {  	[tilespmem:s13], [sflag:$0x1] =	stream.strided.gather @!p1 [hbm4b:s12+s14], $0x2000, s15, s14, $0x38;
	[tilespmem:$0x8080] =	vst v63  }
0x29: {  	p1 =	sge.u32 s31, s6  }
.Ltmp2:
0x2a: {  	_ = 	snop;
	(pc) =	sbr.rel @p1 .LBB1_5-.Ltmp2, $1  }
0x2b: {  	_ =	sdelay $0x3  }
0x2c: {  	s12 =	simm.s32 $0x1  }
0x2d: {  	_ =	swait.ge [sflag:s5], $0x2000;
	s12 =	simm.s32 @!p0 $0x0  }
0x2e: {  	[sflag:s5] =	ssyncset.done $0x0;
	s13 =	sshll.u32 s12, $0xD  }
0x2f: {  	[sflag:s5] =	ssyncadd.s32 $0xFFFFE000;
	s16 =	sor.u32 $0x20, s13  }
0x30: {  	s12 =	smul.u32 $0x8100, s12;
	v3 =	vld [tilespmem:s16+$0x10]  }
0x31: {  	s30 =	sand.u32 $0x1, s10;
	v2 =	vld [tilespmem:s16+$0xFFFFFFF0]  }
0x32: {  	s13 =	smul.u32 $0x8100, s30;
	s12 =	sshrl.u32 s12, $0x2;
	v0 =	vld [tilespmem:s16+$0x0]  }
0x33: {  	v1 =	vld [tilespmem:s16+$0xFFFFFFE0];
	s14 =	sor.u32 $0x4000, s12  }
0x34: {  	s31 =	sshrl.u32 s13, $0x2;
	s13 =	sadd.s32 $0x0, s14  }
0x35: {  	s15 =	simm.s32 $0x4;
	s16 =	sadd.s32 $0x40, s16;
	s12 =	sor.u32 $0x4000, s31;
	[tilespmem:s13+$0x1830 ss:$0x81] =	vst.msk $0xffff, v3  }
.LBB1_3:
0x36: {  	v3 =	vld [tilespmem:s16+$0x10];
	p1 =	sne.s32 s15, $0x1FC;
	[tilespmem:s13+$0x810 ss:$0x81] =	vst.msk $0xffff, v2;
	s17 =	smov.u32 s15;
	s15 =	sadd.s32 $0x4, s15  }
.Ltmp3:
0x37: {  	v2 =	vld [tilespmem:s16+$0xFFFFFFF0];
	[tilespmem:s13+$0x1020 ss:$0x81] =	vst.msk $0xffff, v0;
	(pc) =	sbr.rel @p1 .LBB1_3-.Ltmp3, $4  }
0x38: {  	v0 =	vld [tilespmem:s16+$0x0];
	[tilespmem:s13+$0x0 ss:$0x81] =	vst.msk $0xffff, v1  }
0x39: {  	s13 =	sshra.s32 s17, $0x2;
	v1 =	vld [tilespmem:s16+$0xFFFFFFE0]  }
0x3a: {  	s13 =	sadd.s32 s13, s14  }
0x3b: {  	s16 =	sadd.s32 $0x40, s16;
	[tilespmem:s13+$0x1830 ss:$0x81] =	vst.msk $0xffff, v3  }
.Ltmp4:
0x3c: {  	_ = 	snop;
	(pc) =	sbr.rel .LBB1_4-.Ltmp4, $1  }
0x3d: {  	_ =	sdelay $0x3  }
.LBB1_6:
0x3e: {  	_ =	sfence.sel $0x180000  }
0x3f: {  	s2 =	simm.s32 $0x1;
	[bflag:$0x0] =	sbarrier.arrive $0xFFFF  }
0x40: {  	s31 =	simm.s32 $0x2;
	[sflag:s2] =	ssyncpa.u1 $0x1  }
0x41: {  	[sflag:s31] =	ssyncpa.u1 $0x1  }
0x42: {  	p0 =	sne.s32 s0, $0x0;
	_ =	strace $0x9000004A  }
0x43: {  	s0 =	sadd.s32 @!p0 $0x100000, s1;
	[bflag:$0x2] =	sbarrier.arrive $0xFFFF  }
0x44: {  	[sflag:s0] =	ssyncadd.tile.s32 @!p0 $0x1;
	_ =	shalt  }
.Lfunc_end1:
_tile_overlayer_lowered:
.L_overlay_start_2:
0x45: {  	(tag) =	ssettag $0x2  }
0x46: {  	s0 =	rddreg [dreg:$0x0];
	s2 =	stileid.u32  }
0x47: {  	s1 =	rddreg [dreg:$0x1];
	p0 =	sne.s32 s2, $0x0  }
0x48: {  	s3 =	rddreg [dreg:$0x2];
	[bflag:$0x3] =	sbarrier.arrive $0xFFFF;
	s2 =	simm.s32 @!p0 $0x1C01  }
0x49: {  	[timem:s3], [sflag:s2] =	dma.local @!p0 [hbm:s0], s1  }
0x4a: {  	s0 =	simm.s32 @!p0 $0x1  }
0x4b: {  	_ =	swait.ge @!p0 [sflag:s0], s1  }
0x4c: {  	s1 =	ssub.s32 @!p0 $0x0, s1;
	[sflag:s0] =	ssyncset.done @!p0 $0x0  }
0x4d: {  	[sflag:s0] =	ssyncadd.s32 @!p0 s1  }
0x4e: {  	[bflag:$0x3] =	sbarrier.arrive $0xFFFF  }
0x4f: {  	_ =	shalt  }

</sc_bundles>
